<compile_context>
chip_gen: v7x
topology: tpu7x:2x2x1
jax: 0.10.2.dev20260603
libtpu: 0.0.44.dev20260713+nightly
codegen_flags: <defaults>
</compile_context>

<pallas_src>
import functools

import jax
import jax.numpy as jnp
from jax import lax
from jax.experimental import pallas as pl
from jax.experimental.pallas import tpu as pltpu
from jax.experimental.pallas import tpu_sc as plsc

D_MODEL = 1024
N_CHOICE = 1000
N_EMB = 32768
N_ACTORS = 16384

NC_PAD = 1024

SC_CORES = 2
SC_SUBCORES = 16
NW = SC_CORES * SC_SUBCORES

P_PHASE = 4
B_PH = N_ACTORS // P_PHASE
ROWS_PER_W = B_PH // NW
CHUNK = 32
NCHUNKS = ROWS_PER_W // CHUNK

R_BLK = 1024
N_BLK = B_PH // R_BLK


def _sc_gather_body(table_hbm, idx_hbm, out_hbm, idx_v, rows_v, gsem, psem):
    w = lax.axis_index("s") * SC_CORES + lax.axis_index("c")
    base = w * ROWS_PER_W
    pltpu.sync_copy(idx_hbm.at[w], idx_v)
    gets = [None] * NCHUNKS
    puts = [None] * NCHUNKS
    gets[0] = pltpu.async_copy(table_hbm.at[idx_v.at[0]], rows_v.at[0], gsem)
    for k in range(NCHUNKS):
        gets[k].wait()
        if k + 1 < NCHUNKS:
            if k >= 1:
                puts[k - 1].wait()
            gets[k + 1] = pltpu.async_copy(
                table_hbm.at[idx_v.at[k + 1]], rows_v.at[(k + 1) % 2], gsem)
        puts[k] = pltpu.async_copy(
            rows_v.at[k % 2], out_hbm.at[pl.ds(base + k * CHUNK, CHUNK)], psem)
    if NCHUNKS >= 2:
        puts[NCHUNKS - 2].wait()
    puts[NCHUNKS - 1].wait()


@functools.cache
def _sc_gather():
    return pl.kernel(
        _sc_gather_body,
        out_type=jax.ShapeDtypeStruct((B_PH, D_MODEL), jnp.float32),
        mesh=plsc.VectorSubcoreMesh(
            core_axis_name="c", subcore_axis_name="s",
            num_cores=SC_CORES, num_subcores=SC_SUBCORES),
        scratch_types=[
            pltpu.VMEM((NCHUNKS, CHUNK), jnp.int32),
            pltpu.VMEM((2, CHUNK, D_MODEL), jnp.float32),
            pltpu.SemaphoreType.DMA,
            pltpu.SemaphoreType.DMA,
        ],
    )


def _head_body(emb_ref, prev_ref, wt_ref, bias_ref, logp_ref, ent_ref):
    emb = emb_ref[...].astype(jnp.bfloat16)
    logits = jnp.dot(emb, wt_ref[...],
                     preferred_element_type=jnp.float32)
    logits = logits + bias_ref[...]
    e = jnp.exp(logits)
    s = jnp.sum(e, axis=1, keepdims=True)
    lse = jnp.log(s)
    ent_ref[...] = lse - jnp.sum(e * logits, axis=1, keepdims=True) / s
    prev = prev_ref[...]
    cols = lax.broadcasted_iota(jnp.int32, logits.shape, 1)
    sel = jnp.sum(jnp.where(cols == prev, logits, 0.0), axis=1, keepdims=True)
    logp_ref[...] = sel - lse


def _head(emb, prev2d, wt, bias2d):
    return pl.pallas_call(
        _head_body,
        grid=(N_BLK,),
        in_specs=[
            pl.BlockSpec((R_BLK, D_MODEL), lambda i: (i, 0)),
            pl.BlockSpec((R_BLK, 1), lambda i: (i, 0)),
            pl.BlockSpec((D_MODEL, NC_PAD), lambda i: (0, 0)),
            pl.BlockSpec((1, NC_PAD), lambda i: (0, 0)),
        ],
        out_specs=[
            pl.BlockSpec((R_BLK, 1), lambda i: (i, 0)),
            pl.BlockSpec((R_BLK, 1), lambda i: (i, 0)),
        ],
        out_shape=[
            jax.ShapeDtypeStruct((B_PH, 1), jnp.float32),
            jax.ShapeDtypeStruct((B_PH, 1), jnp.float32),
        ],
        compiler_params=pltpu.CompilerParams(
            dimension_semantics=("arbitrary",)),
    )(emb, prev2d, wt, bias2d)


def kernel(x_data, actors, prev_actions, W, b):
    actors4d = actors.astype(jnp.int32).reshape(P_PHASE, NW, NCHUNKS, CHUNK)
    wt = jnp.pad(W, ((0, NC_PAD - N_CHOICE), (0, 0))).T.astype(jnp.bfloat16)
    bias2d = jnp.concatenate(
        [b, jnp.full((NC_PAD - N_CHOICE,), -1e30, jnp.float32)])[None, :]
    prev3d = prev_actions.astype(jnp.int32).reshape(P_PHASE, B_PH, 1)
    gather = _sc_gather()
    embs = [gather(x_data, actors4d[p]) for p in range(P_PHASE)]
    logps, ents = [], []
    for p in range(P_PHASE):
        logp2d, ent2d = _head(embs[p], prev3d[p], wt, bias2d)
        logps.append(logp2d[:, 0])
        ents.append(ent2d[:, 0])
    return (prev_actions,
            jnp.concatenate(logps), jnp.concatenate(ents))

# --- scband reference (transcript-rebuilt; emitter-appended) ---
"""Pipeline reference for scband-categorical-action-head-9612136808864 (READ-ONLY COPY).

The authoritative reference and input builder live on the scoring server;
editing this copy changes nothing except your own understanding.
"""

import jax, jax.numpy as jnp
import numpy as np

D_MODEL = 1024
N_CHOICE = 1000
N_EMB = 32768
N_ACTORS = 16384


def setup_inputs(seed: int = 0) -> dict:
    key = jax.random.key(seed)
    k1, k2, k3, k4, k5 = jax.random.split(key, 5)
    x_data = jax.random.normal(k1, (N_EMB, D_MODEL), dtype=jnp.float32)
    actors = jax.random.randint(k2, (N_ACTORS,), 0, N_EMB)
    prev_actions = jax.random.randint(k3, (N_ACTORS,), 0, N_CHOICE)
    # nn.Linear(d_model, n_choice) with orthogonal init std=0.01, zero bias
    W = jax.random.normal(k4, (N_CHOICE, D_MODEL), dtype=jnp.float32) * 0.01
    b = jnp.zeros((N_CHOICE,), dtype=jnp.float32)
    return {"x_data": x_data, "actors": actors, "prev_actions": prev_actions, "W": W, "b": b}


def reference(x_data, actors, prev_actions, W, b):
    # gather actor embeddings (x.data[x.index_map[actors]] -> modeled as direct gather)
    actor_embeds = jnp.take(x_data, actors, axis=0)
    # logits = self.proj(actor_embeds)
    logits = actor_embeds @ W.T + b
    # Categorical(logits=logits): normalized log-probs
    logp = jax.nn.log_softmax(logits, axis=-1)
    # prev_actions is not None -> action = prev_actions
    action = prev_actions
    # dist.log_prob(action)
    logprob = jnp.take_along_axis(logp, action[:, None], axis=1)[:, 0]
    # dist.entropy()
    p = jnp.exp(logp)
    entropy = -jnp.sum(p * logp, axis=-1)
    return (action, logprob, entropy)

if __name__ == "__main__":
    import jax
    _d = setup_inputs()
    print(jax.jit(kernel)(*tuple(_d.values())))

</pallas_src>

<mosaic_0001>
#map = affine_map<(d0, d1) -> (0, 0)>
#map1 = affine_map<(d0, d1) -> (0, 0, 0)>
module attributes {stable_mosaic.version = 14 : i64} {
  func.func @_sc_gather_body(%arg0: i32, %arg1: i32, %arg2: memref<32768x1024xf32, #tpu.memory_space<hbm>>, %arg3: memref<32x4x32xi32, #tpu.memory_space<hbm>>, %arg4: memref<4096x1024xf32, #tpu.memory_space<hbm>>, %arg5: memref<4x32xi32, #tpu.memory_space<vmem>>, %arg6: memref<2x32x1024xf32, #tpu.memory_space<vmem>>, %arg7: memref<!tpu.dma_semaphore, #tpu.memory_space<semaphore_mem>>, %arg8: memref<!tpu.dma_semaphore, #tpu.memory_space<semaphore_mem>>) attributes {dimension_semantics = [#tpu.dimension_semantics<core_parallel>, #tpu.dimension_semantics<subcore_parallel>], iteration_bounds = array<i64: 2, 16>, scalar_prefetch = 0 : i64, scratch_operands = 4 : i64, tpu.core_type = #tpu.core_type<sc_vector_subcore>, window_params = [{transform_indices = #map}, {transform_indices = #map1}, {transform_indices = #map}]} {
    %mul3A = arith.constant 2 : i32
    %mul3A_0 = arith.muli %arg1, %mul3A : i32
    %add3A = arith.addi %mul3A_0, %arg0 : i32
    %mul3A_1 = arith.constant 128 : i32
    %mul3A_2 = arith.muli %add3A, %mul3A_1 : i32
    "tpu.region"() ({
      %run_scoped3A = tpu.sem_alloc : memref<!tpu.dma_semaphore, #tpu.memory_space<semaphore_mem>>
      %dma_start3A_209 = arith.constant 0 : i32
      %dma_start3A_210 = arith.constant 0 : i32
      %dma_start3A_211 = tpu.memref_slice %arg3[%add3A, %dma_start3A_209, %dma_start3A_210] : memref<32x4x32xi32, #tpu.memory_space<hbm>> -> memref<1x4x32xi32, #tpu.memory_space<hbm>>
      %dma_start3A_212 = tpu.memref_squeeze %dma_start3A_211 : memref<1x4x32xi32, #tpu.memory_space<hbm>> -> memref<4x32xi32, #tpu.memory_space<hbm>>
      %dma_start3A_213 = arith.constant 0 : i32
      %dma_start3A_214 = arith.constant 0 : i32
      %dma_start3A_215 = tpu.memref_slice %arg3[%add3A, %dma_start3A_213, %dma_start3A_214] : memref<32x4x32xi32, #tpu.memory_space<hbm>> -> memref<1x4x32xi32, #tpu.memory_space<hbm>>
      %dma_start3A_216 = tpu.memref_squeeze %dma_start3A_215 : memref<1x4x32xi32, #tpu.memory_space<hbm>> -> memref<4x32xi32, #tpu.memory_space<hbm>>
      tpu.enqueue_dma source(%dma_start3A_216 : memref<4x32xi32, #tpu.memory_space<hbm>>) target(%arg5 : memref<4x32xi32, #tpu.memory_space<vmem>>) target_semaphore(%run_scoped3A : memref<!tpu.dma_semaphore, #tpu.memory_space<semaphore_mem>>)
      %dma_wait3A_217 = arith.constant 0 : i32
      %dma_wait3A_218 = arith.constant 0 : i32
      %dma_wait3A_219 = tpu.memref_slice %arg3[%add3A, %dma_wait3A_217, %dma_wait3A_218] : memref<32x4x32xi32, #tpu.memory_space<hbm>> -> memref<1x4x32xi32, #tpu.memory_space<hbm>>
      %dma_wait3A_220 = tpu.memref_squeeze %dma_wait3A_219 : memref<1x4x32xi32, #tpu.memory_space<hbm>> -> memref<4x32xi32, #tpu.memory_space<hbm>>
      %dma_wait3A_221 = arith.constant 0 : i32
      %dma_wait3A_222 = arith.constant 0 : i32
      %dma_wait3A_223 = tpu.memref_slice %arg3[%add3A, %dma_wait3A_221, %dma_wait3A_222] : memref<32x4x32xi32, #tpu.memory_space<hbm>> -> memref<1x4x32xi32, #tpu.memory_space<hbm>>
      %dma_wait3A_224 = tpu.memref_squeeze %dma_wait3A_223 : memref<1x4x32xi32, #tpu.memory_space<hbm>> -> memref<4x32xi32, #tpu.memory_space<hbm>>
      tpu.wait_dma2 semaphore(%run_scoped3A : memref<!tpu.dma_semaphore, #tpu.memory_space<semaphore_mem>>) src(%dma_wait3A_224 : memref<4x32xi32, #tpu.memory_space<hbm>>) dst(%arg5 : memref<4x32xi32, #tpu.memory_space<vmem>>)
      tpu.yield
    }) : () -> ()
    %dma_start3A = arith.constant 0 : i32
    %dma_start3A_3 = arith.constant 0 : i32
    %dma_start3A_4 = arith.constant 0 : i32
    %dma_start3A_5 = arith.constant 0 : i32
    %dma_start3A_6 = tpu.memref_slice %arg6[%dma_start3A_3, %dma_start3A_4, %dma_start3A_5] : memref<2x32x1024xf32, #tpu.memory_space<vmem>> -> memref<1x32x1024xf32, #tpu.memory_space<vmem>>
    %dma_start3A_7 = tpu.memref_squeeze %dma_start3A_6 : memref<1x32x1024xf32, #tpu.memory_space<vmem>> -> memref<32x1024xf32, #tpu.memory_space<vmem>>
    %dma_start3A_8 = arith.constant 0 : i32
    %dma_start3A_9 = tpu.memref_slice %arg5[%dma_start3A, %dma_start3A_8] : memref<4x32xi32, #tpu.memory_space<vmem>> -> memref<1x32xi32, #tpu.memory_space<vmem>>
    %dma_start3A_10 = tpu.memref_squeeze %dma_start3A_9 : memref<1x32xi32, #tpu.memory_space<vmem>> -> memref<32xi32, #tpu.memory_space<vmem>>
    %dma_start3A_11 = arith.constant 0 : i32
    %dma_start3A_12 = arith.constant 0 : i32
    %dma_start3A_13 = tpu.memref_slice %arg2[%dma_start3A_11, %dma_start3A_12] : memref<32768x1024xf32, #tpu.memory_space<hbm>> -> memref<32768x1024xf32, #tpu.memory_space<hbm>>
    tpu.enqueue_indirect_dma source(%dma_start3A_13 : memref<32768x1024xf32, #tpu.memory_space<hbm>>) target(%dma_start3A_7 : memref<32x1024xf32, #tpu.memory_space<vmem>>) offsets(%dma_start3A_10 : memref<32xi32, #tpu.memory_space<vmem>>) semaphore(%arg7 : memref<!tpu.dma_semaphore, #tpu.memory_space<semaphore_mem>>)
    %dma_wait3A = arith.constant 0 : i32
    %dma_wait3A_14 = arith.constant 0 : i32
    %dma_wait3A_15 = arith.constant 0 : i32
    %dma_wait3A_16 = arith.constant 0 : i32
    %dma_wait3A_17 = tpu.memref_slice %arg6[%dma_wait3A_14, %dma_wait3A_15, %dma_wait3A_16] : memref<2x32x1024xf32, #tpu.memory_space<vmem>> -> memref<1x32x1024xf32, #tpu.memory_space<vmem>>
    %dma_wait3A_18 = tpu.memref_squeeze %dma_wait3A_17 : memref<1x32x1024xf32, #tpu.memory_space<vmem>> -> memref<32x1024xf32, #tpu.memory_space<vmem>>
    %dma_wait3A_19 = arith.constant 0 : i32
    %dma_wait3A_20 = tpu.memref_slice %arg5[%dma_wait3A, %dma_wait3A_19] : memref<4x32xi32, #tpu.memory_space<vmem>> -> memref<1x32xi32, #tpu.memory_space<vmem>>
    %dma_wait3A_21 = tpu.memref_squeeze %dma_wait3A_20 : memref<1x32xi32, #tpu.memory_space<vmem>> -> memref<32xi32, #tpu.memory_space<vmem>>
    %dma_wait3A_22 = arith.constant 0 : i32
    %dma_wait3A_23 = arith.constant 0 : i32
    %dma_wait3A_24 = tpu.memref_slice %arg2[%dma_wait3A_22, %dma_wait3A_23] : memref<32768x1024xf32, #tpu.memory_space<hbm>> -> memref<32768x1024xf32, #tpu.memory_space<hbm>>
    tpu.wait_indirect_dma semaphore(%arg7 : memref<!tpu.dma_semaphore, #tpu.memory_space<semaphore_mem>>) src(%dma_wait3A_24 : memref<32768x1024xf32, #tpu.memory_space<hbm>>) dst(%dma_wait3A_18 : memref<32x1024xf32, #tpu.memory_space<vmem>>)
    %dma_start3A_25 = arith.constant 1 : i32
    %dma_start3A_26 = arith.constant 1 : i32
    %dma_start3A_27 = arith.constant 0 : i32
    %dma_start3A_28 = arith.constant 0 : i32
    %dma_start3A_29 = tpu.memref_slice %arg6[%dma_start3A_26, %dma_start3A_27, %dma_start3A_28] : memref<2x32x1024xf32, #tpu.memory_space<vmem>> -> memref<1x32x1024xf32, #tpu.memory_space<vmem>>
    %dma_start3A_30 = tpu.memref_squeeze %dma_start3A_29 : memref<1x32x1024xf32, #tpu.memory_space<vmem>> -> memref<32x1024xf32, #tpu.memory_space<vmem>>
    %dma_start3A_31 = arith.constant 0 : i32
    %dma_start3A_32 = tpu.memref_slice %arg5[%dma_start3A_25, %dma_start3A_31] : memref<4x32xi32, #tpu.memory_space<vmem>> -> memref<1x32xi32, #tpu.memory_space<vmem>>
    %dma_start3A_33 = tpu.memref_squeeze %dma_start3A_32 : memref<1x32xi32, #tpu.memory_space<vmem>> -> memref<32xi32, #tpu.memory_space<vmem>>
    %dma_start3A_34 = arith.constant 0 : i32
    %dma_start3A_35 = arith.constant 0 : i32
    %dma_start3A_36 = tpu.memref_slice %arg2[%dma_start3A_34, %dma_start3A_35] : memref<32768x1024xf32, #tpu.memory_space<hbm>> -> memref<32768x1024xf32, #tpu.memory_space<hbm>>
    tpu.enqueue_indirect_dma source(%dma_start3A_36 : memref<32768x1024xf32, #tpu.memory_space<hbm>>) target(%dma_start3A_30 : memref<32x1024xf32, #tpu.memory_space<vmem>>) offsets(%dma_start3A_33 : memref<32xi32, #tpu.memory_space<vmem>>) semaphore(%arg7 : memref<!tpu.dma_semaphore, #tpu.memory_space<semaphore_mem>>)
    %add3A_37 = arith.constant 0 : i32
    %add3A_38 = arith.addi %mul3A_2, %add3A_37 : i32
    %dma_start3A_39 = arith.constant 0 : i32
    %dma_start3A_40 = arith.constant 0 : i32
    %dma_start3A_41 = arith.constant 0 : i32
    %dma_start3A_42 = tpu.memref_slice %arg6[%dma_start3A_39, %dma_start3A_40, %dma_start3A_41] : memref<2x32x1024xf32, #tpu.memory_space<vmem>> -> memref<1x32x1024xf32, #tpu.memory_space<vmem>>
    %dma_start3A_43 = tpu.memref_squeeze %dma_start3A_42 : memref<1x32x1024xf32, #tpu.memory_space<vmem>> -> memref<32x1024xf32, #tpu.memory_space<vmem>>
    %dma_start3A_44 = arith.constant 0 : i32
    %dma_start3A_45 = tpu.memref_slice %arg4[%add3A_38, %dma_start3A_44] : memref<4096x1024xf32, #tpu.memory_space<hbm>> -> memref<32x1024xf32, #tpu.memory_space<hbm>>
    %dma_start3A_46 = arith.constant 0 : i32
    %dma_start3A_47 = tpu.memref_slice %arg4[%add3A_38, %dma_start3A_46] : memref<4096x1024xf32, #tpu.memory_space<hbm>> -> memref<32x1024xf32, #tpu.memory_space<hbm>>
    %dma_start3A_48 = arith.constant 0 : i32
    %dma_start3A_49 = arith.constant 0 : i32
    %dma_start3A_50 = tpu.memref_slice %arg6[%dma_start3A_39, %dma_start3A_48, %dma_start3A_49] : memref<2x32x1024xf32, #tpu.memory_space<vmem>> -> memref<1x32x1024xf32, #tpu.memory_space<vmem>>
    %dma_start3A_51 = tpu.memref_squeeze %dma_start3A_50 : memref<1x32x1024xf32, #tpu.memory_space<vmem>> -> memref<32x1024xf32, #tpu.memory_space<vmem>>
    tpu.enqueue_dma source(%dma_start3A_51 : memref<32x1024xf32, #tpu.memory_space<vmem>>) target(%dma_start3A_47 : memref<32x1024xf32, #tpu.memory_space<hbm>>) target_semaphore(%arg8 : memref<!tpu.dma_semaphore, #tpu.memory_space<semaphore_mem>>)
    %dma_wait3A_52 = arith.constant 1 : i32
    %dma_wait3A_53 = arith.constant 1 : i32
    %dma_wait3A_54 = arith.constant 0 : i32
    %dma_wait3A_55 = arith.constant 0 : i32
    %dma_wait3A_56 = tpu.memref_slice %arg6[%dma_wait3A_53, %dma_wait3A_54, %dma_wait3A_55] : memref<2x32x1024xf32, #tpu.memory_space<vmem>> -> memref<1x32x1024xf32, #tpu.memory_space<vmem>>
    %dma_wait3A_57 = tpu.memref_squeeze %dma_wait3A_56 : memref<1x32x1024xf32, #tpu.memory_space<vmem>> -> memref<32x1024xf32, #tpu.memory_space<vmem>>
    %dma_wait3A_58 = arith.constant 0 : i32
    %dma_wait3A_59 = tpu.memref_slice %arg5[%dma_wait3A_52, %dma_wait3A_58] : memref<4x32xi32, #tpu.memory_space<vmem>> -> memref<1x32xi32, #tpu.memory_space<vmem>>
    %dma_wait3A_60 = tpu.memref_squeeze %dma_wait3A_59 : memref<1x32xi32, #tpu.memory_space<vmem>> -> memref<32xi32, #tpu.memory_space<vmem>>
    %dma_wait3A_61 = arith.constant 0 : i32
    %dma_wait3A_62 = arith.constant 0 : i32
    %dma_wait3A_63 = tpu.memref_slice %arg2[%dma_wait3A_61, %dma_wait3A_62] : memref<32768x1024xf32, #tpu.memory_space<hbm>> -> memref<32768x1024xf32, #tpu.memory_space<hbm>>
    tpu.wait_indirect_dma semaphore(%arg7 : memref<!tpu.dma_semaphore, #tpu.memory_space<semaphore_mem>>) src(%dma_wait3A_63 : memref<32768x1024xf32, #tpu.memory_space<hbm>>) dst(%dma_wait3A_57 : memref<32x1024xf32, #tpu.memory_space<vmem>>)
    %dma_wait3A_64 = arith.constant 0 : i32
    %dma_wait3A_65 = arith.constant 0 : i32
    %dma_wait3A_66 = arith.constant 0 : i32
    %dma_wait3A_67 = tpu.memref_slice %arg6[%dma_wait3A_64, %dma_wait3A_65, %dma_wait3A_66] : memref<2x32x1024xf32, #tpu.memory_space<vmem>> -> memref<1x32x1024xf32, #tpu.memory_space<vmem>>
    %dma_wait3A_68 = tpu.memref_squeeze %dma_wait3A_67 : memref<1x32x1024xf32, #tpu.memory_space<vmem>> -> memref<32x1024xf32, #tpu.memory_space<vmem>>
    %dma_wait3A_69 = arith.constant 0 : i32
    %dma_wait3A_70 = tpu.memref_slice %arg4[%add3A_38, %dma_wait3A_69] : memref<4096x1024xf32, #tpu.memory_space<hbm>> -> memref<32x1024xf32, #tpu.memory_space<hbm>>
    %dma_wait3A_71 = arith.constant 0 : i32
    %dma_wait3A_72 = tpu.memref_slice %arg4[%add3A_38, %dma_wait3A_71] : memref<4096x1024xf32, #tpu.memory_space<hbm>> -> memref<32x1024xf32, #tpu.memory_space<hbm>>
    %dma_wait3A_73 = arith.constant 0 : i32
    %dma_wait3A_74 = arith.constant 0 : i32
    %dma_wait3A_75 = tpu.memref_slice %arg6[%dma_wait3A_64, %dma_wait3A_73, %dma_wait3A_74] : memref<2x32x1024xf32, #tpu.memory_space<vmem>> -> memref<1x32x1024xf32, #tpu.memory_space<vmem>>
    %dma_wait3A_76 = tpu.memref_squeeze %dma_wait3A_75 : memref<1x32x1024xf32, #tpu.memory_space<vmem>> -> memref<32x1024xf32, #tpu.memory_space<vmem>>
    tpu.wait_dma2 semaphore(%arg8 : memref<!tpu.dma_semaphore, #tpu.memory_space<semaphore_mem>>) src(%dma_wait3A_76 : memref<32x1024xf32, #tpu.memory_space<vmem>>) dst(%dma_wait3A_72 : memref<32x1024xf32, #tpu.memory_space<hbm>>)
    %dma_start3A_77 = arith.constant 2 : i32
    %dma_start3A_78 = arith.constant 0 : i32
    %dma_start3A_79 = arith.constant 0 : i32
    %dma_start3A_80 = arith.constant 0 : i32
    %dma_start3A_81 = tpu.memref_slice %arg6[%dma_start3A_78, %dma_start3A_79, %dma_start3A_80] : memref<2x32x1024xf32, #tpu.memory_space<vmem>> -> memref<1x32x1024xf32, #tpu.memory_space<vmem>>
    %dma_start3A_82 = tpu.memref_squeeze %dma_start3A_81 : memref<1x32x1024xf32, #tpu.memory_space<vmem>> -> memref<32x1024xf32, #tpu.memory_space<vmem>>
    %dma_start3A_83 = arith.constant 0 : i32
    %dma_start3A_84 = tpu.memref_slice %arg5[%dma_start3A_77, %dma_start3A_83] : memref<4x32xi32, #tpu.memory_space<vmem>> -> memref<1x32xi32, #tpu.memory_space<vmem>>
    %dma_start3A_85 = tpu.memref_squeeze %dma_start3A_84 : memref<1x32xi32, #tpu.memory_space<vmem>> -> memref<32xi32, #tpu.memory_space<vmem>>
    %dma_start3A_86 = arith.constant 0 : i32
    %dma_start3A_87 = arith.constant 0 : i32
    %dma_start3A_88 = tpu.memref_slice %arg2[%dma_start3A_86, %dma_start3A_87] : memref<32768x1024xf32, #tpu.memory_space<hbm>> -> memref<32768x1024xf32, #tpu.memory_space<hbm>>
    tpu.enqueue_indirect_dma source(%dma_start3A_88 : memref<32768x1024xf32, #tpu.memory_space<hbm>>) target(%dma_start3A_82 : memref<32x1024xf32, #tpu.memory_space<vmem>>) offsets(%dma_start3A_85 : memref<32xi32, #tpu.memory_space<vmem>>) semaphore(%arg7 : memref<!tpu.dma_semaphore, #tpu.memory_space<semaphore_mem>>)
    %add3A_89 = arith.constant 32 : i32
    %add3A_90 = arith.addi %mul3A_2, %add3A_89 : i32
    %dma_start3A_91 = arith.constant 1 : i32
    %dma_start3A_92 = arith.constant 0 : i32
    %dma_start3A_93 = arith.constant 0 : i32
    %dma_start3A_94 = tpu.memref_slice %arg6[%dma_start3A_91, %dma_start3A_92, %dma_start3A_93] : memref<2x32x1024xf32, #tpu.memory_space<vmem>> -> memref<1x32x1024xf32, #tpu.memory_space<vmem>>
    %dma_start3A_95 = tpu.memref_squeeze %dma_start3A_94 : memref<1x32x1024xf32, #tpu.memory_space<vmem>> -> memref<32x1024xf32, #tpu.memory_space<vmem>>
    %dma_start3A_96 = arith.constant 0 : i32
    %dma_start3A_97 = tpu.memref_slice %arg4[%add3A_90, %dma_start3A_96] : memref<4096x1024xf32, #tpu.memory_space<hbm>> -> memref<32x1024xf32, #tpu.memory_space<hbm>>
    %dma_start3A_98 = arith.constant 0 : i32
    %dma_start3A_99 = tpu.memref_slice %arg4[%add3A_90, %dma_start3A_98] : memref<4096x1024xf32, #tpu.memory_space<hbm>> -> memref<32x1024xf32, #tpu.memory_space<hbm>>
    %dma_start3A_100 = arith.constant 0 : i32
    %dma_start3A_101 = arith.constant 0 : i32
    %dma_start3A_102 = tpu.memref_slice %arg6[%dma_start3A_91, %dma_start3A_100, %dma_start3A_101] : memref<2x32x1024xf32, #tpu.memory_space<vmem>> -> memref<1x32x1024xf32, #tpu.memory_space<vmem>>
    %dma_start3A_103 = tpu.memref_squeeze %dma_start3A_102 : memref<1x32x1024xf32, #tpu.memory_space<vmem>> -> memref<32x1024xf32, #tpu.memory_space<vmem>>
    tpu.enqueue_dma source(%dma_start3A_103 : memref<32x1024xf32, #tpu.memory_space<vmem>>) target(%dma_start3A_99 : memref<32x1024xf32, #tpu.memory_space<hbm>>) target_semaphore(%arg8 : memref<!tpu.dma_semaphore, #tpu.memory_space<semaphore_mem>>)
    %dma_wait3A_104 = arith.constant 2 : i32
    %dma_wait3A_105 = arith.constant 0 : i32
    %dma_wait3A_106 = arith.constant 0 : i32
    %dma_wait3A_107 = arith.constant 0 : i32
    %dma_wait3A_108 = tpu.memref_slice %arg6[%dma_wait3A_105, %dma_wait3A_106, %dma_wait3A_107] : memref<2x32x1024xf32, #tpu.memory_space<vmem>> -> memref<1x32x1024xf32, #tpu.memory_space<vmem>>
    %dma_wait3A_109 = tpu.memref_squeeze %dma_wait3A_108 : memref<1x32x1024xf32, #tpu.memory_space<vmem>> -> memref<32x1024xf32, #tpu.memory_space<vmem>>
    %dma_wait3A_110 = arith.constant 0 : i32
    %dma_wait3A_111 = tpu.memref_slice %arg5[%dma_wait3A_104, %dma_wait3A_110] : memref<4x32xi32, #tpu.memory_space<vmem>> -> memref<1x32xi32, #tpu.memory_space<vmem>>
    %dma_wait3A_112 = tpu.memref_squeeze %dma_wait3A_111 : memref<1x32xi32, #tpu.memory_space<vmem>> -> memref<32xi32, #tpu.memory_space<vmem>>
    %dma_wait3A_113 = arith.constant 0 : i32
    %dma_wait3A_114 = arith.constant 0 : i32
    %dma_wait3A_115 = tpu.memref_slice %arg2[%dma_wait3A_113, %dma_wait3A_114] : memref<32768x1024xf32, #tpu.memory_space<hbm>> -> memref<32768x1024xf32, #tpu.memory_space<hbm>>
    tpu.wait_indirect_dma semaphore(%arg7 : memref<!tpu.dma_semaphore, #tpu.memory_space<semaphore_mem>>) src(%dma_wait3A_115 : memref<32768x1024xf32, #tpu.memory_space<hbm>>) dst(%dma_wait3A_109 : memref<32x1024xf32, #tpu.memory_space<vmem>>)
    %dma_wait3A_116 = arith.constant 1 : i32
    %dma_wait3A_117 = arith.constant 0 : i32
    %dma_wait3A_118 = arith.constant 0 : i32
    %dma_wait3A_119 = tpu.memref_slice %arg6[%dma_wait3A_116, %dma_wait3A_117, %dma_wait3A_118] : memref<2x32x1024xf32, #tpu.memory_space<vmem>> -> memref<1x32x1024xf32, #tpu.memory_space<vmem>>
    %dma_wait3A_120 = tpu.memref_squeeze %dma_wait3A_119 : memref<1x32x1024xf32, #tpu.memory_space<vmem>> -> memref<32x1024xf32, #tpu.memory_space<vmem>>
    %dma_wait3A_121 = arith.constant 0 : i32
    %dma_wait3A_122 = tpu.memref_slice %arg4[%add3A_90, %dma_wait3A_121] : memref<4096x1024xf32, #tpu.memory_space<hbm>> -> memref<32x1024xf32, #tpu.memory_space<hbm>>
    %dma_wait3A_123 = arith.constant 0 : i32
    %dma_wait3A_124 = tpu.memref_slice %arg4[%add3A_90, %dma_wait3A_123] : memref<4096x1024xf32, #tpu.memory_space<hbm>> -> memref<32x1024xf32, #tpu.memory_space<hbm>>
    %dma_wait3A_125 = arith.constant 0 : i32
    %dma_wait3A_126 = arith.constant 0 : i32
    %dma_wait3A_127 = tpu.memref_slice %arg6[%dma_wait3A_116, %dma_wait3A_125, %dma_wait3A_126] : memref<2x32x1024xf32, #tpu.memory_space<vmem>> -> memref<1x32x1024xf32, #tpu.memory_space<vmem>>
    %dma_wait3A_128 = tpu.memref_squeeze %dma_wait3A_127 : memref<1x32x1024xf32, #tpu.memory_space<vmem>> -> memref<32x1024xf32, #tpu.memory_space<vmem>>
    tpu.wait_dma2 semaphore(%arg8 : memref<!tpu.dma_semaphore, #tpu.memory_space<semaphore_mem>>) src(%dma_wait3A_128 : memref<32x1024xf32, #tpu.memory_space<vmem>>) dst(%dma_wait3A_124 : memref<32x1024xf32, #tpu.memory_space<hbm>>)
    %dma_start3A_129 = arith.constant 3 : i32
    %dma_start3A_130 = arith.constant 1 : i32
    %dma_start3A_131 = arith.constant 0 : i32
    %dma_start3A_132 = arith.constant 0 : i32
    %dma_start3A_133 = tpu.memref_slice %arg6[%dma_start3A_130, %dma_start3A_131, %dma_start3A_132] : memref<2x32x1024xf32, #tpu.memory_space<vmem>> -> memref<1x32x1024xf32, #tpu.memory_space<vmem>>
    %dma_start3A_134 = tpu.memref_squeeze %dma_start3A_133 : memref<1x32x1024xf32, #tpu.memory_space<vmem>> -> memref<32x1024xf32, #tpu.memory_space<vmem>>
    %dma_start3A_135 = arith.constant 0 : i32
    %dma_start3A_136 = tpu.memref_slice %arg5[%dma_start3A_129, %dma_start3A_135] : memref<4x32xi32, #tpu.memory_space<vmem>> -> memref<1x32xi32, #tpu.memory_space<vmem>>
    %dma_start3A_137 = tpu.memref_squeeze %dma_start3A_136 : memref<1x32xi32, #tpu.memory_space<vmem>> -> memref<32xi32, #tpu.memory_space<vmem>>
    %dma_start3A_138 = arith.constant 0 : i32
    %dma_start3A_139 = arith.constant 0 : i32
    %dma_start3A_140 = tpu.memref_slice %arg2[%dma_start3A_138, %dma_start3A_139] : memref<32768x1024xf32, #tpu.memory_space<hbm>> -> memref<32768x1024xf32, #tpu.memory_space<hbm>>
    tpu.enqueue_indirect_dma source(%dma_start3A_140 : memref<32768x1024xf32, #tpu.memory_space<hbm>>) target(%dma_start3A_134 : memref<32x1024xf32, #tpu.memory_space<vmem>>) offsets(%dma_start3A_137 : memref<32xi32, #tpu.memory_space<vmem>>) semaphore(%arg7 : memref<!tpu.dma_semaphore, #tpu.memory_space<semaphore_mem>>)
    %add3A_141 = arith.constant 64 : i32
    %add3A_142 = arith.addi %mul3A_2, %add3A_141 : i32
    %dma_start3A_143 = arith.constant 0 : i32
    %dma_start3A_144 = arith.constant 0 : i32
    %dma_start3A_145 = arith.constant 0 : i32
    %dma_start3A_146 = tpu.memref_slice %arg6[%dma_start3A_143, %dma_start3A_144, %dma_start3A_145] : memref<2x32x1024xf32, #tpu.memory_space<vmem>> -> memref<1x32x1024xf32, #tpu.memory_space<vmem>>
    %dma_start3A_147 = tpu.memref_squeeze %dma_start3A_146 : memref<1x32x1024xf32, #tpu.memory_space<vmem>> -> memref<32x1024xf32, #tpu.memory_space<vmem>>
    %dma_start3A_148 = arith.constant 0 : i32
    %dma_start3A_149 = tpu.memref_slice %arg4[%add3A_142, %dma_start3A_148] : memref<4096x1024xf32, #tpu.memory_space<hbm>> -> memref<32x1024xf32, #tpu.memory_space<hbm>>
    %dma_start3A_150 = arith.constant 0 : i32
    %dma_start3A_151 = tpu.memref_slice %arg4[%add3A_142, %dma_start3A_150] : memref<4096x1024xf32, #tpu.memory_space<hbm>> -> memref<32x1024xf32, #tpu.memory_space<hbm>>
    %dma_start3A_152 = arith.constant 0 : i32
    %dma_start3A_153 = arith.constant 0 : i32
    %dma_start3A_154 = tpu.memref_slice %arg6[%dma_start3A_143, %dma_start3A_152, %dma_start3A_153] : memref<2x32x1024xf32, #tpu.memory_space<vmem>> -> memref<1x32x1024xf32, #tpu.memory_space<vmem>>
    %dma_start3A_155 = tpu.memref_squeeze %dma_start3A_154 : memref<1x32x1024xf32, #tpu.memory_space<vmem>> -> memref<32x1024xf32, #tpu.memory_space<vmem>>
    tpu.enqueue_dma source(%dma_start3A_155 : memref<32x1024xf32, #tpu.memory_space<vmem>>) target(%dma_start3A_151 : memref<32x1024xf32, #tpu.memory_space<hbm>>) target_semaphore(%arg8 : memref<!tpu.dma_semaphore, #tpu.memory_space<semaphore_mem>>)
    %dma_wait3A_156 = arith.constant 3 : i32
    %dma_wait3A_157 = arith.constant 1 : i32
    %dma_wait3A_158 = arith.constant 0 : i32
    %dma_wait3A_159 = arith.constant 0 : i32
    %dma_wait3A_160 = tpu.memref_slice %arg6[%dma_wait3A_157, %dma_wait3A_158, %dma_wait3A_159] : memref<2x32x1024xf32, #tpu.memory_space<vmem>> -> memref<1x32x1024xf32, #tpu.memory_space<vmem>>
    %dma_wait3A_161 = tpu.memref_squeeze %dma_wait3A_160 : memref<1x32x1024xf32, #tpu.memory_space<vmem>> -> memref<32x1024xf32, #tpu.memory_space<vmem>>
    %dma_wait3A_162 = arith.constant 0 : i32
    %dma_wait3A_163 = tpu.memref_slice %arg5[%dma_wait3A_156, %dma_wait3A_162] : memref<4x32xi32, #tpu.memory_space<vmem>> -> memref<1x32xi32, #tpu.memory_space<vmem>>
    %dma_wait3A_164 = tpu.memref_squeeze %dma_wait3A_163 : memref<1x32xi32, #tpu.memory_space<vmem>> -> memref<32xi32, #tpu.memory_space<vmem>>
    %dma_wait3A_165 = arith.constant 0 : i32
    %dma_wait3A_166 = arith.constant 0 : i32
    %dma_wait3A_167 = tpu.memref_slice %arg2[%dma_wait3A_165, %dma_wait3A_166] : memref<32768x1024xf32, #tpu.memory_space<hbm>> -> memref<32768x1024xf32, #tpu.memory_space<hbm>>
    tpu.wait_indirect_dma semaphore(%arg7 : memref<!tpu.dma_semaphore, #tpu.memory_space<semaphore_mem>>) src(%dma_wait3A_167 : memref<32768x1024xf32, #tpu.memory_space<hbm>>) dst(%dma_wait3A_161 : memref<32x1024xf32, #tpu.memory_space<vmem>>)
    %add3A_168 = arith.constant 96 : i32
    %add3A_169 = arith.addi %mul3A_2, %add3A_168 : i32
    %dma_start3A_170 = arith.constant 1 : i32
    %dma_start3A_171 = arith.constant 0 : i32
    %dma_start3A_172 = arith.constant 0 : i32
    %dma_start3A_173 = tpu.memref_slice %arg6[%dma_start3A_170, %dma_start3A_171, %dma_start3A_172] : memref<2x32x1024xf32, #tpu.memory_space<vmem>> -> memref<1x32x1024xf32, #tpu.memory_space<vmem>>
    %dma_start3A_174 = tpu.memref_squeeze %dma_start3A_173 : memref<1x32x1024xf32, #tpu.memory_space<vmem>> -> memref<32x1024xf32, #tpu.memory_space<vmem>>
    %dma_start3A_175 = arith.constant 0 : i32
    %dma_start3A_176 = tpu.memref_slice %arg4[%add3A_169, %dma_start3A_175] : memref<4096x1024xf32, #tpu.memory_space<hbm>> -> memref<32x1024xf32, #tpu.memory_space<hbm>>
    %dma_start3A_177 = arith.constant 0 : i32
    %dma_start3A_178 = tpu.memref_slice %arg4[%add3A_169, %dma_start3A_177] : memref<4096x1024xf32, #tpu.memory_space<hbm>> -> memref<32x1024xf32, #tpu.memory_space<hbm>>
    %dma_start3A_179 = arith.constant 0 : i32
    %dma_start3A_180 = arith.constant 0 : i32
    %dma_start3A_181 = tpu.memref_slice %arg6[%dma_start3A_170, %dma_start3A_179, %dma_start3A_180] : memref<2x32x1024xf32, #tpu.memory_space<vmem>> -> memref<1x32x1024xf32, #tpu.memory_space<vmem>>
    %dma_start3A_182 = tpu.memref_squeeze %dma_start3A_181 : memref<1x32x1024xf32, #tpu.memory_space<vmem>> -> memref<32x1024xf32, #tpu.memory_space<vmem>>
    tpu.enqueue_dma source(%dma_start3A_182 : memref<32x1024xf32, #tpu.memory_space<vmem>>) target(%dma_start3A_178 : memref<32x1024xf32, #tpu.memory_space<hbm>>) target_semaphore(%arg8 : memref<!tpu.dma_semaphore, #tpu.memory_space<semaphore_mem>>)
    %dma_wait3A_183 = arith.constant 0 : i32
    %dma_wait3A_184 = arith.constant 0 : i32
    %dma_wait3A_185 = arith.constant 0 : i32
    %dma_wait3A_186 = tpu.memref_slice %arg6[%dma_wait3A_183, %dma_wait3A_184, %dma_wait3A_185] : memref<2x32x1024xf32, #tpu.memory_space<vmem>> -> memref<1x32x1024xf32, #tpu.memory_space<vmem>>
    %dma_wait3A_187 = tpu.memref_squeeze %dma_wait3A_186 : memref<1x32x1024xf32, #tpu.memory_space<vmem>> -> memref<32x1024xf32, #tpu.memory_space<vmem>>
    %dma_wait3A_188 = arith.constant 0 : i32
    %dma_wait3A_189 = tpu.memref_slice %arg4[%add3A_142, %dma_wait3A_188] : memref<4096x1024xf32, #tpu.memory_space<hbm>> -> memref<32x1024xf32, #tpu.memory_space<hbm>>
    %dma_wait3A_190 = arith.constant 0 : i32
    %dma_wait3A_191 = tpu.memref_slice %arg4[%add3A_142, %dma_wait3A_190] : memref<4096x1024xf32, #tpu.memory_space<hbm>> -> memref<32x1024xf32, #tpu.memory_space<hbm>>
    %dma_wait3A_192 = arith.constant 0 : i32
    %dma_wait3A_193 = arith.constant 0 : i32
    %dma_wait3A_194 = tpu.memref_slice %arg6[%dma_wait3A_183, %dma_wait3A_192, %dma_wait3A_193] : memref<2x32x1024xf32, #tpu.memory_space<vmem>> -> memref<1x32x1024xf32, #tpu.memory_space<vmem>>
    %dma_wait3A_195 = tpu.memref_squeeze %dma_wait3A_194 : memref<1x32x1024xf32, #tpu.memory_space<vmem>> -> memref<32x1024xf32, #tpu.memory_space<vmem>>
    tpu.wait_dma2 semaphore(%arg8 : memref<!tpu.dma_semaphore, #tpu.memory_space<semaphore_mem>>) src(%dma_wait3A_195 : memref<32x1024xf32, #tpu.memory_space<vmem>>) dst(%dma_wait3A_191 : memref<32x1024xf32, #tpu.memory_space<hbm>>)
    %dma_wait3A_196 = arith.constant 1 : i32
    %dma_wait3A_197 = arith.constant 0 : i32
    %dma_wait3A_198 = arith.constant 0 : i32
    %dma_wait3A_199 = tpu.memref_slice %arg6[%dma_wait3A_196, %dma_wait3A_197, %dma_wait3A_198] : memref<2x32x1024xf32, #tpu.memory_space<vmem>> -> memref<1x32x1024xf32, #tpu.memory_space<vmem>>
    %dma_wait3A_200 = tpu.memref_squeeze %dma_wait3A_199 : memref<1x32x1024xf32, #tpu.memory_space<vmem>> -> memref<32x1024xf32, #tpu.memory_space<vmem>>
    %dma_wait3A_201 = arith.constant 0 : i32
    %dma_wait3A_202 = tpu.memref_slice %arg4[%add3A_169, %dma_wait3A_201] : memref<4096x1024xf32, #tpu.memory_space<hbm>> -> memref<32x1024xf32, #tpu.memory_space<hbm>>
    %dma_wait3A_203 = arith.constant 0 : i32
    %dma_wait3A_204 = tpu.memref_slice %arg4[%add3A_169, %dma_wait3A_203] : memref<4096x1024xf32, #tpu.memory_space<hbm>> -> memref<32x1024xf32, #tpu.memory_space<hbm>>
    %dma_wait3A_205 = arith.constant 0 : i32
    %dma_wait3A_206 = arith.constant 0 : i32
    %dma_wait3A_207 = tpu.memref_slice %arg6[%dma_wait3A_196, %dma_wait3A_205, %dma_wait3A_206] : memref<2x32x1024xf32, #tpu.memory_space<vmem>> -> memref<1x32x1024xf32, #tpu.memory_space<vmem>>
    %dma_wait3A_208 = tpu.memref_squeeze %dma_wait3A_207 : memref<1x32x1024xf32, #tpu.memory_space<vmem>> -> memref<32x1024xf32, #tpu.memory_space<vmem>>
    tpu.wait_dma2 semaphore(%arg8 : memref<!tpu.dma_semaphore, #tpu.memory_space<semaphore_mem>>) src(%dma_wait3A_208 : memref<32x1024xf32, #tpu.memory_space<vmem>>) dst(%dma_wait3A_204 : memref<32x1024xf32, #tpu.memory_space<hbm>>)
    return
  }
}

#map = affine_map<(d0, d1) -> (0, 0)>
#map1 = affine_map<(d0, d1) -> (0, 0, 0)>
module attributes {stable_mosaic.version = 14 : i64} {
  func.func @_sc_gather_body(%arg0: i32, %arg1: i32, %arg2: memref<32768x1024xf32, #tpu.memory_space<hbm>>, %arg3: memref<32x4x32xi32, #tpu.memory_space<hbm>>, %arg4: memref<4096x1024xf32, #tpu.memory_space<hbm>>, %arg5: memref<4x32xi32, #tpu.memory_space<vmem>>, %arg6: memref<2x32x1024xf32, #tpu.memory_space<vmem>>, %arg7: memref<!tpu.dma_semaphore, #tpu.memory_space<semaphore_mem>>, %arg8: memref<!tpu.dma_semaphore, #tpu.memory_space<semaphore_mem>>) attributes {dimension_semantics = [#tpu.dimension_semantics<core_parallel>, #tpu.dimension_semantics<subcore_parallel>], iteration_bounds = array<i64: 2, 16>, scalar_prefetch = 0 : i64, scratch_operands = 4 : i64, tpu.core_type = #tpu.core_type<sc_vector_subcore>, window_params = [{transform_indices = #map}, {transform_indices = #map1}, {transform_indices = #map}]} {
    %mul3A = arith.constant 2 : i32
    %mul3A_0 = arith.muli %arg1, %mul3A : i32
    %add3A = arith.addi %mul3A_0, %arg0 : i32
    %mul3A_1 = arith.constant 128 : i32
    %mul3A_2 = arith.muli %add3A, %mul3A_1 : i32
    "tpu.region"() ({
      %run_scoped3A = tpu.sem_alloc : memref<!tpu.dma_semaphore, #tpu.memory_space<semaphore_mem>>
      %dma_start3A_209 = arith.constant 0 : i32
      %dma_start3A_210 = arith.constant 0 : i32
      %dma_start3A_211 = tpu.memref_slice %arg3[%add3A, %dma_start3A_209, %dma_start3A_210] : memref<32x4x32xi32, #tpu.memory_space<hbm>> -> memref<1x4x32xi32, #tpu.memory_space<hbm>>
      %dma_start3A_212 = tpu.memref_squeeze %dma_start3A_211 : memref<1x4x32xi32, #tpu.memory_space<hbm>> -> memref<4x32xi32, #tpu.memory_space<hbm>>
      %dma_start3A_213 = arith.constant 0 : i32
      %dma_start3A_214 = arith.constant 0 : i32
      %dma_start3A_215 = tpu.memref_slice %arg3[%add3A, %dma_start3A_213, %dma_start3A_214] : memref<32x4x32xi32, #tpu.memory_space<hbm>> -> memref<1x4x32xi32, #tpu.memory_space<hbm>>
      %dma_start3A_216 = tpu.memref_squeeze %dma_start3A_215 : memref<1x4x32xi32, #tpu.memory_space<hbm>> -> memref<4x32xi32, #tpu.memory_space<hbm>>
      tpu.enqueue_dma source(%dma_start3A_216 : memref<4x32xi32, #tpu.memory_space<hbm>>) target(%arg5 : memref<4x32xi32, #tpu.memory_space<vmem>>) target_semaphore(%run_scoped3A : memref<!tpu.dma_semaphore, #tpu.memory_space<semaphore_mem>>)
      %dma_wait3A_217 = arith.constant 0 : i32
      %dma_wait3A_218 = arith.constant 0 : i32
      %dma_wait3A_219 = tpu.memref_slice %arg3[%add3A, %dma_wait3A_217, %dma_wait3A_218] : memref<32x4x32xi32, #tpu.memory_space<hbm>> -> memref<1x4x32xi32, #tpu.memory_space<hbm>>
      %dma_wait3A_220 = tpu.memref_squeeze %dma_wait3A_219 : memref<1x4x32xi32, #tpu.memory_space<hbm>> -> memref<4x32xi32, #tpu.memory_space<hbm>>
      %dma_wait3A_221 = arith.constant 0 : i32
      %dma_wait3A_222 = arith.constant 0 : i32
      %dma_wait3A_223 = tpu.memref_slice %arg3[%add3A, %dma_wait3A_221, %dma_wait3A_222] : memref<32x4x32xi32, #tpu.memory_space<hbm>> -> memref<1x4x32xi32, #tpu.memory_space<hbm>>
      %dma_wait3A_224 = tpu.memref_squeeze %dma_wait3A_223 : memref<1x4x32xi32, #tpu.memory_space<hbm>> -> memref<4x32xi32, #tpu.memory_space<hbm>>
      tpu.wait_dma2 semaphore(%run_scoped3A : memref<!tpu.dma_semaphore, #tpu.memory_space<semaphore_mem>>) src(%dma_wait3A_224 : memref<4x32xi32, #tpu.memory_space<hbm>>) dst(%arg5 : memref<4x32xi32, #tpu.memory_space<vmem>>)
      tpu.yield
    }) : () -> ()
    %dma_start3A = arith.constant 0 : i32
    %dma_start3A_3 = arith.constant 0 : i32
    %dma_start3A_4 = arith.constant 0 : i32
    %dma_start3A_5 = arith.constant 0 : i32
    %dma_start3A_6 = tpu.memref_slice %arg6[%dma_start3A_3, %dma_start3A_4, %dma_start3A_5] : memref<2x32x1024xf32, #tpu.memory_space<vmem>> -> memref<1x32x1024xf32, #tpu.memory_space<vmem>>
    %dma_start3A_7 = tpu.memref_squeeze %dma_start3A_6 : memref<1x32x1024xf32, #tpu.memory_space<vmem>> -> memref<32x1024xf32, #tpu.memory_space<vmem>>
    %dma_start3A_8 = arith.constant 0 : i32
    %dma_start3A_9 = tpu.memref_slice %arg5[%dma_start3A, %dma_start3A_8] : memref<4x32xi32, #tpu.memory_space<vmem>> -> memref<1x32xi32, #tpu.memory_space<vmem>>
    %dma_start3A_10 = tpu.memref_squeeze %dma_start3A_9 : memref<1x32xi32, #tpu.memory_space<vmem>> -> memref<32xi32, #tpu.memory_space<vmem>>
    %dma_start3A_11 = arith.constant 0 : i32
    %dma_start3A_12 = arith.constant 0 : i32
    %dma_start3A_13 = tpu.memref_slice %arg2[%dma_start3A_11, %dma_start3A_12] : memref<32768x1024xf32, #tpu.memory_space<hbm>> -> memref<32768x1024xf32, #tpu.memory_space<hbm>>
    tpu.enqueue_indirect_dma source(%dma_start3A_13 : memref<32768x1024xf32, #tpu.memory_space<hbm>>) target(%dma_start3A_7 : memref<32x1024xf32, #tpu.memory_space<vmem>>) offsets(%dma_start3A_10 : memref<32xi32, #tpu.memory_space<vmem>>) semaphore(%arg7 : memref<!tpu.dma_semaphore, #tpu.memory_space<semaphore_mem>>)
    %dma_wait3A = arith.constant 0 : i32
    %dma_wait3A_14 = arith.constant 0 : i32
    %dma_wait3A_15 = arith.constant 0 : i32
    %dma_wait3A_16 = arith.constant 0 : i32
    %dma_wait3A_17 = tpu.memref_slice %arg6[%dma_wait3A_14, %dma_wait3A_15, %dma_wait3A_16] : memref<2x32x1024xf32, #tpu.memory_space<vmem>> -> memref<1x32x1024xf32, #tpu.memory_space<vmem>>
    %dma_wait3A_18 = tpu.memref_squeeze %dma_wait3A_17 : memref<1x32x1024xf32, #tpu.memory_space<vmem>> -> memref<32x1024xf32, #tpu.memory_space<vmem>>
    %dma_wait3A_19 = arith.constant 0 : i32
    %dma_wait3A_20 = tpu.memref_slice %arg5[%dma_wait3A, %dma_wait3A_19] : memref<4x32xi32, #tpu.memory_space<vmem>> -> memref<1x32xi32, #tpu.memory_space<vmem>>
    %dma_wait3A_21 = tpu.memref_squeeze %dma_wait3A_20 : memref<1x32xi32, #tpu.memory_space<vmem>> -> memref<32xi32, #tpu.memory_space<vmem>>
    %dma_wait3A_22 = arith.constant 0 : i32
    %dma_wait3A_23 = arith.constant 0 : i32
    %dma_wait3A_24 = tpu.memref_slice %arg2[%dma_wait3A_22, %dma_wait3A_23] : memref<32768x1024xf32, #tpu.memory_space<hbm>> -> memref<32768x1024xf32, #tpu.memory_space<hbm>>
    tpu.wait_indirect_dma semaphore(%arg7 : memref<!tpu.dma_semaphore, #tpu.memory_space<semaphore_mem>>) src(%dma_wait3A_24 : memref<32768x1024xf32, #tpu.memory_space<hbm>>) dst(%dma_wait3A_18 : memref<32x1024xf32, #tpu.memory_space<vmem>>)
    %dma_start3A_25 = arith.constant 1 : i32
    %dma_start3A_26 = arith.constant 1 : i32
    %dma_start3A_27 = arith.constant 0 : i32
    %dma_start3A_28 = arith.constant 0 : i32
    %dma_start3A_29 = tpu.memref_slice %arg6[%dma_start3A_26, %dma_start3A_27, %dma_start3A_28] : memref<2x32x1024xf32, #tpu.memory_space<vmem>> -> memref<1x32x1024xf32, #tpu.memory_space<vmem>>
    %dma_start3A_30 = tpu.memref_squeeze %dma_start3A_29 : memref<1x32x1024xf32, #tpu.memory_space<vmem>> -> memref<32x1024xf32, #tpu.memory_space<vmem>>
    %dma_start3A_31 = arith.constant 0 : i32
    %dma_start3A_32 = tpu.memref_slice %arg5[%dma_start3A_25, %dma_start3A_31] : memref<4x32xi32, #tpu.memory_space<vmem>> -> memref<1x32xi32, #tpu.memory_space<vmem>>
    %dma_start3A_33 = tpu.memref_squeeze %dma_start3A_32 : memref<1x32xi32, #tpu.memory_space<vmem>> -> memref<32xi32, #tpu.memory_space<vmem>>
    %dma_start3A_34 = arith.constant 0 : i32
    %dma_start3A_35 = arith.constant 0 : i32
    %dma_start3A_36 = tpu.memref_slice %arg2[%dma_start3A_34, %dma_start3A_35] : memref<32768x1024xf32, #tpu.memory_space<hbm>> -> memref<32768x1024xf32, #tpu.memory_space<hbm>>
    tpu.enqueue_indirect_dma source(%dma_start3A_36 : memref<32768x1024xf32, #tpu.memory_space<hbm>>) target(%dma_start3A_30 : memref<32x1024xf32, #tpu.memory_space<vmem>>) offsets(%dma_start3A_33 : memref<32xi32, #tpu.memory_space<vmem>>) semaphore(%arg7 : memref<!tpu.dma_semaphore, #tpu.memory_space<semaphore_mem>>)
    %add3A_37 = arith.constant 0 : i32
    %add3A_38 = arith.addi %mul3A_2, %add3A_37 : i32
    %dma_start3A_39 = arith.constant 0 : i32
    %dma_start3A_40 = arith.constant 0 : i32
    %dma_start3A_41 = arith.constant 0 : i32
    %dma_start3A_42 = tpu.memref_slice %arg6[%dma_start3A_39, %dma_start3A_40, %dma_start3A_41] : memref<2x32x1024xf32, #tpu.memory_space<vmem>> -> memref<1x32x1024xf32, #tpu.memory_space<vmem>>
    %dma_start3A_43 = tpu.memref_squeeze %dma_start3A_42 : memref<1x32x1024xf32, #tpu.memory_space<vmem>> -> memref<32x1024xf32, #tpu.memory_space<vmem>>
    %dma_start3A_44 = arith.constant 0 : i32
    %dma_start3A_45 = tpu.memref_slice %arg4[%add3A_38, %dma_start3A_44] : memref<4096x1024xf32, #tpu.memory_space<hbm>> -> memref<32x1024xf32, #tpu.memory_space<hbm>>
    %dma_start3A_46 = arith.constant 0 : i32
    %dma_start3A_47 = tpu.memref_slice %arg4[%add3A_38, %dma_start3A_46] : memref<4096x1024xf32, #tpu.memory_space<hbm>> -> memref<32x1024xf32, #tpu.memory_space<hbm>>
    %dma_start3A_48 = arith.constant 0 : i32
    %dma_start3A_49 = arith.constant 0 : i32
    %dma_start3A_50 = tpu.memref_slice %arg6[%dma_start3A_39, %dma_start3A_48, %dma_start3A_49] : memref<2x32x1024xf32, #tpu.memory_space<vmem>> -> memref<1x32x1024xf32, #tpu.memory_space<vmem>>
    %dma_start3A_51 = tpu.memref_squeeze %dma_start3A_50 : memref<1x32x1024xf32, #tpu.memory_space<vmem>> -> memref<32x1024xf32, #tpu.memory_space<vmem>>
    tpu.enqueue_dma source(%dma_start3A_51 : memref<32x1024xf32, #tpu.memory_space<vmem>>) target(%dma_start3A_47 : memref<32x1024xf32, #tpu.memory_space<hbm>>) target_semaphore(%arg8 : memref<!tpu.dma_semaphore, #tpu.memory_space<semaphore_mem>>)
    %dma_wait3A_52 = arith.constant 1 : i32
    %dma_wait3A_53 = arith.constant 1 : i32
    %dma_wait3A_54 = arith.constant 0 : i32
    %dma_wait3A_55 = arith.constant 0 : i32
    %dma_wait3A_56 = tpu.memref_slice %arg6[%dma_wait3A_53, %dma_wait3A_54, %dma_wait3A_55] : memref<2x32x1024xf32, #tpu.memory_space<vmem>> -> memref<1x32x1024xf32, #tpu.memory_space<vmem>>
    %dma_wait3A_57 = tpu.memref_squeeze %dma_wait3A_56 : memref<1x32x1024xf32, #tpu.memory_space<vmem>> -> memref<32x1024xf32, #tpu.memory_space<vmem>>
    %dma_wait3A_58 = arith.constant 0 : i32
    %dma_wait3A_59 = tpu.memref_slice %arg5[%dma_wait3A_52, %dma_wait3A_58] : memref<4x32xi32, #tpu.memory_space<vmem>> -> memref<1x32xi32, #tpu.memory_space<vmem>>
    %dma_wait3A_60 = tpu.memref_squeeze %dma_wait3A_59 : memref<1x32xi32, #tpu.memory_space<vmem>> -> memref<32xi32, #tpu.memory_space<vmem>>
    %dma_wait3A_61 = arith.constant 0 : i32
    %dma_wait3A_62 = arith.constant 0 : i32
    %dma_wait3A_63 = tpu.memref_slice %arg2[%dma_wait3A_61, %dma_wait3A_62] : memref<32768x1024xf32, #tpu.memory_space<hbm>> -> memref<32768x1024xf32, #tpu.memory_space<hbm>>
    tpu.wait_indirect_dma semaphore(%arg7 : memref<!tpu.dma_semaphore, #tpu.memory_space<semaphore_mem>>) src(%dma_wait3A_63 : memref<32768x1024xf32, #tpu.memory_space<hbm>>) dst(%dma_wait3A_57 : memref<32x1024xf32, #tpu.memory_space<vmem>>)
    %dma_wait3A_64 = arith.constant 0 : i32
    %dma_wait3A_65 = arith.constant 0 : i32
    %dma_wait3A_66 = arith.constant 0 : i32
    %dma_wait3A_67 = tpu.memref_slice %arg6[%dma_wait3A_64, %dma_wait3A_65, %dma_wait3A_66] : memref<2x32x1024xf32, #tpu.memory_space<vmem>> -> memref<1x32x1024xf32, #tpu.memory_space<vmem>>
    %dma_wait3A_68 = tpu.memref_squeeze %dma_wait3A_67 : memref<1x32x1024xf32, #tpu.memory_space<vmem>> -> memref<32x1024xf32, #tpu.memory_space<vmem>>
    %dma_wait3A_69 = arith.constant 0 : i32
    %dma_wait3A_70 = tpu.memref_slice %arg4[%add3A_38, %dma_wait3A_69] : memref<4096x1024xf32, #tpu.memory_space<hbm>> -> memref<32x1024xf32, #tpu.memory_space<hbm>>
    %dma_wait3A_71 = arith.constant 0 : i32
    %dma_wait3A_72 = tpu.memref_slice %arg4[%add3A_38, %dma_wait3A_71] : memref<4096x1024xf32, #tpu.memory_space<hbm>> -> memref<32x1024xf32, #tpu.memory_space<hbm>>
    %dma_wait3A_73 = arith.constant 0 : i32
    %dma_wait3A_74 = arith.constant 0 : i32
    %dma_wait3A_75 = tpu.memref_slice %arg6[%dma_wait3A_64, %dma_wait3A_73, %dma_wait3A_74] : memref<2x32x1024xf32, #tpu.memory_space<vmem>> -> memref<1x32x1024xf32, #tpu.memory_space<vmem>>
    %dma_wait3A_76 = tpu.memref_squeeze %dma_wait3A_75 : memref<1x32x1024xf32, #tpu.memory_space<vmem>> -> memref<32x1024xf32, #tpu.memory_space<vmem>>
    tpu.wait_dma2 semaphore(%arg8 : memref<!tpu.dma_semaphore, #tpu.memory_space<semaphore_mem>>) src(%dma_wait3A_76 : memref<32x1024xf32, #tpu.memory_space<vmem>>) dst(%dma_wait3A_72 : memref<32x1024xf32, #tpu.memory_space<hbm>>)
    %dma_start3A_77 = arith.constant 2 : i32
    %dma_start3A_78 = arith.constant 0 : i32
    %dma_start3A_79 = arith.constant 0 : i32
    %dma_start3A_80 = arith.constant 0 : i32
    %dma_start3A_81 = tpu.memref_slice %arg6[%dma_start3A_78, %dma_start3A_79, %dma_start3A_80] : memref<2x32x1024xf32, #tpu.memory_space<vmem>> -> memref<1x32x1024xf32, #tpu.memory_space<vmem>>
    %dma_start3A_82 = tpu.memref_squeeze %dma_start3A_81 : memref<1x32x1024xf32, #tpu.memory_space<vmem>> -> memref<32x1024xf32, #tpu.memory_space<vmem>>
    %dma_start3A_83 = arith.constant 0 : i32
    %dma_start3A_84 = tpu.memref_slice %arg5[%dma_start3A_77, %dma_start3A_83] : memref<4x32xi32, #tpu.memory_space<vmem>> -> memref<1x32xi32, #tpu.memory_space<vmem>>
    %dma_start3A_85 = tpu.memref_squeeze %dma_start3A_84 : memref<1x32xi32, #tpu.memory_space<vmem>> -> memref<32xi32, #tpu.memory_space<vmem>>
    %dma_start3A_86 = arith.constant 0 : i32
    %dma_start3A_87 = arith.constant 0 : i32
    %dma_start3A_88 = tpu.memref_slice %arg2[%dma_start3A_86, %dma_start3A_87] : memref<32768x1024xf32, #tpu.memory_space<hbm>> -> memref<32768x1024xf32, #tpu.memory_space<hbm>>
    tpu.enqueue_indirect_dma source(%dma_start3A_88 : memref<32768x1024xf32, #tpu.memory_space<hbm>>) target(%dma_start3A_82 : memref<32x1024xf32, #tpu.memory_space<vmem>>) offsets(%dma_start3A_85 : memref<32xi32, #tpu.memory_space<vmem>>) semaphore(%arg7 : memref<!tpu.dma_semaphore, #tpu.memory_space<semaphore_mem>>)
    %add3A_89 = arith.constant 32 : i32
    %add3A_90 = arith.addi %mul3A_2, %add3A_89 : i32
    %dma_start3A_91 = arith.constant 1 : i32
    %dma_start3A_92 = arith.constant 0 : i32
    %dma_start3A_93 = arith.constant 0 : i32
    %dma_start3A_94 = tpu.memref_slice %arg6[%dma_start3A_91, %dma_start3A_92, %dma_start3A_93] : memref<2x32x1024xf32, #tpu.memory_space<vmem>> -> memref<1x32x1024xf32, #tpu.memory_space<vmem>>
    %dma_start3A_95 = tpu.memref_squeeze %dma_start3A_94 : memref<1x32x1024xf32, #tpu.memory_space<vmem>> -> memref<32x1024xf32, #tpu.memory_space<vmem>>
    %dma_start3A_96 = arith.constant 0 : i32
    %dma_start3A_97 = tpu.memref_slice %arg4[%add3A_90, %dma_start3A_96] : memref<4096x1024xf32, #tpu.memory_space<hbm>> -> memref<32x1024xf32, #tpu.memory_space<hbm>>
    %dma_start3A_98 = arith.constant 0 : i32
    %dma_start3A_99 = tpu.memref_slice %arg4[%add3A_90, %dma_start3A_98] : memref<4096x1024xf32, #tpu.memory_space<hbm>> -> memref<32x1024xf32, #tpu.memory_space<hbm>>
    %dma_start3A_100 = arith.constant 0 : i32
    %dma_start3A_101 = arith.constant 0 : i32
    %dma_start3A_102 = tpu.memref_slice %arg6[%dma_start3A_91, %dma_start3A_100, %dma_start3A_101] : memref<2x32x1024xf32, #tpu.memory_space<vmem>> -> memref<1x32x1024xf32, #tpu.memory_space<vmem>>
    %dma_start3A_103 = tpu.memref_squeeze %dma_start3A_102 : memref<1x32x1024xf32, #tpu.memory_space<vmem>> -> memref<32x1024xf32, #tpu.memory_space<vmem>>
    tpu.enqueue_dma source(%dma_start3A_103 : memref<32x1024xf32, #tpu.memory_space<vmem>>) target(%dma_start3A_99 : memref<32x1024xf32, #tpu.memory_space<hbm>>) target_semaphore(%arg8 : memref<!tpu.dma_semaphore, #tpu.memory_space<semaphore_mem>>)
    %dma_wait3A_104 = arith.constant 2 : i32
    %dma_wait3A_105 = arith.constant 0 : i32
    %dma_wait3A_106 = arith.constant 0 : i32
    %dma_wait3A_107 = arith.constant 0 : i32
    %dma_wait3A_108 = tpu.memref_slice %arg6[%dma_wait3A_105, %dma_wait3A_106, %dma_wait3A_107] : memref<2x32x1024xf32, #tpu.memory_space<vmem>> -> memref<1x32x1024xf32, #tpu.memory_space<vmem>>
    %dma_wait3A_109 = tpu.memref_squeeze %dma_wait3A_108 : memref<1x32x1024xf32, #tpu.memory_space<vmem>> -> memref<32x1024xf32, #tpu.memory_space<vmem>>
    %dma_wait3A_110 = arith.constant 0 : i32
    %dma_wait3A_111 = tpu.memref_slice %arg5[%dma_wait3A_104, %dma_wait3A_110] : memref<4x32xi32, #tpu.memory_space<vmem>> -> memref<1x32xi32, #tpu.memory_space<vmem>>
    %dma_wait3A_112 = tpu.memref_squeeze %dma_wait3A_111 : memref<1x32xi32, #tpu.memory_space<vmem>> -> memref<32xi32, #tpu.memory_space<vmem>>
    %dma_wait3A_113 = arith.constant 0 : i32
    %dma_wait3A_114 = arith.constant 0 : i32
    %dma_wait3A_115 = tpu.memref_slice %arg2[%dma_wait3A_113, %dma_wait3A_114] : memref<32768x1024xf32, #tpu.memory_space<hbm>> -> memref<32768x1024xf32, #tpu.memory_space<hbm>>
    tpu.wait_indirect_dma semaphore(%arg7 : memref<!tpu.dma_semaphore, #tpu.memory_space<semaphore_mem>>) src(%dma_wait3A_115 : memref<32768x1024xf32, #tpu.memory_space<hbm>>) dst(%dma_wait3A_109 : memref<32x1024xf32, #tpu.memory_space<vmem>>)
    %dma_wait3A_116 = arith.constant 1 : i32
    %dma_wait3A_117 = arith.constant 0 : i32
    %dma_wait3A_118 = arith.constant 0 : i32
    %dma_wait3A_119 = tpu.memref_slice %arg6[%dma_wait3A_116, %dma_wait3A_117, %dma_wait3A_118] : memref<2x32x1024xf32, #tpu.memory_space<vmem>> -> memref<1x32x1024xf32, #tpu.memory_space<vmem>>
    %dma_wait3A_120 = tpu.memref_squeeze %dma_wait3A_119 : memref<1x32x1024xf32, #tpu.memory_space<vmem>> -> memref<32x1024xf32, #tpu.memory_space<vmem>>
    %dma_wait3A_121 = arith.constant 0 : i32
    %dma_wait3A_122 = tpu.memref_slice %arg4[%add3A_90, %dma_wait3A_121] : memref<4096x1024xf32, #tpu.memory_space<hbm>> -> memref<32x1024xf32, #tpu.memory_space<hbm>>
    %dma_wait3A_123 = arith.constant 0 : i32
    %dma_wait3A_124 = tpu.memref_slice %arg4[%add3A_90, %dma_wait3A_123] : memref<4096x1024xf32, #tpu.memory_space<hbm>> -> memref<32x1024xf32, #tpu.memory_space<hbm>>
    %dma_wait3A_125 = arith.constant 0 : i32
    %dma_wait3A_126 = arith.constant 0 : i32
    %dma_wait3A_127 = tpu.memref_slice %arg6[%dma_wait3A_116, %dma_wait3A_125, %dma_wait3A_126] : memref<2x32x1024xf32, #tpu.memory_space<vmem>> -> memref<1x32x1024xf32, #tpu.memory_space<vmem>>
    %dma_wait3A_128 = tpu.memref_squeeze %dma_wait3A_127 : memref<1x32x1024xf32, #tpu.memory_space<vmem>> -> memref<32x1024xf32, #tpu.memory_space<vmem>>
    tpu.wait_dma2 semaphore(%arg8 : memref<!tpu.dma_semaphore, #tpu.memory_space<semaphore_mem>>) src(%dma_wait3A_128 : memref<32x1024xf32, #tpu.memory_space<vmem>>) dst(%dma_wait3A_124 : memref<32x1024xf32, #tpu.memory_space<hbm>>)
    %dma_start3A_129 = arith.constant 3 : i32
    %dma_start3A_130 = arith.constant 1 : i32
    %dma_start3A_131 = arith.constant 0 : i32
    %dma_start3A_132 = arith.constant 0 : i32
    %dma_start3A_133 = tpu.memref_slice %arg6[%dma_start3A_130, %dma_start3A_131, %dma_start3A_132] : memref<2x32x1024xf32, #tpu.memory_space<vmem>> -> memref<1x32x1024xf32, #tpu.memory_space<vmem>>
    %dma_start3A_134 = tpu.memref_squeeze %dma_start3A_133 : memref<1x32x1024xf32, #tpu.memory_space<vmem>> -> memref<32x1024xf32, #tpu.memory_space<vmem>>
    %dma_start3A_135 = arith.constant 0 : i32
    %dma_start3A_136 = tpu.memref_slice %arg5[%dma_start3A_129, %dma_start3A_135] : memref<4x32xi32, #tpu.memory_space<vmem>> -> memref<1x32xi32, #tpu.memory_space<vmem>>
    %dma_start3A_137 = tpu.memref_squeeze %dma_start3A_136 : memref<1x32xi32, #tpu.memory_space<vmem>> -> memref<32xi32, #tpu.memory_space<vmem>>
    %dma_start3A_138 = arith.constant 0 : i32
    %dma_start3A_139 = arith.constant 0 : i32
    %dma_start3A_140 = tpu.memref_slice %arg2[%dma_start3A_138, %dma_start3A_139] : memref<32768x1024xf32, #tpu.memory_space<hbm>> -> memref<32768x1024xf32, #tpu.memory_space<hbm>>
    tpu.enqueue_indirect_dma source(%dma_start3A_140 : memref<32768x1024xf32, #tpu.memory_space<hbm>>) target(%dma_start3A_134 : memref<32x1024xf32, #tpu.memory_space<vmem>>) offsets(%dma_start3A_137 : memref<32xi32, #tpu.memory_space<vmem>>) semaphore(%arg7 : memref<!tpu.dma_semaphore, #tpu.memory_space<semaphore_mem>>)
    %add3A_141 = arith.constant 64 : i32
    %add3A_142 = arith.addi %mul3A_2, %add3A_141 : i32
    %dma_start3A_143 = arith.constant 0 : i32
    %dma_start3A_144 = arith.constant 0 : i32
    %dma_start3A_145 = arith.constant 0 : i32
    %dma_start3A_146 = tpu.memref_slice %arg6[%dma_start3A_143, %dma_start3A_144, %dma_start3A_145] : memref<2x32x1024xf32, #tpu.memory_space<vmem>> -> memref<1x32x1024xf32, #tpu.memory_space<vmem>>
    %dma_start3A_147 = tpu.memref_squeeze %dma_start3A_146 : memref<1x32x1024xf32, #tpu.memory_space<vmem>> -> memref<32x1024xf32, #tpu.memory_space<vmem>>
    %dma_start3A_148 = arith.constant 0 : i32
    %dma_start3A_149 = tpu.memref_slice %arg4[%add3A_142, %dma_start3A_148] : memref<4096x1024xf32, #tpu.memory_space<hbm>> -> memref<32x1024xf32, #tpu.memory_space<hbm>>
    %dma_start3A_150 = arith.constant 0 : i32
    %dma_start3A_151 = tpu.memref_slice %arg4[%add3A_142, %dma_start3A_150] : memref<4096x1024xf32, #tpu.memory_space<hbm>> -> memref<32x1024xf32, #tpu.memory_space<hbm>>
    %dma_start3A_152 = arith.constant 0 : i32
    %dma_start3A_153 = arith.constant 0 : i32
    %dma_start3A_154 = tpu.memref_slice %arg6[%dma_start3A_143, %dma_start3A_152, %dma_start3A_153] : memref<2x32x1024xf32, #tpu.memory_space<vmem>> -> memref<1x32x1024xf32, #tpu.memory_space<vmem>>
    %dma_start3A_155 = tpu.memref_squeeze %dma_start3A_154 : memref<1x32x1024xf32, #tpu.memory_space<vmem>> -> memref<32x1024xf32, #tpu.memory_space<vmem>>
    tpu.enqueue_dma source(%dma_start3A_155 : memref<32x1024xf32, #tpu.memory_space<vmem>>) target(%dma_start3A_151 : memref<32x1024xf32, #tpu.memory_space<hbm>>) target_semaphore(%arg8 : memref<!tpu.dma_semaphore, #tpu.memory_space<semaphore_mem>>)
    %dma_wait3A_156 = arith.constant 3 : i32
    %dma_wait3A_157 = arith.constant 1 : i32
    %dma_wait3A_158 = arith.constant 0 : i32
    %dma_wait3A_159 = arith.constant 0 : i32
    %dma_wait3A_160 = tpu.memref_slice %arg6[%dma_wait3A_157, %dma_wait3A_158, %dma_wait3A_159] : memref<2x32x1024xf32, #tpu.memory_space<vmem>> -> memref<1x32x1024xf32, #tpu.memory_space<vmem>>
    %dma_wait3A_161 = tpu.memref_squeeze %dma_wait3A_160 : memref<1x32x1024xf32, #tpu.memory_space<vmem>> -> memref<32x1024xf32, #tpu.memory_space<vmem>>
    %dma_wait3A_162 = arith.constant 0 : i32
    %dma_wait3A_163 = tpu.memref_slice %arg5[%dma_wait3A_156, %dma_wait3A_162] : memref<4x32xi32, #tpu.memory_space<vmem>> -> memref<1x32xi32, #tpu.memory_space<vmem>>
    %dma_wait3A_164 = tpu.memref_squeeze %dma_wait3A_163 : memref<1x32xi32, #tpu.memory_space<vmem>> -> memref<32xi32, #tpu.memory_space<vmem>>
    %dma_wait3A_165 = arith.constant 0 : i32
    %dma_wait3A_166 = arith.constant 0 : i32
    %dma_wait3A_167 = tpu.memref_slice %arg2[%dma_wait3A_165, %dma_wait3A_166] : memref<32768x1024xf32, #tpu.memory_space<hbm>> -> memref<32768x1024xf32, #tpu.memory_space<hbm>>
    tpu.wait_indirect_dma semaphore(%arg7 : memref<!tpu.dma_semaphore, #tpu.memory_space<semaphore_mem>>) src(%dma_wait3A_167 : memref<32768x1024xf32, #tpu.memory_space<hbm>>) dst(%dma_wait3A_161 : memref<32x1024xf32, #tpu.memory_space<vmem>>)
    %add3A_168 = arith.constant 96 : i32
    %add3A_169 = arith.addi %mul3A_2, %add3A_168 : i32
    %dma_start3A_170 = arith.constant 1 : i32
    %dma_start3A_171 = arith.constant 0 : i32
    %dma_start3A_172 = arith.constant 0 : i32
    %dma_start3A_173 = tpu.memref_slice %arg6[%dma_start3A_170, %dma_start3A_171, %dma_start3A_172] : memref<2x32x1024xf32, #tpu.memory_space<vmem>> -> memref<1x32x1024xf32, #tpu.memory_space<vmem>>
    %dma_start3A_174 = tpu.memref_squeeze %dma_start3A_173 : memref<1x32x1024xf32, #tpu.memory_space<vmem>> -> memref<32x1024xf32, #tpu.memory_space<vmem>>
    %dma_start3A_175 = arith.constant 0 : i32
    %dma_start3A_176 = tpu.memref_slice %arg4[%add3A_169, %dma_start3A_175] : memref<4096x1024xf32, #tpu.memory_space<hbm>> -> memref<32x1024xf32, #tpu.memory_space<hbm>>
    %dma_start3A_177 = arith.constant 0 : i32
    %dma_start3A_178 = tpu.memref_slice %arg4[%add3A_169, %dma_start3A_177] : memref<4096x1024xf32, #tpu.memory_space<hbm>> -> memref<32x1024xf32, #tpu.memory_space<hbm>>
    %dma_start3A_179 = arith.constant 0 : i32
    %dma_start3A_180 = arith.constant 0 : i32
    %dma_start3A_181 = tpu.memref_slice %arg6[%dma_start3A_170, %dma_start3A_179, %dma_start3A_180] : memref<2x32x1024xf32, #tpu.memory_space<vmem>> -> memref<1x32x1024xf32, #tpu.memory_space<vmem>>
    %dma_start3A_182 = tpu.memref_squeeze %dma_start3A_181 : memref<1x32x1024xf32, #tpu.memory_space<vmem>> -> memref<32x1024xf32, #tpu.memory_space<vmem>>
    tpu.enqueue_dma source(%dma_start3A_182 : memref<32x1024xf32, #tpu.memory_space<vmem>>) target(%dma_start3A_178 : memref<32x1024xf32, #tpu.memory_space<hbm>>) target_semaphore(%arg8 : memref<!tpu.dma_semaphore, #tpu.memory_space<semaphore_mem>>)
    %dma_wait3A_183 = arith.constant 0 : i32
    %dma_wait3A_184 = arith.constant 0 : i32
    %dma_wait3A_185 = arith.constant 0 : i32
    %dma_wait3A_186 = tpu.memref_slice %arg6[%dma_wait3A_183, %dma_wait3A_184, %dma_wait3A_185] : memref<2x32x1024xf32, #tpu.memory_space<vmem>> -> memref<1x32x1024xf32, #tpu.memory_space<vmem>>
    %dma_wait3A_187 = tpu.memref_squeeze %dma_wait3A_186 : memref<1x32x1024xf32, #tpu.memory_space<vmem>> -> memref<32x1024xf32, #tpu.memory_space<vmem>>
    %dma_wait3A_188 = arith.constant 0 : i32
    %dma_wait3A_189 = tpu.memref_slice %arg4[%add3A_142, %dma_wait3A_188] : memref<4096x1024xf32, #tpu.memory_space<hbm>> -> memref<32x1024xf32, #tpu.memory_space<hbm>>
    %dma_wait3A_190 = arith.constant 0 : i32
    %dma_wait3A_191 = tpu.memref_slice %arg4[%add3A_142, %dma_wait3A_190] : memref<4096x1024xf32, #tpu.memory_space<hbm>> -> memref<32x1024xf32, #tpu.memory_space<hbm>>
    %dma_wait3A_192 = arith.constant 0 : i32
    %dma_wait3A_193 = arith.constant 0 : i32
    %dma_wait3A_194 = tpu.memref_slice %arg6[%dma_wait3A_183, %dma_wait3A_192, %dma_wait3A_193] : memref<2x32x1024xf32, #tpu.memory_space<vmem>> -> memref<1x32x1024xf32, #tpu.memory_space<vmem>>
    %dma_wait3A_195 = tpu.memref_squeeze %dma_wait3A_194 : memref<1x32x1024xf32, #tpu.memory_space<vmem>> -> memref<32x1024xf32, #tpu.memory_space<vmem>>
    tpu.wait_dma2 semaphore(%arg8 : memref<!tpu.dma_semaphore, #tpu.memory_space<semaphore_mem>>) src(%dma_wait3A_195 : memref<32x1024xf32, #tpu.memory_space<vmem>>) dst(%dma_wait3A_191 : memref<32x1024xf32, #tpu.memory_space<hbm>>)
    %dma_wait3A_196 = arith.constant 1 : i32
    %dma_wait3A_197 = arith.constant 0 : i32
    %dma_wait3A_198 = arith.constant 0 : i32
    %dma_wait3A_199 = tpu.memref_slice %arg6[%dma_wait3A_196, %dma_wait3A_197, %dma_wait3A_198] : memref<2x32x1024xf32, #tpu.memory_space<vmem>> -> memref<1x32x1024xf32, #tpu.memory_space<vmem>>
    %dma_wait3A_200 = tpu.memref_squeeze %dma_wait3A_199 : memref<1x32x1024xf32, #tpu.memory_space<vmem>> -> memref<32x1024xf32, #tpu.memory_space<vmem>>
    %dma_wait3A_201 = arith.constant 0 : i32
    %dma_wait3A_202 = tpu.memref_slice %arg4[%add3A_169, %dma_wait3A_201] : memref<4096x1024xf32, #tpu.memory_space<hbm>> -> memref<32x1024xf32, #tpu.memory_space<hbm>>
    %dma_wait3A_203 = arith.constant 0 : i32
    %dma_wait3A_204 = tpu.memref_slice %arg4[%add3A_169, %dma_wait3A_203] : memref<4096x1024xf32, #tpu.memory_space<hbm>> -> memref<32x1024xf32, #tpu.memory_space<hbm>>
    %dma_wait3A_205 = arith.constant 0 : i32
    %dma_wait3A_206 = arith.constant 0 : i32
    %dma_wait3A_207 = tpu.memref_slice %arg6[%dma_wait3A_196, %dma_wait3A_205, %dma_wait3A_206] : memref<2x32x1024xf32, #tpu.memory_space<vmem>> -> memref<1x32x1024xf32, #tpu.memory_space<vmem>>
    %dma_wait3A_208 = tpu.memref_squeeze %dma_wait3A_207 : memref<1x32x1024xf32, #tpu.memory_space<vmem>> -> memref<32x1024xf32, #tpu.memory_space<vmem>>
    tpu.wait_dma2 semaphore(%arg8 : memref<!tpu.dma_semaphore, #tpu.memory_space<semaphore_mem>>) src(%dma_wait3A_208 : memref<32x1024xf32, #tpu.memory_space<vmem>>) dst(%dma_wait3A_204 : memref<32x1024xf32, #tpu.memory_space<hbm>>)
    return
  }
}

#map = affine_map<(d0, d1) -> (0, 0)>
#map1 = affine_map<(d0, d1) -> (0, 0, 0)>
module attributes {stable_mosaic.version = 14 : i64} {
  func.func @_sc_gather_body(%arg0: i32, %arg1: i32, %arg2: memref<32768x1024xf32, #tpu.memory_space<hbm>>, %arg3: memref<32x4x32xi32, #tpu.memory_space<hbm>>, %arg4: memref<4096x1024xf32, #tpu.memory_space<hbm>>, %arg5: memref<4x32xi32, #tpu.memory_space<vmem>>, %arg6: memref<2x32x1024xf32, #tpu.memory_space<vmem>>, %arg7: memref<!tpu.dma_semaphore, #tpu.memory_space<semaphore_mem>>, %arg8: memref<!tpu.dma_semaphore, #tpu.memory_space<semaphore_mem>>) attributes {dimension_semantics = [#tpu.dimension_semantics<core_parallel>, #tpu.dimension_semantics<subcore_parallel>], iteration_bounds = array<i64: 2, 16>, scalar_prefetch = 0 : i64, scratch_operands = 4 : i64, tpu.core_type = #tpu.core_type<sc_vector_subcore>, window_params = [{transform_indices = #map}, {transform_indices = #map1}, {transform_indices = #map}]} {
    %mul3A = arith.constant 2 : i32
    %mul3A_0 = arith.muli %arg1, %mul3A : i32
    %add3A = arith.addi %mul3A_0, %arg0 : i32
    %mul3A_1 = arith.constant 128 : i32
    %mul3A_2 = arith.muli %add3A, %mul3A_1 : i32
    "tpu.region"() ({
      %run_scoped3A = tpu.sem_alloc : memref<!tpu.dma_semaphore, #tpu.memory_space<semaphore_mem>>
      %dma_start3A_209 = arith.constant 0 : i32
      %dma_start3A_210 = arith.constant 0 : i32
      %dma_start3A_211 = tpu.memref_slice %arg3[%add3A, %dma_start3A_209, %dma_start3A_210] : memref<32x4x32xi32, #tpu.memory_space<hbm>> -> memref<1x4x32xi32, #tpu.memory_space<hbm>>
      %dma_start3A_212 = tpu.memref_squeeze %dma_start3A_211 : memref<1x4x32xi32, #tpu.memory_space<hbm>> -> memref<4x32xi32, #tpu.memory_space<hbm>>
      %dma_start3A_213 = arith.constant 0 : i32
      %dma_start3A_214 = arith.constant 0 : i32
      %dma_start3A_215 = tpu.memref_slice %arg3[%add3A, %dma_start3A_213, %dma_start3A_214] : memref<32x4x32xi32, #tpu.memory_space<hbm>> -> memref<1x4x32xi32, #tpu.memory_space<hbm>>
      %dma_start3A_216 = tpu.memref_squeeze %dma_start3A_215 : memref<1x4x32xi32, #tpu.memory_space<hbm>> -> memref<4x32xi32, #tpu.memory_space<hbm>>
      tpu.enqueue_dma source(%dma_start3A_216 : memref<4x32xi32, #tpu.memory_space<hbm>>) target(%arg5 : memref<4x32xi32, #tpu.memory_space<vmem>>) target_semaphore(%run_scoped3A : memref<!tpu.dma_semaphore, #tpu.memory_space<semaphore_mem>>)
      %dma_wait3A_217 = arith.constant 0 : i32
      %dma_wait3A_218 = arith.constant 0 : i32
      %dma_wait3A_219 = tpu.memref_slice %arg3[%add3A, %dma_wait3A_217, %dma_wait3A_218] : memref<32x4x32xi32, #tpu.memory_space<hbm>> -> memref<1x4x32xi32, #tpu.memory_space<hbm>>
      %dma_wait3A_220 = tpu.memref_squeeze %dma_wait3A_219 : memref<1x4x32xi32, #tpu.memory_space<hbm>> -> memref<4x32xi32, #tpu.memory_space<hbm>>
      %dma_wait3A_221 = arith.constant 0 : i32
      %dma_wait3A_222 = arith.constant 0 : i32
      %dma_wait3A_223 = tpu.memref_slice %arg3[%add3A, %dma_wait3A_221, %dma_wait3A_222] : memref<32x4x32xi32, #tpu.memory_space<hbm>> -> memref<1x4x32xi32, #tpu.memory_space<hbm>>
      %dma_wait3A_224 = tpu.memref_squeeze %dma_wait3A_223 : memref<1x4x32xi32, #tpu.memory_space<hbm>> -> memref<4x32xi32, #tpu.memory_space<hbm>>
      tpu.wait_dma2 semaphore(%run_scoped3A : memref<!tpu.dma_semaphore, #tpu.memory_space<semaphore_mem>>) src(%dma_wait3A_224 : memref<4x32xi32, #tpu.memory_space<hbm>>) dst(%arg5 : memref<4x32xi32, #tpu.memory_space<vmem>>)
      tpu.yield
    }) : () -> ()
    %dma_start3A = arith.constant 0 : i32
    %dma_start3A_3 = arith.constant 0 : i32
    %dma_start3A_4 = arith.constant 0 : i32
    %dma_start3A_5 = arith.constant 0 : i32
    %dma_start3A_6 = tpu.memref_slice %arg6[%dma_start3A_3, %dma_start3A_4, %dma_start3A_5] : memref<2x32x1024xf32, #tpu.memory_space<vmem>> -> memref<1x32x1024xf32, #tpu.memory_space<vmem>>
    %dma_start3A_7 = tpu.memref_squeeze %dma_start3A_6 : memref<1x32x1024xf32, #tpu.memory_space<vmem>> -> memref<32x1024xf32, #tpu.memory_space<vmem>>
    %dma_start3A_8 = arith.constant 0 : i32
    %dma_start3A_9 = tpu.memref_slice %arg5[%dma_start3A, %dma_start3A_8] : memref<4x32xi32, #tpu.memory_space<vmem>> -> memref<1x32xi32, #tpu.memory_space<vmem>>
    %dma_start3A_10 = tpu.memref_squeeze %dma_start3A_9 : memref<1x32xi32, #tpu.memory_space<vmem>> -> memref<32xi32, #tpu.memory_space<vmem>>
    %dma_start3A_11 = arith.constant 0 : i32
    %dma_start3A_12 = arith.constant 0 : i32
    %dma_start3A_13 = tpu.memref_slice %arg2[%dma_start3A_11, %dma_start3A_12] : memref<32768x1024xf32, #tpu.memory_space<hbm>> -> memref<32768x1024xf32, #tpu.memory_space<hbm>>
    tpu.enqueue_indirect_dma source(%dma_start3A_13 : memref<32768x1024xf32, #tpu.memory_space<hbm>>) target(%dma_start3A_7 : memref<32x1024xf32, #tpu.memory_space<vmem>>) offsets(%dma_start3A_10 : memref<32xi32, #tpu.memory_space<vmem>>) semaphore(%arg7 : memref<!tpu.dma_semaphore, #tpu.memory_space<semaphore_mem>>)
    %dma_wait3A = arith.constant 0 : i32
    %dma_wait3A_14 = arith.constant 0 : i32
    %dma_wait3A_15 = arith.constant 0 : i32
    %dma_wait3A_16 = arith.constant 0 : i32
    %dma_wait3A_17 = tpu.memref_slice %arg6[%dma_wait3A_14, %dma_wait3A_15, %dma_wait3A_16] : memref<2x32x1024xf32, #tpu.memory_space<vmem>> -> memref<1x32x1024xf32, #tpu.memory_space<vmem>>
    %dma_wait3A_18 = tpu.memref_squeeze %dma_wait3A_17 : memref<1x32x1024xf32, #tpu.memory_space<vmem>> -> memref<32x1024xf32, #tpu.memory_space<vmem>>
    %dma_wait3A_19 = arith.constant 0 : i32
    %dma_wait3A_20 = tpu.memref_slice %arg5[%dma_wait3A, %dma_wait3A_19] : memref<4x32xi32, #tpu.memory_space<vmem>> -> memref<1x32xi32, #tpu.memory_space<vmem>>
    %dma_wait3A_21 = tpu.memref_squeeze %dma_wait3A_20 : memref<1x32xi32, #tpu.memory_space<vmem>> -> memref<32xi32, #tpu.memory_space<vmem>>
    %dma_wait3A_22 = arith.constant 0 : i32
    %dma_wait3A_23 = arith.constant 0 : i32
    %dma_wait3A_24 = tpu.memref_slice %arg2[%dma_wait3A_22, %dma_wait3A_23] : memref<32768x1024xf32, #tpu.memory_space<hbm>> -> memref<32768x1024xf32, #tpu.memory_space<hbm>>
    tpu.wait_indirect_dma semaphore(%arg7 : memref<!tpu.dma_semaphore, #tpu.memory_space<semaphore_mem>>) src(%dma_wait3A_24 : memref<32768x1024xf32, #tpu.memory_space<hbm>>) dst(%dma_wait3A_18 : memref<32x1024xf32, #tpu.memory_space<vmem>>)
    %dma_start3A_25 = arith.constant 1 : i32
    %dma_start3A_26 = arith.constant 1 : i32
    %dma_start3A_27 = arith.constant 0 : i32
    %dma_start3A_28 = arith.constant 0 : i32
    %dma_start3A_29 = tpu.memref_slice %arg6[%dma_start3A_26, %dma_start3A_27, %dma_start3A_28] : memref<2x32x1024xf32, #tpu.memory_space<vmem>> -> memref<1x32x1024xf32, #tpu.memory_space<vmem>>
    %dma_start3A_30 = tpu.memref_squeeze %dma_start3A_29 : memref<1x32x1024xf32, #tpu.memory_space<vmem>> -> memref<32x1024xf32, #tpu.memory_space<vmem>>
    %dma_start3A_31 = arith.constant 0 : i32
    %dma_start3A_32 = tpu.memref_slice %arg5[%dma_start3A_25, %dma_start3A_31] : memref<4x32xi32, #tpu.memory_space<vmem>> -> memref<1x32xi32, #tpu.memory_space<vmem>>
    %dma_start3A_33 = tpu.memref_squeeze %dma_start3A_32 : memref<1x32xi32, #tpu.memory_space<vmem>> -> memref<32xi32, #tpu.memory_space<vmem>>
    %dma_start3A_34 = arith.constant 0 : i32
    %dma_start3A_35 = arith.constant 0 : i32
    %dma_start3A_36 = tpu.memref_slice %arg2[%dma_start3A_34, %dma_start3A_35] : memref<32768x1024xf32, #tpu.memory_space<hbm>> -> memref<32768x1024xf32, #tpu.memory_space<hbm>>
    tpu.enqueue_indirect_dma source(%dma_start3A_36 : memref<32768x1024xf32, #tpu.memory_space<hbm>>) target(%dma_start3A_30 : memref<32x1024xf32, #tpu.memory_space<vmem>>) offsets(%dma_start3A_33 : memref<32xi32, #tpu.memory_space<vmem>>) semaphore(%arg7 : memref<!tpu.dma_semaphore, #tpu.memory_space<semaphore_mem>>)
    %add3A_37 = arith.constant 0 : i32
    %add3A_38 = arith.addi %mul3A_2, %add3A_37 : i32
    %dma_start3A_39 = arith.constant 0 : i32
    %dma_start3A_40 = arith.constant 0 : i32
    %dma_start3A_41 = arith.constant 0 : i32
    %dma_start3A_42 = tpu.memref_slice %arg6[%dma_start3A_39, %dma_start3A_40, %dma_start3A_41] : memref<2x32x1024xf32, #tpu.memory_space<vmem>> -> memref<1x32x1024xf32, #tpu.memory_space<vmem>>
    %dma_start3A_43 = tpu.memref_squeeze %dma_start3A_42 : memref<1x32x1024xf32, #tpu.memory_space<vmem>> -> memref<32x1024xf32, #tpu.memory_space<vmem>>
    %dma_start3A_44 = arith.constant 0 : i32
    %dma_start3A_45 = tpu.memref_slice %arg4[%add3A_38, %dma_start3A_44] : memref<4096x1024xf32, #tpu.memory_space<hbm>> -> memref<32x1024xf32, #tpu.memory_space<hbm>>
    %dma_start3A_46 = arith.constant 0 : i32
    %dma_start3A_47 = tpu.memref_slice %arg4[%add3A_38, %dma_start3A_46] : memref<4096x1024xf32, #tpu.memory_space<hbm>> -> memref<32x1024xf32, #tpu.memory_space<hbm>>
    %dma_start3A_48 = arith.constant 0 : i32
    %dma_start3A_49 = arith.constant 0 : i32
    %dma_start3A_50 = tpu.memref_slice %arg6[%dma_start3A_39, %dma_start3A_48, %dma_start3A_49] : memref<2x32x1024xf32, #tpu.memory_space<vmem>> -> memref<1x32x1024xf32, #tpu.memory_space<vmem>>
    %dma_start3A_51 = tpu.memref_squeeze %dma_start3A_50 : memref<1x32x1024xf32, #tpu.memory_space<vmem>> -> memref<32x1024xf32, #tpu.memory_space<vmem>>
    tpu.enqueue_dma source(%dma_start3A_51 : memref<32x1024xf32, #tpu.memory_space<vmem>>) target(%dma_start3A_47 : memref<32x1024xf32, #tpu.memory_space<hbm>>) target_semaphore(%arg8 : memref<!tpu.dma_semaphore, #tpu.memory_space<semaphore_mem>>)
    %dma_wait3A_52 = arith.constant 1 : i32
    %dma_wait3A_53 = arith.constant 1 : i32
    %dma_wait3A_54 = arith.constant 0 : i32
    %dma_wait3A_55 = arith.constant 0 : i32
    %dma_wait3A_56 = tpu.memref_slice %arg6[%dma_wait3A_53, %dma_wait3A_54, %dma_wait3A_55] : memref<2x32x1024xf32, #tpu.memory_space<vmem>> -> memref<1x32x1024xf32, #tpu.memory_space<vmem>>
    %dma_wait3A_57 = tpu.memref_squeeze %dma_wait3A_56 : memref<1x32x1024xf32, #tpu.memory_space<vmem>> -> memref<32x1024xf32, #tpu.memory_space<vmem>>
    %dma_wait3A_58 = arith.constant 0 : i32
    %dma_wait3A_59 = tpu.memref_slice %arg5[%dma_wait3A_52, %dma_wait3A_58] : memref<4x32xi32, #tpu.memory_space<vmem>> -> memref<1x32xi32, #tpu.memory_space<vmem>>
    %dma_wait3A_60 = tpu.memref_squeeze %dma_wait3A_59 : memref<1x32xi32, #tpu.memory_space<vmem>> -> memref<32xi32, #tpu.memory_space<vmem>>
    %dma_wait3A_61 = arith.constant 0 : i32
    %dma_wait3A_62 = arith.constant 0 : i32
    %dma_wait3A_63 = tpu.memref_slice %arg2[%dma_wait3A_61, %dma_wait3A_62] : memref<32768x1024xf32, #tpu.memory_space<hbm>> -> memref<32768x1024xf32, #tpu.memory_space<hbm>>
    tpu.wait_indirect_dma semaphore(%arg7 : memref<!tpu.dma_semaphore, #tpu.memory_space<semaphore_mem>>) src(%dma_wait3A_63 : memref<32768x1024xf32, #tpu.memory_space<hbm>>) dst(%dma_wait3A_57 : memref<32x1024xf32, #tpu.memory_space<vmem>>)
    %dma_wait3A_64 = arith.constant 0 : i32
    %dma_wait3A_65 = arith.constant 0 : i32
    %dma_wait3A_66 = arith.constant 0 : i32
    %dma_wait3A_67 = tpu.memref_slice %arg6[%dma_wait3A_64, %dma_wait3A_65, %dma_wait3A_66] : memref<2x32x1024xf32, #tpu.memory_space<vmem>> -> memref<1x32x1024xf32, #tpu.memory_space<vmem>>
    %dma_wait3A_68 = tpu.memref_squeeze %dma_wait3A_67 : memref<1x32x1024xf32, #tpu.memory_space<vmem>> -> memref<32x1024xf32, #tpu.memory_space<vmem>>
    %dma_wait3A_69 = arith.constant 0 : i32
    %dma_wait3A_70 = tpu.memref_slice %arg4[%add3A_38, %dma_wait3A_69] : memref<4096x1024xf32, #tpu.memory_space<hbm>> -> memref<32x1024xf32, #tpu.memory_space<hbm>>
    %dma_wait3A_71 = arith.constant 0 : i32
    %dma_wait3A_72 = tpu.memref_slice %arg4[%add3A_38, %dma_wait3A_71] : memref<4096x1024xf32, #tpu.memory_space<hbm>> -> memref<32x1024xf32, #tpu.memory_space<hbm>>
    %dma_wait3A_73 = arith.constant 0 : i32
    %dma_wait3A_74 = arith.constant 0 : i32
    %dma_wait3A_75 = tpu.memref_slice %arg6[%dma_wait3A_64, %dma_wait3A_73, %dma_wait3A_74] : memref<2x32x1024xf32, #tpu.memory_space<vmem>> -> memref<1x32x1024xf32, #tpu.memory_space<vmem>>
    %dma_wait3A_76 = tpu.memref_squeeze %dma_wait3A_75 : memref<1x32x1024xf32, #tpu.memory_space<vmem>> -> memref<32x1024xf32, #tpu.memory_space<vmem>>
    tpu.wait_dma2 semaphore(%arg8 : memref<!tpu.dma_semaphore, #tpu.memory_space<semaphore_mem>>) src(%dma_wait3A_76 : memref<32x1024xf32, #tpu.memory_space<vmem>>) dst(%dma_wait3A_72 : memref<32x1024xf32, #tpu.memory_space<hbm>>)
    %dma_start3A_77 = arith.constant 2 : i32
    %dma_start3A_78 = arith.constant 0 : i32
    %dma_start3A_79 = arith.constant 0 : i32
    %dma_start3A_80 = arith.constant 0 : i32
    %dma_start3A_81 = tpu.memref_slice %arg6[%dma_start3A_78, %dma_start3A_79, %dma_start3A_80] : memref<2x32x1024xf32, #tpu.memory_space<vmem>> -> memref<1x32x1024xf32, #tpu.memory_space<vmem>>
    %dma_start3A_82 = tpu.memref_squeeze %dma_start3A_81 : memref<1x32x1024xf32, #tpu.memory_space<vmem>> -> memref<32x1024xf32, #tpu.memory_space<vmem>>
    %dma_start3A_83 = arith.constant 0 : i32
    %dma_start3A_84 = tpu.memref_slice %arg5[%dma_start3A_77, %dma_start3A_83] : memref<4x32xi32, #tpu.memory_space<vmem>> -> memref<1x32xi32, #tpu.memory_space<vmem>>
    %dma_start3A_85 = tpu.memref_squeeze %dma_start3A_84 : memref<1x32xi32, #tpu.memory_space<vmem>> -> memref<32xi32, #tpu.memory_space<vmem>>
    %dma_start3A_86 = arith.constant 0 : i32
    %dma_start3A_87 = arith.constant 0 : i32
    %dma_start3A_88 = tpu.memref_slice %arg2[%dma_start3A_86, %dma_start3A_87] : memref<32768x1024xf32, #tpu.memory_space<hbm>> -> memref<32768x1024xf32, #tpu.memory_space<hbm>>
    tpu.enqueue_indirect_dma source(%dma_start3A_88 : memref<32768x1024xf32, #tpu.memory_space<hbm>>) target(%dma_start3A_82 : memref<32x1024xf32, #tpu.memory_space<vmem>>) offsets(%dma_start3A_85 : memref<32xi32, #tpu.memory_space<vmem>>) semaphore(%arg7 : memref<!tpu.dma_semaphore, #tpu.memory_space<semaphore_mem>>)
    %add3A_89 = arith.constant 32 : i32
    %add3A_90 = arith.addi %mul3A_2, %add3A_89 : i32
    %dma_start3A_91 = arith.constant 1 : i32
    %dma_start3A_92 = arith.constant 0 : i32
    %dma_start3A_93 = arith.constant 0 : i32
    %dma_start3A_94 = tpu.memref_slice %arg6[%dma_start3A_91, %dma_start3A_92, %dma_start3A_93] : memref<2x32x1024xf32, #tpu.memory_space<vmem>> -> memref<1x32x1024xf32, #tpu.memory_space<vmem>>
    %dma_start3A_95 = tpu.memref_squeeze %dma_start3A_94 : memref<1x32x1024xf32, #tpu.memory_space<vmem>> -> memref<32x1024xf32, #tpu.memory_space<vmem>>
    %dma_start3A_96 = arith.constant 0 : i32
    %dma_start3A_97 = tpu.memref_slice %arg4[%add3A_90, %dma_start3A_96] : memref<4096x1024xf32, #tpu.memory_space<hbm>> -> memref<32x1024xf32, #tpu.memory_space<hbm>>
    %dma_start3A_98 = arith.constant 0 : i32
    %dma_start3A_99 = tpu.memref_slice %arg4[%add3A_90, %dma_start3A_98] : memref<4096x1024xf32, #tpu.memory_space<hbm>> -> memref<32x1024xf32, #tpu.memory_space<hbm>>
    %dma_start3A_100 = arith.constant 0 : i32
    %dma_start3A_101 = arith.constant 0 : i32
    %dma_start3A_102 = tpu.memref_slice %arg6[%dma_start3A_91, %dma_start3A_100, %dma_start3A_101] : memref<2x32x1024xf32, #tpu.memory_space<vmem>> -> memref<1x32x1024xf32, #tpu.memory_space<vmem>>
    %dma_start3A_103 = tpu.memref_squeeze %dma_start3A_102 : memref<1x32x1024xf32, #tpu.memory_space<vmem>> -> memref<32x1024xf32, #tpu.memory_space<vmem>>
    tpu.enqueue_dma source(%dma_start3A_103 : memref<32x1024xf32, #tpu.memory_space<vmem>>) target(%dma_start3A_99 : memref<32x1024xf32, #tpu.memory_space<hbm>>) target_semaphore(%arg8 : memref<!tpu.dma_semaphore, #tpu.memory_space<semaphore_mem>>)
    %dma_wait3A_104 = arith.constant 2 : i32
    %dma_wait3A_105 = arith.constant 0 : i32
    %dma_wait3A_106 = arith.constant 0 : i32
    %dma_wait3A_107 = arith.constant 0 : i32
    %dma_wait3A_108 = tpu.memref_slice %arg6[%dma_wait3A_105, %dma_wait3A_106, %dma_wait3A_107] : memref<2x32x1024xf32, #tpu.memory_space<vmem>> -> memref<1x32x1024xf32, #tpu.memory_space<vmem>>
    %dma_wait3A_109 = tpu.memref_squeeze %dma_wait3A_108 : memref<1x32x1024xf32, #tpu.memory_space<vmem>> -> memref<32x1024xf32, #tpu.memory_space<vmem>>
    %dma_wait3A_110 = arith.constant 0 : i32
    %dma_wait3A_111 = tpu.memref_slice %arg5[%dma_wait3A_104, %dma_wait3A_110] : memref<4x32xi32, #tpu.memory_space<vmem>> -> memref<1x32xi32, #tpu.memory_space<vmem>>
    %dma_wait3A_112 = tpu.memref_squeeze %dma_wait3A_111 : memref<1x32xi32, #tpu.memory_space<vmem>> -> memref<32xi32, #tpu.memory_space<vmem>>
    %dma_wait3A_113 = arith.constant 0 : i32
    %dma_wait3A_114 = arith.constant 0 : i32
    %dma_wait3A_115 = tpu.memref_slice %arg2[%dma_wait3A_113, %dma_wait3A_114] : memref<32768x1024xf32, #tpu.memory_space<hbm>> -> memref<32768x1024xf32, #tpu.memory_space<hbm>>
    tpu.wait_indirect_dma semaphore(%arg7 : memref<!tpu.dma_semaphore, #tpu.memory_space<semaphore_mem>>) src(%dma_wait3A_115 : memref<32768x1024xf32, #tpu.memory_space<hbm>>) dst(%dma_wait3A_109 : memref<32x1024xf32, #tpu.memory_space<vmem>>)
    %dma_wait3A_116 = arith.constant 1 : i32
    %dma_wait3A_117 = arith.constant 0 : i32
    %dma_wait3A_118 = arith.constant 0 : i32
    %dma_wait3A_119 = tpu.memref_slice %arg6[%dma_wait3A_116, %dma_wait3A_117, %dma_wait3A_118] : memref<2x32x1024xf32, #tpu.memory_space<vmem>> -> memref<1x32x1024xf32, #tpu.memory_space<vmem>>
    %dma_wait3A_120 = tpu.memref_squeeze %dma_wait3A_119 : memref<1x32x1024xf32, #tpu.memory_space<vmem>> -> memref<32x1024xf32, #tpu.memory_space<vmem>>
    %dma_wait3A_121 = arith.constant 0 : i32
    %dma_wait3A_122 = tpu.memref_slice %arg4[%add3A_90, %dma_wait3A_121] : memref<4096x1024xf32, #tpu.memory_space<hbm>> -> memref<32x1024xf32, #tpu.memory_space<hbm>>
    %dma_wait3A_123 = arith.constant 0 : i32
    %dma_wait3A_124 = tpu.memref_slice %arg4[%add3A_90, %dma_wait3A_123] : memref<4096x1024xf32, #tpu.memory_space<hbm>> -> memref<32x1024xf32, #tpu.memory_space<hbm>>
    %dma_wait3A_125 = arith.constant 0 : i32
    %dma_wait3A_126 = arith.constant 0 : i32
    %dma_wait3A_127 = tpu.memref_slice %arg6[%dma_wait3A_116, %dma_wait3A_125, %dma_wait3A_126] : memref<2x32x1024xf32, #tpu.memory_space<vmem>> -> memref<1x32x1024xf32, #tpu.memory_space<vmem>>
    %dma_wait3A_128 = tpu.memref_squeeze %dma_wait3A_127 : memref<1x32x1024xf32, #tpu.memory_space<vmem>> -> memref<32x1024xf32, #tpu.memory_space<vmem>>
    tpu.wait_dma2 semaphore(%arg8 : memref<!tpu.dma_semaphore, #tpu.memory_space<semaphore_mem>>) src(%dma_wait3A_128 : memref<32x1024xf32, #tpu.memory_space<vmem>>) dst(%dma_wait3A_124 : memref<32x1024xf32, #tpu.memory_space<hbm>>)
    %dma_start3A_129 = arith.constant 3 : i32
    %dma_start3A_130 = arith.constant 1 : i32
    %dma_start3A_131 = arith.constant 0 : i32
    %dma_start3A_132 = arith.constant 0 : i32
    %dma_start3A_133 = tpu.memref_slice %arg6[%dma_start3A_130, %dma_start3A_131, %dma_start3A_132] : memref<2x32x1024xf32, #tpu.memory_space<vmem>> -> memref<1x32x1024xf32, #tpu.memory_space<vmem>>
    %dma_start3A_134 = tpu.memref_squeeze %dma_start3A_133 : memref<1x32x1024xf32, #tpu.memory_space<vmem>> -> memref<32x1024xf32, #tpu.memory_space<vmem>>
    %dma_start3A_135 = arith.constant 0 : i32
    %dma_start3A_136 = tpu.memref_slice %arg5[%dma_start3A_129, %dma_start3A_135] : memref<4x32xi32, #tpu.memory_space<vmem>> -> memref<1x32xi32, #tpu.memory_space<vmem>>
    %dma_start3A_137 = tpu.memref_squeeze %dma_start3A_136 : memref<1x32xi32, #tpu.memory_space<vmem>> -> memref<32xi32, #tpu.memory_space<vmem>>
    %dma_start3A_138 = arith.constant 0 : i32
    %dma_start3A_139 = arith.constant 0 : i32
    %dma_start3A_140 = tpu.memref_slice %arg2[%dma_start3A_138, %dma_start3A_139] : memref<32768x1024xf32, #tpu.memory_space<hbm>> -> memref<32768x1024xf32, #tpu.memory_space<hbm>>
    tpu.enqueue_indirect_dma source(%dma_start3A_140 : memref<32768x1024xf32, #tpu.memory_space<hbm>>) target(%dma_start3A_134 : memref<32x1024xf32, #tpu.memory_space<vmem>>) offsets(%dma_start3A_137 : memref<32xi32, #tpu.memory_space<vmem>>) semaphore(%arg7 : memref<!tpu.dma_semaphore, #tpu.memory_space<semaphore_mem>>)
    %add3A_141 = arith.constant 64 : i32
    %add3A_142 = arith.addi %mul3A_2, %add3A_141 : i32
    %dma_start3A_143 = arith.constant 0 : i32
    %dma_start3A_144 = arith.constant 0 : i32
    %dma_start3A_145 = arith.constant 0 : i32
    %dma_start3A_146 = tpu.memref_slice %arg6[%dma_start3A_143, %dma_start3A_144, %dma_start3A_145] : memref<2x32x1024xf32, #tpu.memory_space<vmem>> -> memref<1x32x1024xf32, #tpu.memory_space<vmem>>
    %dma_start3A_147 = tpu.memref_squeeze %dma_start3A_146 : memref<1x32x1024xf32, #tpu.memory_space<vmem>> -> memref<32x1024xf32, #tpu.memory_space<vmem>>
    %dma_start3A_148 = arith.constant 0 : i32
    %dma_start3A_149 = tpu.memref_slice %arg4[%add3A_142, %dma_start3A_148] : memref<4096x1024xf32, #tpu.memory_space<hbm>> -> memref<32x1024xf32, #tpu.memory_space<hbm>>
    %dma_start3A_150 = arith.constant 0 : i32
    %dma_start3A_151 = tpu.memref_slice %arg4[%add3A_142, %dma_start3A_150] : memref<4096x1024xf32, #tpu.memory_space<hbm>> -> memref<32x1024xf32, #tpu.memory_space<hbm>>
    %dma_start3A_152 = arith.constant 0 : i32
    %dma_start3A_153 = arith.constant 0 : i32
    %dma_start3A_154 = tpu.memref_slice %arg6[%dma_start3A_143, %dma_start3A_152, %dma_start3A_153] : memref<2x32x1024xf32, #tpu.memory_space<vmem>> -> memref<1x32x1024xf32, #tpu.memory_space<vmem>>
    %dma_start3A_155 = tpu.memref_squeeze %dma_start3A_154 : memref<1x32x1024xf32, #tpu.memory_space<vmem>> -> memref<32x1024xf32, #tpu.memory_space<vmem>>
    tpu.enqueue_dma source(%dma_start3A_155 : memref<32x1024xf32, #tpu.memory_space<vmem>>) target(%dma_start3A_151 : memref<32x1024xf32, #tpu.memory_space<hbm>>) target_semaphore(%arg8 : memref<!tpu.dma_semaphore, #tpu.memory_space<semaphore_mem>>)
    %dma_wait3A_156 = arith.constant 3 : i32
    %dma_wait3A_157 = arith.constant 1 : i32
    %dma_wait3A_158 = arith.constant 0 : i32
    %dma_wait3A_159 = arith.constant 0 : i32
    %dma_wait3A_160 = tpu.memref_slice %arg6[%dma_wait3A_157, %dma_wait3A_158, %dma_wait3A_159] : memref<2x32x1024xf32, #tpu.memory_space<vmem>> -> memref<1x32x1024xf32, #tpu.memory_space<vmem>>
    %dma_wait3A_161 = tpu.memref_squeeze %dma_wait3A_160 : memref<1x32x1024xf32, #tpu.memory_space<vmem>> -> memref<32x1024xf32, #tpu.memory_space<vmem>>
    %dma_wait3A_162 = arith.constant 0 : i32
    %dma_wait3A_163 = tpu.memref_slice %arg5[%dma_wait3A_156, %dma_wait3A_162] : memref<4x32xi32, #tpu.memory_space<vmem>> -> memref<1x32xi32, #tpu.memory_space<vmem>>
    %dma_wait3A_164 = tpu.memref_squeeze %dma_wait3A_163 : memref<1x32xi32, #tpu.memory_space<vmem>> -> memref<32xi32, #tpu.memory_space<vmem>>
    %dma_wait3A_165 = arith.constant 0 : i32
    %dma_wait3A_166 = arith.constant 0 : i32
    %dma_wait3A_167 = tpu.memref_slice %arg2[%dma_wait3A_165, %dma_wait3A_166] : memref<32768x1024xf32, #tpu.memory_space<hbm>> -> memref<32768x1024xf32, #tpu.memory_space<hbm>>
    tpu.wait_indirect_dma semaphore(%arg7 : memref<!tpu.dma_semaphore, #tpu.memory_space<semaphore_mem>>) src(%dma_wait3A_167 : memref<32768x1024xf32, #tpu.memory_space<hbm>>) dst(%dma_wait3A_161 : memref<32x1024xf32, #tpu.memory_space<vmem>>)
    %add3A_168 = arith.constant 96 : i32
    %add3A_169 = arith.addi %mul3A_2, %add3A_168 : i32
    %dma_start3A_170 = arith.constant 1 : i32
    %dma_start3A_171 = arith.constant 0 : i32
    %dma_start3A_172 = arith.constant 0 : i32
    %dma_start3A_173 = tpu.memref_slice %arg6[%dma_start3A_170, %dma_start3A_171, %dma_start3A_172] : memref<2x32x1024xf32, #tpu.memory_space<vmem>> -> memref<1x32x1024xf32, #tpu.memory_space<vmem>>
    %dma_start3A_174 = tpu.memref_squeeze %dma_start3A_173 : memref<1x32x1024xf32, #tpu.memory_space<vmem>> -> memref<32x1024xf32, #tpu.memory_space<vmem>>
    %dma_start3A_175 = arith.constant 0 : i32
    %dma_start3A_176 = tpu.memref_slice %arg4[%add3A_169, %dma_start3A_175] : memref<4096x1024xf32, #tpu.memory_space<hbm>> -> memref<32x1024xf32, #tpu.memory_space<hbm>>
    %dma_start3A_177 = arith.constant 0 : i32
    %dma_start3A_178 = tpu.memref_slice %arg4[%add3A_169, %dma_start3A_177] : memref<4096x1024xf32, #tpu.memory_space<hbm>> -> memref<32x1024xf32, #tpu.memory_space<hbm>>
    %dma_start3A_179 = arith.constant 0 : i32
    %dma_start3A_180 = arith.constant 0 : i32
    %dma_start3A_181 = tpu.memref_slice %arg6[%dma_start3A_170, %dma_start3A_179, %dma_start3A_180] : memref<2x32x1024xf32, #tpu.memory_space<vmem>> -> memref<1x32x1024xf32, #tpu.memory_space<vmem>>
    %dma_start3A_182 = tpu.memref_squeeze %dma_start3A_181 : memref<1x32x1024xf32, #tpu.memory_space<vmem>> -> memref<32x1024xf32, #tpu.memory_space<vmem>>
    tpu.enqueue_dma source(%dma_start3A_182 : memref<32x1024xf32, #tpu.memory_space<vmem>>) target(%dma_start3A_178 : memref<32x1024xf32, #tpu.memory_space<hbm>>) target_semaphore(%arg8 : memref<!tpu.dma_semaphore, #tpu.memory_space<semaphore_mem>>)
    %dma_wait3A_183 = arith.constant 0 : i32
    %dma_wait3A_184 = arith.constant 0 : i32
    %dma_wait3A_185 = arith.constant 0 : i32
    %dma_wait3A_186 = tpu.memref_slice %arg6[%dma_wait3A_183, %dma_wait3A_184, %dma_wait3A_185] : memref<2x32x1024xf32, #tpu.memory_space<vmem>> -> memref<1x32x1024xf32, #tpu.memory_space<vmem>>
    %dma_wait3A_187 = tpu.memref_squeeze %dma_wait3A_186 : memref<1x32x1024xf32, #tpu.memory_space<vmem>> -> memref<32x1024xf32, #tpu.memory_space<vmem>>
    %dma_wait3A_188 = arith.constant 0 : i32
    %dma_wait3A_189 = tpu.memref_slice %arg4[%add3A_142, %dma_wait3A_188] : memref<4096x1024xf32, #tpu.memory_space<hbm>> -> memref<32x1024xf32, #tpu.memory_space<hbm>>
    %dma_wait3A_190 = arith.constant 0 : i32
    %dma_wait3A_191 = tpu.memref_slice %arg4[%add3A_142, %dma_wait3A_190] : memref<4096x1024xf32, #tpu.memory_space<hbm>> -> memref<32x1024xf32, #tpu.memory_space<hbm>>
    %dma_wait3A_192 = arith.constant 0 : i32
    %dma_wait3A_193 = arith.constant 0 : i32
    %dma_wait3A_194 = tpu.memref_slice %arg6[%dma_wait3A_183, %dma_wait3A_192, %dma_wait3A_193] : memref<2x32x1024xf32, #tpu.memory_space<vmem>> -> memref<1x32x1024xf32, #tpu.memory_space<vmem>>
    %dma_wait3A_195 = tpu.memref_squeeze %dma_wait3A_194 : memref<1x32x1024xf32, #tpu.memory_space<vmem>> -> memref<32x1024xf32, #tpu.memory_space<vmem>>
    tpu.wait_dma2 semaphore(%arg8 : memref<!tpu.dma_semaphore, #tpu.memory_space<semaphore_mem>>) src(%dma_wait3A_195 : memref<32x1024xf32, #tpu.memory_space<vmem>>) dst(%dma_wait3A_191 : memref<32x1024xf32, #tpu.memory_space<hbm>>)
    %dma_wait3A_196 = arith.constant 1 : i32
    %dma_wait3A_197 = arith.constant 0 : i32
    %dma_wait3A_198 = arith.constant 0 : i32
    %dma_wait3A_199 = tpu.memref_slice %arg6[%dma_wait3A_196, %dma_wait3A_197, %dma_wait3A_198] : memref<2x32x1024xf32, #tpu.memory_space<vmem>> -> memref<1x32x1024xf32, #tpu.memory_space<vmem>>
    %dma_wait3A_200 = tpu.memref_squeeze %dma_wait3A_199 : memref<1x32x1024xf32, #tpu.memory_space<vmem>> -> memref<32x1024xf32, #tpu.memory_space<vmem>>
    %dma_wait3A_201 = arith.constant 0 : i32
    %dma_wait3A_202 = tpu.memref_slice %arg4[%add3A_169, %dma_wait3A_201] : memref<4096x1024xf32, #tpu.memory_space<hbm>> -> memref<32x1024xf32, #tpu.memory_space<hbm>>
    %dma_wait3A_203 = arith.constant 0 : i32
    %dma_wait3A_204 = tpu.memref_slice %arg4[%add3A_169, %dma_wait3A_203] : memref<4096x1024xf32, #tpu.memory_space<hbm>> -> memref<32x1024xf32, #tpu.memory_space<hbm>>
    %dma_wait3A_205 = arith.constant 0 : i32
    %dma_wait3A_206 = arith.constant 0 : i32
    %dma_wait3A_207 = tpu.memref_slice %arg6[%dma_wait3A_196, %dma_wait3A_205, %dma_wait3A_206] : memref<2x32x1024xf32, #tpu.memory_space<vmem>> -> memref<1x32x1024xf32, #tpu.memory_space<vmem>>
    %dma_wait3A_208 = tpu.memref_squeeze %dma_wait3A_207 : memref<1x32x1024xf32, #tpu.memory_space<vmem>> -> memref<32x1024xf32, #tpu.memory_space<vmem>>
    tpu.wait_dma2 semaphore(%arg8 : memref<!tpu.dma_semaphore, #tpu.memory_space<semaphore_mem>>) src(%dma_wait3A_208 : memref<32x1024xf32, #tpu.memory_space<vmem>>) dst(%dma_wait3A_204 : memref<32x1024xf32, #tpu.memory_space<hbm>>)
    return
  }
}

#map = affine_map<(d0, d1) -> (0, 0)>
#map1 = affine_map<(d0, d1) -> (0, 0, 0)>
module attributes {stable_mosaic.version = 14 : i64} {
  func.func @_sc_gather_body(%arg0: i32, %arg1: i32, %arg2: memref<32768x1024xf32, #tpu.memory_space<hbm>>, %arg3: memref<32x4x32xi32, #tpu.memory_space<hbm>>, %arg4: memref<4096x1024xf32, #tpu.memory_space<hbm>>, %arg5: memref<4x32xi32, #tpu.memory_space<vmem>>, %arg6: memref<2x32x1024xf32, #tpu.memory_space<vmem>>, %arg7: memref<!tpu.dma_semaphore, #tpu.memory_space<semaphore_mem>>, %arg8: memref<!tpu.dma_semaphore, #tpu.memory_space<semaphore_mem>>) attributes {dimension_semantics = [#tpu.dimension_semantics<core_parallel>, #tpu.dimension_semantics<subcore_parallel>], iteration_bounds = array<i64: 2, 16>, scalar_prefetch = 0 : i64, scratch_operands = 4 : i64, tpu.core_type = #tpu.core_type<sc_vector_subcore>, window_params = [{transform_indices = #map}, {transform_indices = #map1}, {transform_indices = #map}]} {
    %mul3A = arith.constant 2 : i32
    %mul3A_0 = arith.muli %arg1, %mul3A : i32
    %add3A = arith.addi %mul3A_0, %arg0 : i32
    %mul3A_1 = arith.constant 128 : i32
    %mul3A_2 = arith.muli %add3A, %mul3A_1 : i32
    "tpu.region"() ({
      %run_scoped3A = tpu.sem_alloc : memref<!tpu.dma_semaphore, #tpu.memory_space<semaphore_mem>>
      %dma_start3A_209 = arith.constant 0 : i32
      %dma_start3A_210 = arith.constant 0 : i32
      %dma_start3A_211 = tpu.memref_slice %arg3[%add3A, %dma_start3A_209, %dma_start3A_210] : memref<32x4x32xi32, #tpu.memory_space<hbm>> -> memref<1x4x32xi32, #tpu.memory_space<hbm>>
      %dma_start3A_212 = tpu.memref_squeeze %dma_start3A_211 : memref<1x4x32xi32, #tpu.memory_space<hbm>> -> memref<4x32xi32, #tpu.memory_space<hbm>>
      %dma_start3A_213 = arith.constant 0 : i32
      %dma_start3A_214 = arith.constant 0 : i32
      %dma_start3A_215 = tpu.memref_slice %arg3[%add3A, %dma_start3A_213, %dma_start3A_214] : memref<32x4x32xi32, #tpu.memory_space<hbm>> -> memref<1x4x32xi32, #tpu.memory_space<hbm>>
      %dma_start3A_216 = tpu.memref_squeeze %dma_start3A_215 : memref<1x4x32xi32, #tpu.memory_space<hbm>> -> memref<4x32xi32, #tpu.memory_space<hbm>>
      tpu.enqueue_dma source(%dma_start3A_216 : memref<4x32xi32, #tpu.memory_space<hbm>>) target(%arg5 : memref<4x32xi32, #tpu.memory_space<vmem>>) target_semaphore(%run_scoped3A : memref<!tpu.dma_semaphore, #tpu.memory_space<semaphore_mem>>)
      %dma_wait3A_217 = arith.constant 0 : i32
      %dma_wait3A_218 = arith.constant 0 : i32
      %dma_wait3A_219 = tpu.memref_slice %arg3[%add3A, %dma_wait3A_217, %dma_wait3A_218] : memref<32x4x32xi32, #tpu.memory_space<hbm>> -> memref<1x4x32xi32, #tpu.memory_space<hbm>>
      %dma_wait3A_220 = tpu.memref_squeeze %dma_wait3A_219 : memref<1x4x32xi32, #tpu.memory_space<hbm>> -> memref<4x32xi32, #tpu.memory_space<hbm>>
      %dma_wait3A_221 = arith.constant 0 : i32
      %dma_wait3A_222 = arith.constant 0 : i32
      %dma_wait3A_223 = tpu.memref_slice %arg3[%add3A, %dma_wait3A_221, %dma_wait3A_222] : memref<32x4x32xi32, #tpu.memory_space<hbm>> -> memref<1x4x32xi32, #tpu.memory_space<hbm>>
      %dma_wait3A_224 = tpu.memref_squeeze %dma_wait3A_223 : memref<1x4x32xi32, #tpu.memory_space<hbm>> -> memref<4x32xi32, #tpu.memory_space<hbm>>
      tpu.wait_dma2 semaphore(%run_scoped3A : memref<!tpu.dma_semaphore, #tpu.memory_space<semaphore_mem>>) src(%dma_wait3A_224 : memref<4x32xi32, #tpu.memory_space<hbm>>) dst(%arg5 : memref<4x32xi32, #tpu.memory_space<vmem>>)
      tpu.yield
    }) : () -> ()
    %dma_start3A = arith.constant 0 : i32
    %dma_start3A_3 = arith.constant 0 : i32
    %dma_start3A_4 = arith.constant 0 : i32
    %dma_start3A_5 = arith.constant 0 : i32
    %dma_start3A_6 = tpu.memref_slice %arg6[%dma_start3A_3, %dma_start3A_4, %dma_start3A_5] : memref<2x32x1024xf32, #tpu.memory_space<vmem>> -> memref<1x32x1024xf32, #tpu.memory_space<vmem>>
    %dma_start3A_7 = tpu.memref_squeeze %dma_start3A_6 : memref<1x32x1024xf32, #tpu.memory_space<vmem>> -> memref<32x1024xf32, #tpu.memory_space<vmem>>
    %dma_start3A_8 = arith.constant 0 : i32
    %dma_start3A_9 = tpu.memref_slice %arg5[%dma_start3A, %dma_start3A_8] : memref<4x32xi32, #tpu.memory_space<vmem>> -> memref<1x32xi32, #tpu.memory_space<vmem>>
    %dma_start3A_10 = tpu.memref_squeeze %dma_start3A_9 : memref<1x32xi32, #tpu.memory_space<vmem>> -> memref<32xi32, #tpu.memory_space<vmem>>
    %dma_start3A_11 = arith.constant 0 : i32
    %dma_start3A_12 = arith.constant 0 : i32
    %dma_start3A_13 = tpu.memref_slice %arg2[%dma_start3A_11, %dma_start3A_12] : memref<32768x1024xf32, #tpu.memory_space<hbm>> -> memref<32768x1024xf32, #tpu.memory_space<hbm>>
    tpu.enqueue_indirect_dma source(%dma_start3A_13 : memref<32768x1024xf32, #tpu.memory_space<hbm>>) target(%dma_start3A_7 : memref<32x1024xf32, #tpu.memory_space<vmem>>) offsets(%dma_start3A_10 : memref<32xi32, #tpu.memory_space<vmem>>) semaphore(%arg7 : memref<!tpu.dma_semaphore, #tpu.memory_space<semaphore_mem>>)
    %dma_wait3A = arith.constant 0 : i32
    %dma_wait3A_14 = arith.constant 0 : i32
    %dma_wait3A_15 = arith.constant 0 : i32
    %dma_wait3A_16 = arith.constant 0 : i32
    %dma_wait3A_17 = tpu.memref_slice %arg6[%dma_wait3A_14, %dma_wait3A_15, %dma_wait3A_16] : memref<2x32x1024xf32, #tpu.memory_space<vmem>> -> memref<1x32x1024xf32, #tpu.memory_space<vmem>>
    %dma_wait3A_18 = tpu.memref_squeeze %dma_wait3A_17 : memref<1x32x1024xf32, #tpu.memory_space<vmem>> -> memref<32x1024xf32, #tpu.memory_space<vmem>>
    %dma_wait3A_19 = arith.constant 0 : i32
    %dma_wait3A_20 = tpu.memref_slice %arg5[%dma_wait3A, %dma_wait3A_19] : memref<4x32xi32, #tpu.memory_space<vmem>> -> memref<1x32xi32, #tpu.memory_space<vmem>>
    %dma_wait3A_21 = tpu.memref_squeeze %dma_wait3A_20 : memref<1x32xi32, #tpu.memory_space<vmem>> -> memref<32xi32, #tpu.memory_space<vmem>>
    %dma_wait3A_22 = arith.constant 0 : i32
    %dma_wait3A_23 = arith.constant 0 : i32
    %dma_wait3A_24 = tpu.memref_slice %arg2[%dma_wait3A_22, %dma_wait3A_23] : memref<32768x1024xf32, #tpu.memory_space<hbm>> -> memref<32768x1024xf32, #tpu.memory_space<hbm>>
    tpu.wait_indirect_dma semaphore(%arg7 : memref<!tpu.dma_semaphore, #tpu.memory_space<semaphore_mem>>) src(%dma_wait3A_24 : memref<32768x1024xf32, #tpu.memory_space<hbm>>) dst(%dma_wait3A_18 : memref<32x1024xf32, #tpu.memory_space<vmem>>)
    %dma_start3A_25 = arith.constant 1 : i32
    %dma_start3A_26 = arith.constant 1 : i32
    %dma_start3A_27 = arith.constant 0 : i32
    %dma_start3A_28 = arith.constant 0 : i32
    %dma_start3A_29 = tpu.memref_slice %arg6[%dma_start3A_26, %dma_start3A_27, %dma_start3A_28] : memref<2x32x1024xf32, #tpu.memory_space<vmem>> -> memref<1x32x1024xf32, #tpu.memory_space<vmem>>
    %dma_start3A_30 = tpu.memref_squeeze %dma_start3A_29 : memref<1x32x1024xf32, #tpu.memory_space<vmem>> -> memref<32x1024xf32, #tpu.memory_space<vmem>>
    %dma_start3A_31 = arith.constant 0 : i32
    %dma_start3A_32 = tpu.memref_slice %arg5[%dma_start3A_25, %dma_start3A_31] : memref<4x32xi32, #tpu.memory_space<vmem>> -> memref<1x32xi32, #tpu.memory_space<vmem>>
    %dma_start3A_33 = tpu.memref_squeeze %dma_start3A_32 : memref<1x32xi32, #tpu.memory_space<vmem>> -> memref<32xi32, #tpu.memory_space<vmem>>
    %dma_start3A_34 = arith.constant 0 : i32
    %dma_start3A_35 = arith.constant 0 : i32
    %dma_start3A_36 = tpu.memref_slice %arg2[%dma_start3A_34, %dma_start3A_35] : memref<32768x1024xf32, #tpu.memory_space<hbm>> -> memref<32768x1024xf32, #tpu.memory_space<hbm>>
    tpu.enqueue_indirect_dma source(%dma_start3A_36 : memref<32768x1024xf32, #tpu.memory_space<hbm>>) target(%dma_start3A_30 : memref<32x1024xf32, #tpu.memory_space<vmem>>) offsets(%dma_start3A_33 : memref<32xi32, #tpu.memory_space<vmem>>) semaphore(%arg7 : memref<!tpu.dma_semaphore, #tpu.memory_space<semaphore_mem>>)
    %add3A_37 = arith.constant 0 : i32
    %add3A_38 = arith.addi %mul3A_2, %add3A_37 : i32
    %dma_start3A_39 = arith.constant 0 : i32
    %dma_start3A_40 = arith.constant 0 : i32
    %dma_start3A_41 = arith.constant 0 : i32
    %dma_start3A_42 = tpu.memref_slice %arg6[%dma_start3A_39, %dma_start3A_40, %dma_start3A_41] : memref<2x32x1024xf32, #tpu.memory_space<vmem>> -> memref<1x32x1024xf32, #tpu.memory_space<vmem>>
    %dma_start3A_43 = tpu.memref_squeeze %dma_start3A_42 : memref<1x32x1024xf32, #tpu.memory_space<vmem>> -> memref<32x1024xf32, #tpu.memory_space<vmem>>
    %dma_start3A_44 = arith.constant 0 : i32
    %dma_start3A_45 = tpu.memref_slice %arg4[%add3A_38, %dma_start3A_44] : memref<4096x1024xf32, #tpu.memory_space<hbm>> -> memref<32x1024xf32, #tpu.memory_space<hbm>>
    %dma_start3A_46 = arith.constant 0 : i32
    %dma_start3A_47 = tpu.memref_slice %arg4[%add3A_38, %dma_start3A_46] : memref<4096x1024xf32, #tpu.memory_space<hbm>> -> memref<32x1024xf32, #tpu.memory_space<hbm>>
    %dma_start3A_48 = arith.constant 0 : i32
    %dma_start3A_49 = arith.constant 0 : i32
    %dma_start3A_50 = tpu.memref_slice %arg6[%dma_start3A_39, %dma_start3A_48, %dma_start3A_49] : memref<2x32x1024xf32, #tpu.memory_space<vmem>> -> memref<1x32x1024xf32, #tpu.memory_space<vmem>>
    %dma_start3A_51 = tpu.memref_squeeze %dma_start3A_50 : memref<1x32x1024xf32, #tpu.memory_space<vmem>> -> memref<32x1024xf32, #tpu.memory_space<vmem>>
    tpu.enqueue_dma source(%dma_start3A_51 : memref<32x1024xf32, #tpu.memory_space<vmem>>) target(%dma_start3A_47 : memref<32x1024xf32, #tpu.memory_space<hbm>>) target_semaphore(%arg8 : memref<!tpu.dma_semaphore, #tpu.memory_space<semaphore_mem>>)
    %dma_wait3A_52 = arith.constant 1 : i32
    %dma_wait3A_53 = arith.constant 1 : i32
    %dma_wait3A_54 = arith.constant 0 : i32
    %dma_wait3A_55 = arith.constant 0 : i32
    %dma_wait3A_56 = tpu.memref_slice %arg6[%dma_wait3A_53, %dma_wait3A_54, %dma_wait3A_55] : memref<2x32x1024xf32, #tpu.memory_space<vmem>> -> memref<1x32x1024xf32, #tpu.memory_space<vmem>>
    %dma_wait3A_57 = tpu.memref_squeeze %dma_wait3A_56 : memref<1x32x1024xf32, #tpu.memory_space<vmem>> -> memref<32x1024xf32, #tpu.memory_space<vmem>>
    %dma_wait3A_58 = arith.constant 0 : i32
    %dma_wait3A_59 = tpu.memref_slice %arg5[%dma_wait3A_52, %dma_wait3A_58] : memref<4x32xi32, #tpu.memory_space<vmem>> -> memref<1x32xi32, #tpu.memory_space<vmem>>
    %dma_wait3A_60 = tpu.memref_squeeze %dma_wait3A_59 : memref<1x32xi32, #tpu.memory_space<vmem>> -> memref<32xi32, #tpu.memory_space<vmem>>
    %dma_wait3A_61 = arith.constant 0 : i32
    %dma_wait3A_62 = arith.constant 0 : i32
    %dma_wait3A_63 = tpu.memref_slice %arg2[%dma_wait3A_61, %dma_wait3A_62] : memref<32768x1024xf32, #tpu.memory_space<hbm>> -> memref<32768x1024xf32, #tpu.memory_space<hbm>>
    tpu.wait_indirect_dma semaphore(%arg7 : memref<!tpu.dma_semaphore, #tpu.memory_space<semaphore_mem>>) src(%dma_wait3A_63 : memref<32768x1024xf32, #tpu.memory_space<hbm>>) dst(%dma_wait3A_57 : memref<32x1024xf32, #tpu.memory_space<vmem>>)
    %dma_wait3A_64 = arith.constant 0 : i32
    %dma_wait3A_65 = arith.constant 0 : i32
    %dma_wait3A_66 = arith.constant 0 : i32
    %dma_wait3A_67 = tpu.memref_slice %arg6[%dma_wait3A_64, %dma_wait3A_65, %dma_wait3A_66] : memref<2x32x1024xf32, #tpu.memory_space<vmem>> -> memref<1x32x1024xf32, #tpu.memory_space<vmem>>
    %dma_wait3A_68 = tpu.memref_squeeze %dma_wait3A_67 : memref<1x32x1024xf32, #tpu.memory_space<vmem>> -> memref<32x1024xf32, #tpu.memory_space<vmem>>
    %dma_wait3A_69 = arith.constant 0 : i32
    %dma_wait3A_70 = tpu.memref_slice %arg4[%add3A_38, %dma_wait3A_69] : memref<4096x1024xf32, #tpu.memory_space<hbm>> -> memref<32x1024xf32, #tpu.memory_space<hbm>>
    %dma_wait3A_71 = arith.constant 0 : i32
    %dma_wait3A_72 = tpu.memref_slice %arg4[%add3A_38, %dma_wait3A_71] : memref<4096x1024xf32, #tpu.memory_space<hbm>> -> memref<32x1024xf32, #tpu.memory_space<hbm>>
    %dma_wait3A_73 = arith.constant 0 : i32
    %dma_wait3A_74 = arith.constant 0 : i32
    %dma_wait3A_75 = tpu.memref_slice %arg6[%dma_wait3A_64, %dma_wait3A_73, %dma_wait3A_74] : memref<2x32x1024xf32, #tpu.memory_space<vmem>> -> memref<1x32x1024xf32, #tpu.memory_space<vmem>>
    %dma_wait3A_76 = tpu.memref_squeeze %dma_wait3A_75 : memref<1x32x1024xf32, #tpu.memory_space<vmem>> -> memref<32x1024xf32, #tpu.memory_space<vmem>>
    tpu.wait_dma2 semaphore(%arg8 : memref<!tpu.dma_semaphore, #tpu.memory_space<semaphore_mem>>) src(%dma_wait3A_76 : memref<32x1024xf32, #tpu.memory_space<vmem>>) dst(%dma_wait3A_72 : memref<32x1024xf32, #tpu.memory_space<hbm>>)
    %dma_start3A_77 = arith.constant 2 : i32
    %dma_start3A_78 = arith.constant 0 : i32
    %dma_start3A_79 = arith.constant 0 : i32
    %dma_start3A_80 = arith.constant 0 : i32
    %dma_start3A_81 = tpu.memref_slice %arg6[%dma_start3A_78, %dma_start3A_79, %dma_start3A_80] : memref<2x32x1024xf32, #tpu.memory_space<vmem>> -> memref<1x32x1024xf32, #tpu.memory_space<vmem>>
    %dma_start3A_82 = tpu.memref_squeeze %dma_start3A_81 : memref<1x32x1024xf32, #tpu.memory_space<vmem>> -> memref<32x1024xf32, #tpu.memory_space<vmem>>
    %dma_start3A_83 = arith.constant 0 : i32
    %dma_start3A_84 = tpu.memref_slice %arg5[%dma_start3A_77, %dma_start3A_83] : memref<4x32xi32, #tpu.memory_space<vmem>> -> memref<1x32xi32, #tpu.memory_space<vmem>>
    %dma_start3A_85 = tpu.memref_squeeze %dma_start3A_84 : memref<1x32xi32, #tpu.memory_space<vmem>> -> memref<32xi32, #tpu.memory_space<vmem>>
    %dma_start3A_86 = arith.constant 0 : i32
    %dma_start3A_87 = arith.constant 0 : i32
    %dma_start3A_88 = tpu.memref_slice %arg2[%dma_start3A_86, %dma_start3A_87] : memref<32768x1024xf32, #tpu.memory_space<hbm>> -> memref<32768x1024xf32, #tpu.memory_space<hbm>>
    tpu.enqueue_indirect_dma source(%dma_start3A_88 : memref<32768x1024xf32, #tpu.memory_space<hbm>>) target(%dma_start3A_82 : memref<32x1024xf32, #tpu.memory_space<vmem>>) offsets(%dma_start3A_85 : memref<32xi32, #tpu.memory_space<vmem>>) semaphore(%arg7 : memref<!tpu.dma_semaphore, #tpu.memory_space<semaphore_mem>>)
    %add3A_89 = arith.constant 32 : i32
    %add3A_90 = arith.addi %mul3A_2, %add3A_89 : i32
    %dma_start3A_91 = arith.constant 1 : i32
    %dma_start3A_92 = arith.constant 0 : i32
    %dma_start3A_93 = arith.constant 0 : i32
    %dma_start3A_94 = tpu.memref_slice %arg6[%dma_start3A_91, %dma_start3A_92, %dma_start3A_93] : memref<2x32x1024xf32, #tpu.memory_space<vmem>> -> memref<1x32x1024xf32, #tpu.memory_space<vmem>>
    %dma_start3A_95 = tpu.memref_squeeze %dma_start3A_94 : memref<1x32x1024xf32, #tpu.memory_space<vmem>> -> memref<32x1024xf32, #tpu.memory_space<vmem>>
    %dma_start3A_96 = arith.constant 0 : i32
    %dma_start3A_97 = tpu.memref_slice %arg4[%add3A_90, %dma_start3A_96] : memref<4096x1024xf32, #tpu.memory_space<hbm>> -> memref<32x1024xf32, #tpu.memory_space<hbm>>
    %dma_start3A_98 = arith.constant 0 : i32
    %dma_start3A_99 = tpu.memref_slice %arg4[%add3A_90, %dma_start3A_98] : memref<4096x1024xf32, #tpu.memory_space<hbm>> -> memref<32x1024xf32, #tpu.memory_space<hbm>>
    %dma_start3A_100 = arith.constant 0 : i32
    %dma_start3A_101 = arith.constant 0 : i32
    %dma_start3A_102 = tpu.memref_slice %arg6[%dma_start3A_91, %dma_start3A_100, %dma_start3A_101] : memref<2x32x1024xf32, #tpu.memory_space<vmem>> -> memref<1x32x1024xf32, #tpu.memory_space<vmem>>
    %dma_start3A_103 = tpu.memref_squeeze %dma_start3A_102 : memref<1x32x1024xf32, #tpu.memory_space<vmem>> -> memref<32x1024xf32, #tpu.memory_space<vmem>>
    tpu.enqueue_dma source(%dma_start3A_103 : memref<32x1024xf32, #tpu.memory_space<vmem>>) target(%dma_start3A_99 : memref<32x1024xf32, #tpu.memory_space<hbm>>) target_semaphore(%arg8 : memref<!tpu.dma_semaphore, #tpu.memory_space<semaphore_mem>>)
    %dma_wait3A_104 = arith.constant 2 : i32
    %dma_wait3A_105 = arith.constant 0 : i32
    %dma_wait3A_106 = arith.constant 0 : i32
    %dma_wait3A_107 = arith.constant 0 : i32
    %dma_wait3A_108 = tpu.memref_slice %arg6[%dma_wait3A_105, %dma_wait3A_106, %dma_wait3A_107] : memref<2x32x1024xf32, #tpu.memory_space<vmem>> -> memref<1x32x1024xf32, #tpu.memory_space<vmem>>
    %dma_wait3A_109 = tpu.memref_squeeze %dma_wait3A_108 : memref<1x32x1024xf32, #tpu.memory_space<vmem>> -> memref<32x1024xf32, #tpu.memory_space<vmem>>
    %dma_wait3A_110 = arith.constant 0 : i32
    %dma_wait3A_111 = tpu.memref_slice %arg5[%dma_wait3A_104, %dma_wait3A_110] : memref<4x32xi32, #tpu.memory_space<vmem>> -> memref<1x32xi32, #tpu.memory_space<vmem>>
    %dma_wait3A_112 = tpu.memref_squeeze %dma_wait3A_111 : memref<1x32xi32, #tpu.memory_space<vmem>> -> memref<32xi32, #tpu.memory_space<vmem>>
    %dma_wait3A_113 = arith.constant 0 : i32
    %dma_wait3A_114 = arith.constant 0 : i32
    %dma_wait3A_115 = tpu.memref_slice %arg2[%dma_wait3A_113, %dma_wait3A_114] : memref<32768x1024xf32, #tpu.memory_space<hbm>> -> memref<32768x1024xf32, #tpu.memory_space<hbm>>
    tpu.wait_indirect_dma semaphore(%arg7 : memref<!tpu.dma_semaphore, #tpu.memory_space<semaphore_mem>>) src(%dma_wait3A_115 : memref<32768x1024xf32, #tpu.memory_space<hbm>>) dst(%dma_wait3A_109 : memref<32x1024xf32, #tpu.memory_space<vmem>>)
    %dma_wait3A_116 = arith.constant 1 : i32
    %dma_wait3A_117 = arith.constant 0 : i32
    %dma_wait3A_118 = arith.constant 0 : i32
    %dma_wait3A_119 = tpu.memref_slice %arg6[%dma_wait3A_116, %dma_wait3A_117, %dma_wait3A_118] : memref<2x32x1024xf32, #tpu.memory_space<vmem>> -> memref<1x32x1024xf32, #tpu.memory_space<vmem>>
    %dma_wait3A_120 = tpu.memref_squeeze %dma_wait3A_119 : memref<1x32x1024xf32, #tpu.memory_space<vmem>> -> memref<32x1024xf32, #tpu.memory_space<vmem>>
    %dma_wait3A_121 = arith.constant 0 : i32
    %dma_wait3A_122 = tpu.memref_slice %arg4[%add3A_90, %dma_wait3A_121] : memref<4096x1024xf32, #tpu.memory_space<hbm>> -> memref<32x1024xf32, #tpu.memory_space<hbm>>
    %dma_wait3A_123 = arith.constant 0 : i32
    %dma_wait3A_124 = tpu.memref_slice %arg4[%add3A_90, %dma_wait3A_123] : memref<4096x1024xf32, #tpu.memory_space<hbm>> -> memref<32x1024xf32, #tpu.memory_space<hbm>>
    %dma_wait3A_125 = arith.constant 0 : i32
    %dma_wait3A_126 = arith.constant 0 : i32
    %dma_wait3A_127 = tpu.memref_slice %arg6[%dma_wait3A_116, %dma_wait3A_125, %dma_wait3A_126] : memref<2x32x1024xf32, #tpu.memory_space<vmem>> -> memref<1x32x1024xf32, #tpu.memory_space<vmem>>
    %dma_wait3A_128 = tpu.memref_squeeze %dma_wait3A_127 : memref<1x32x1024xf32, #tpu.memory_space<vmem>> -> memref<32x1024xf32, #tpu.memory_space<vmem>>
    tpu.wait_dma2 semaphore(%arg8 : memref<!tpu.dma_semaphore, #tpu.memory_space<semaphore_mem>>) src(%dma_wait3A_128 : memref<32x1024xf32, #tpu.memory_space<vmem>>) dst(%dma_wait3A_124 : memref<32x1024xf32, #tpu.memory_space<hbm>>)
    %dma_start3A_129 = arith.constant 3 : i32
    %dma_start3A_130 = arith.constant 1 : i32
    %dma_start3A_131 = arith.constant 0 : i32
    %dma_start3A_132 = arith.constant 0 : i32
    %dma_start3A_133 = tpu.memref_slice %arg6[%dma_start3A_130, %dma_start3A_131, %dma_start3A_132] : memref<2x32x1024xf32, #tpu.memory_space<vmem>> -> memref<1x32x1024xf32, #tpu.memory_space<vmem>>
    %dma_start3A_134 = tpu.memref_squeeze %dma_start3A_133 : memref<1x32x1024xf32, #tpu.memory_space<vmem>> -> memref<32x1024xf32, #tpu.memory_space<vmem>>
    %dma_start3A_135 = arith.constant 0 : i32
    %dma_start3A_136 = tpu.memref_slice %arg5[%dma_start3A_129, %dma_start3A_135] : memref<4x32xi32, #tpu.memory_space<vmem>> -> memref<1x32xi32, #tpu.memory_space<vmem>>
    %dma_start3A_137 = tpu.memref_squeeze %dma_start3A_136 : memref<1x32xi32, #tpu.memory_space<vmem>> -> memref<32xi32, #tpu.memory_space<vmem>>
    %dma_start3A_138 = arith.constant 0 : i32
    %dma_start3A_139 = arith.constant 0 : i32
    %dma_start3A_140 = tpu.memref_slice %arg2[%dma_start3A_138, %dma_start3A_139] : memref<32768x1024xf32, #tpu.memory_space<hbm>> -> memref<32768x1024xf32, #tpu.memory_space<hbm>>
    tpu.enqueue_indirect_dma source(%dma_start3A_140 : memref<32768x1024xf32, #tpu.memory_space<hbm>>) target(%dma_start3A_134 : memref<32x1024xf32, #tpu.memory_space<vmem>>) offsets(%dma_start3A_137 : memref<32xi32, #tpu.memory_space<vmem>>) semaphore(%arg7 : memref<!tpu.dma_semaphore, #tpu.memory_space<semaphore_mem>>)
    %add3A_141 = arith.constant 64 : i32
    %add3A_142 = arith.addi %mul3A_2, %add3A_141 : i32
    %dma_start3A_143 = arith.constant 0 : i32
    %dma_start3A_144 = arith.constant 0 : i32
    %dma_start3A_145 = arith.constant 0 : i32
    %dma_start3A_146 = tpu.memref_slice %arg6[%dma_start3A_143, %dma_start3A_144, %dma_start3A_145] : memref<2x32x1024xf32, #tpu.memory_space<vmem>> -> memref<1x32x1024xf32, #tpu.memory_space<vmem>>
    %dma_start3A_147 = tpu.memref_squeeze %dma_start3A_146 : memref<1x32x1024xf32, #tpu.memory_space<vmem>> -> memref<32x1024xf32, #tpu.memory_space<vmem>>
    %dma_start3A_148 = arith.constant 0 : i32
    %dma_start3A_149 = tpu.memref_slice %arg4[%add3A_142, %dma_start3A_148] : memref<4096x1024xf32, #tpu.memory_space<hbm>> -> memref<32x1024xf32, #tpu.memory_space<hbm>>
    %dma_start3A_150 = arith.constant 0 : i32
    %dma_start3A_151 = tpu.memref_slice %arg4[%add3A_142, %dma_start3A_150] : memref<4096x1024xf32, #tpu.memory_space<hbm>> -> memref<32x1024xf32, #tpu.memory_space<hbm>>
    %dma_start3A_152 = arith.constant 0 : i32
    %dma_start3A_153 = arith.constant 0 : i32
    %dma_start3A_154 = tpu.memref_slice %arg6[%dma_start3A_143, %dma_start3A_152, %dma_start3A_153] : memref<2x32x1024xf32, #tpu.memory_space<vmem>> -> memref<1x32x1024xf32, #tpu.memory_space<vmem>>
    %dma_start3A_155 = tpu.memref_squeeze %dma_start3A_154 : memref<1x32x1024xf32, #tpu.memory_space<vmem>> -> memref<32x1024xf32, #tpu.memory_space<vmem>>
    tpu.enqueue_dma source(%dma_start3A_155 : memref<32x1024xf32, #tpu.memory_space<vmem>>) target(%dma_start3A_151 : memref<32x1024xf32, #tpu.memory_space<hbm>>) target_semaphore(%arg8 : memref<!tpu.dma_semaphore, #tpu.memory_space<semaphore_mem>>)
    %dma_wait3A_156 = arith.constant 3 : i32
    %dma_wait3A_157 = arith.constant 1 : i32
    %dma_wait3A_158 = arith.constant 0 : i32
    %dma_wait3A_159 = arith.constant 0 : i32
    %dma_wait3A_160 = tpu.memref_slice %arg6[%dma_wait3A_157, %dma_wait3A_158, %dma_wait3A_159] : memref<2x32x1024xf32, #tpu.memory_space<vmem>> -> memref<1x32x1024xf32, #tpu.memory_space<vmem>>
    %dma_wait3A_161 = tpu.memref_squeeze %dma_wait3A_160 : memref<1x32x1024xf32, #tpu.memory_space<vmem>> -> memref<32x1024xf32, #tpu.memory_space<vmem>>
    %dma_wait3A_162 = arith.constant 0 : i32
    %dma_wait3A_163 = tpu.memref_slice %arg5[%dma_wait3A_156, %dma_wait3A_162] : memref<4x32xi32, #tpu.memory_space<vmem>> -> memref<1x32xi32, #tpu.memory_space<vmem>>
    %dma_wait3A_164 = tpu.memref_squeeze %dma_wait3A_163 : memref<1x32xi32, #tpu.memory_space<vmem>> -> memref<32xi32, #tpu.memory_space<vmem>>
    %dma_wait3A_165 = arith.constant 0 : i32
    %dma_wait3A_166 = arith.constant 0 : i32
    %dma_wait3A_167 = tpu.memref_slice %arg2[%dma_wait3A_165, %dma_wait3A_166] : memref<32768x1024xf32, #tpu.memory_space<hbm>> -> memref<32768x1024xf32, #tpu.memory_space<hbm>>
    tpu.wait_indirect_dma semaphore(%arg7 : memref<!tpu.dma_semaphore, #tpu.memory_space<semaphore_mem>>) src(%dma_wait3A_167 : memref<32768x1024xf32, #tpu.memory_space<hbm>>) dst(%dma_wait3A_161 : memref<32x1024xf32, #tpu.memory_space<vmem>>)
    %add3A_168 = arith.constant 96 : i32
    %add3A_169 = arith.addi %mul3A_2, %add3A_168 : i32
    %dma_start3A_170 = arith.constant 1 : i32
    %dma_start3A_171 = arith.constant 0 : i32
    %dma_start3A_172 = arith.constant 0 : i32
    %dma_start3A_173 = tpu.memref_slice %arg6[%dma_start3A_170, %dma_start3A_171, %dma_start3A_172] : memref<2x32x1024xf32, #tpu.memory_space<vmem>> -> memref<1x32x1024xf32, #tpu.memory_space<vmem>>
    %dma_start3A_174 = tpu.memref_squeeze %dma_start3A_173 : memref<1x32x1024xf32, #tpu.memory_space<vmem>> -> memref<32x1024xf32, #tpu.memory_space<vmem>>
    %dma_start3A_175 = arith.constant 0 : i32
    %dma_start3A_176 = tpu.memref_slice %arg4[%add3A_169, %dma_start3A_175] : memref<4096x1024xf32, #tpu.memory_space<hbm>> -> memref<32x1024xf32, #tpu.memory_space<hbm>>
    %dma_start3A_177 = arith.constant 0 : i32
    %dma_start3A_178 = tpu.memref_slice %arg4[%add3A_169, %dma_start3A_177] : memref<4096x1024xf32, #tpu.memory_space<hbm>> -> memref<32x1024xf32, #tpu.memory_space<hbm>>
    %dma_start3A_179 = arith.constant 0 : i32
    %dma_start3A_180 = arith.constant 0 : i32
    %dma_start3A_181 = tpu.memref_slice %arg6[%dma_start3A_170, %dma_start3A_179, %dma_start3A_180] : memref<2x32x1024xf32, #tpu.memory_space<vmem>> -> memref<1x32x1024xf32, #tpu.memory_space<vmem>>
    %dma_start3A_182 = tpu.memref_squeeze %dma_start3A_181 : memref<1x32x1024xf32, #tpu.memory_space<vmem>> -> memref<32x1024xf32, #tpu.memory_space<vmem>>
    tpu.enqueue_dma source(%dma_start3A_182 : memref<32x1024xf32, #tpu.memory_space<vmem>>) target(%dma_start3A_178 : memref<32x1024xf32, #tpu.memory_space<hbm>>) target_semaphore(%arg8 : memref<!tpu.dma_semaphore, #tpu.memory_space<semaphore_mem>>)
    %dma_wait3A_183 = arith.constant 0 : i32
    %dma_wait3A_184 = arith.constant 0 : i32
    %dma_wait3A_185 = arith.constant 0 : i32
    %dma_wait3A_186 = tpu.memref_slice %arg6[%dma_wait3A_183, %dma_wait3A_184, %dma_wait3A_185] : memref<2x32x1024xf32, #tpu.memory_space<vmem>> -> memref<1x32x1024xf32, #tpu.memory_space<vmem>>
    %dma_wait3A_187 = tpu.memref_squeeze %dma_wait3A_186 : memref<1x32x1024xf32, #tpu.memory_space<vmem>> -> memref<32x1024xf32, #tpu.memory_space<vmem>>
    %dma_wait3A_188 = arith.constant 0 : i32
    %dma_wait3A_189 = tpu.memref_slice %arg4[%add3A_142, %dma_wait3A_188] : memref<4096x1024xf32, #tpu.memory_space<hbm>> -> memref<32x1024xf32, #tpu.memory_space<hbm>>
    %dma_wait3A_190 = arith.constant 0 : i32
    %dma_wait3A_191 = tpu.memref_slice %arg4[%add3A_142, %dma_wait3A_190] : memref<4096x1024xf32, #tpu.memory_space<hbm>> -> memref<32x1024xf32, #tpu.memory_space<hbm>>
    %dma_wait3A_192 = arith.constant 0 : i32
    %dma_wait3A_193 = arith.constant 0 : i32
    %dma_wait3A_194 = tpu.memref_slice %arg6[%dma_wait3A_183, %dma_wait3A_192, %dma_wait3A_193] : memref<2x32x1024xf32, #tpu.memory_space<vmem>> -> memref<1x32x1024xf32, #tpu.memory_space<vmem>>
    %dma_wait3A_195 = tpu.memref_squeeze %dma_wait3A_194 : memref<1x32x1024xf32, #tpu.memory_space<vmem>> -> memref<32x1024xf32, #tpu.memory_space<vmem>>
    tpu.wait_dma2 semaphore(%arg8 : memref<!tpu.dma_semaphore, #tpu.memory_space<semaphore_mem>>) src(%dma_wait3A_195 : memref<32x1024xf32, #tpu.memory_space<vmem>>) dst(%dma_wait3A_191 : memref<32x1024xf32, #tpu.memory_space<hbm>>)
    %dma_wait3A_196 = arith.constant 1 : i32
    %dma_wait3A_197 = arith.constant 0 : i32
    %dma_wait3A_198 = arith.constant 0 : i32
    %dma_wait3A_199 = tpu.memref_slice %arg6[%dma_wait3A_196, %dma_wait3A_197, %dma_wait3A_198] : memref<2x32x1024xf32, #tpu.memory_space<vmem>> -> memref<1x32x1024xf32, #tpu.memory_space<vmem>>
    %dma_wait3A_200 = tpu.memref_squeeze %dma_wait3A_199 : memref<1x32x1024xf32, #tpu.memory_space<vmem>> -> memref<32x1024xf32, #tpu.memory_space<vmem>>
    %dma_wait3A_201 = arith.constant 0 : i32
    %dma_wait3A_202 = tpu.memref_slice %arg4[%add3A_169, %dma_wait3A_201] : memref<4096x1024xf32, #tpu.memory_space<hbm>> -> memref<32x1024xf32, #tpu.memory_space<hbm>>
    %dma_wait3A_203 = arith.constant 0 : i32
    %dma_wait3A_204 = tpu.memref_slice %arg4[%add3A_169, %dma_wait3A_203] : memref<4096x1024xf32, #tpu.memory_space<hbm>> -> memref<32x1024xf32, #tpu.memory_space<hbm>>
    %dma_wait3A_205 = arith.constant 0 : i32
    %dma_wait3A_206 = arith.constant 0 : i32
    %dma_wait3A_207 = tpu.memref_slice %arg6[%dma_wait3A_196, %dma_wait3A_205, %dma_wait3A_206] : memref<2x32x1024xf32, #tpu.memory_space<vmem>> -> memref<1x32x1024xf32, #tpu.memory_space<vmem>>
    %dma_wait3A_208 = tpu.memref_squeeze %dma_wait3A_207 : memref<1x32x1024xf32, #tpu.memory_space<vmem>> -> memref<32x1024xf32, #tpu.memory_space<vmem>>
    tpu.wait_dma2 semaphore(%arg8 : memref<!tpu.dma_semaphore, #tpu.memory_space<semaphore_mem>>) src(%dma_wait3A_208 : memref<32x1024xf32, #tpu.memory_space<vmem>>) dst(%dma_wait3A_204 : memref<32x1024xf32, #tpu.memory_space<hbm>>)
    return
  }
}

module attributes {stable_mosaic.version = 14 : i64} {
  func.func @_head_body(%arg0: i32, %arg1: memref<1024x1024xf32, #tpu.memory_space<vmem>>, %arg2: memref<1024x1xi32, #tpu.memory_space<vmem>>, %arg3: memref<1024x1024xbf16, #tpu.memory_space<vmem>>, %arg4: memref<1x1024xf32, #tpu.memory_space<vmem>>, %arg5: memref<1024x1xf32, #tpu.memory_space<vmem>>, %arg6: memref<1024x1xf32, #tpu.memory_space<vmem>>) attributes {dimension_semantics = [#tpu.dimension_semantics<arbitrary>], iteration_bounds = array<i64: 4>, scalar_prefetch = 0 : i64, scratch_operands = 0 : i64, tpu.core_type = #tpu.core_type<tc>, window_params = [{transform_indices = @transform_0, window_bounds = array<i64: 1024, 1024>}, {transform_indices = @transform_1, window_bounds = array<i64: 1024, 1>}, {pipeline_mode = #tpu.pipeline_mode<synchronous>, transform_indices = @transform_2, window_bounds = array<i64: 1024, 1024>}, {pipeline_mode = #tpu.pipeline_mode<synchronous>, transform_indices = @transform_3, window_bounds = array<i64: 1, 1024>}, {transform_indices = @transform_4, window_bounds = array<i64: 1024, 1>}, {transform_indices = @transform_5, window_bounds = array<i64: 1024, 1>}]} {
    %get3A = arith.constant 0 : index
    %get3A_0 = arith.constant 0 : index
    %get3A_1 = vector.load %arg1[%get3A, %get3A_0] : memref<1024x1024xf32, #tpu.memory_space<vmem>>, vector<1024x1024xf32>
    %convert_element_type3A = arith.truncf %get3A_1 : vector<1024x1024xf32> to vector<1024x1024xbf16>
    %get3A_2 = arith.constant 0 : index
    %get3A_3 = arith.constant 0 : index
    %get3A_4 = vector.load %arg3[%get3A_2, %get3A_3] : memref<1024x1024xbf16, #tpu.memory_space<vmem>>, vector<1024x1024xbf16>
    %dot_general3A = arith.constant dense<0.000000e+00> : vector<1024x1024xf32>
    %dot_general3A_5 = tpu.matmul %convert_element_type3A, %get3A_4, %dot_general3A {dimension_numbers = #tpu.dot_dimension_numbers<[1], [0], [0], [1], [0, 0, 1, 1], [], []>, transpose_lhs_hint = false} : vector<1024x1024xbf16>, vector<1024x1024xbf16>, vector<1024x1024xf32> -> vector<1024x1024xf32>
    %get3A_6 = arith.constant 0 : index
    %get3A_7 = arith.constant 0 : index
    %get3A_8 = vector.load %arg4[%get3A_6, %get3A_7] : memref<1x1024xf32, #tpu.memory_space<vmem>>, vector<1x1024xf32>
    %add3A = vector.broadcast %get3A_8 : vector<1x1024xf32> to vector<1024x1024xf32>
    %add3A_9 = arith.addf %dot_general3A_5, %add3A : vector<1024x1024xf32>
    %exp3A = math.exp %add3A_9 : vector<1024x1024xf32>
    %reduce_sum3A = arith.constant dense<0.000000e+00> : vector<1024xf32>
    %reduce_sum3A_10 = vector.multi_reduction <add>, %exp3A, %reduce_sum3A [1] : vector<1024x1024xf32> to vector<1024xf32>
    %broadcast_in_dim3A = vector.shape_cast %reduce_sum3A_10 : vector<1024xf32> to vector<1024x1xf32>
    %log3A = math.log %broadcast_in_dim3A : vector<1024x1xf32>
    %mul3A = arith.mulf %exp3A, %add3A_9 : vector<1024x1024xf32>
    %reduce_sum3A_11 = arith.constant dense<0.000000e+00> : vector<1024xf32>
    %reduce_sum3A_12 = vector.multi_reduction <add>, %mul3A, %reduce_sum3A_11 [1] : vector<1024x1024xf32> to vector<1024xf32>
    %broadcast_in_dim3A_13 = vector.shape_cast %reduce_sum3A_12 : vector<1024xf32> to vector<1024x1xf32>
    %div3A = arith.divf %broadcast_in_dim3A_13, %broadcast_in_dim3A : vector<1024x1xf32>
    %sub3A = arith.subf %log3A, %div3A : vector<1024x1xf32>
    %swap3A = arith.constant 0 : index
    %swap3A_14 = arith.constant 0 : index
    %swap3A_15 = vector.load %arg6[%swap3A, %swap3A_14] : memref<1024x1xf32, #tpu.memory_space<vmem>>, vector<1024x1xf32>
    tpu.vector_store %arg6[%swap3A, %swap3A_14], %sub3A {strides = array<i32>} : memref<1024x1xf32, #tpu.memory_space<vmem>>, vector<1024x1xf32>,
    %get3A_16 = arith.constant 0 : index
    %get3A_17 = arith.constant 0 : index
    %get3A_18 = vector.load %arg2[%get3A_16, %get3A_17] : memref<1024x1xi32, #tpu.memory_space<vmem>>, vector<1024x1xi32>
    %iota3A = tpu.iota {dimensions = array<i32: 1>} : vector<1024x1024xi32>
    %eq3A = vector.broadcast %get3A_18 : vector<1024x1xi32> to vector<1024x1024xi32>
    %eq3A_19 = arith.cmpi eq, %iota3A, %eq3A : vector<1024x1024xi32>
    %jit3A = arith.constant 0.000000e+00 : f32
    %broadcast_in_dim3A_20 = vector.broadcast %jit3A : f32 to vector<1024x1024xf32>
    %select_n3A = arith.select %eq3A_19, %add3A_9, %broadcast_in_dim3A_20 : vector<1024x1024xi1>, vector<1024x1024xf32>
    %reduce_sum3A_21 = arith.constant dense<0.000000e+00> : vector<1024xf32>
    %reduce_sum3A_22 = vector.multi_reduction <add>, %select_n3A, %reduce_sum3A_21 [1] : vector<1024x1024xf32> to vector<1024xf32>
    %broadcast_in_dim3A_23 = vector.shape_cast %reduce_sum3A_22 : vector<1024xf32> to vector<1024x1xf32>
    %sub3A_24 = arith.subf %broadcast_in_dim3A_23, %log3A : vector<1024x1xf32>
    %swap3A_25 = arith.constant 0 : index
    %swap3A_26 = arith.constant 0 : index
    %swap3A_27 = vector.load %arg5[%swap3A_25, %swap3A_26] : memref<1024x1xf32, #tpu.memory_space<vmem>>, vector<1024x1xf32>
    tpu.vector_store %arg5[%swap3A_25, %swap3A_26], %sub3A_24 {strides = array<i32>} : memref<1024x1xf32, #tpu.memory_space<vmem>>, vector<1024x1xf32>,
    return
  }
  func.func @transform_0(%arg0: i32) -> (i32, i32) {
    %c0_i32 = arith.constant 0 : i32
    %c0_i32_0 = arith.constant 0 : i32
    return %arg0, %c0_i32 : i32, i32
  }
  func.func @transform_1(%arg0: i32) -> (i32, i32) {
    %c0_i32 = arith.constant 0 : i32
    %c0_i32_0 = arith.constant 0 : i32
    return %arg0, %c0_i32 : i32, i32
  }
  func.func @transform_2(%arg0: i32) -> (i32, i32) {
    %c0_i32 = arith.constant 0 : i32
    %c0_i32_0 = arith.constant 0 : i32
    %c0_i32_1 = arith.constant 0 : i32
    return %c0_i32, %c0_i32_0 : i32, i32
  }
  func.func @transform_3(%arg0: i32) -> (i32, i32) {
    %c0_i32 = arith.constant 0 : i32
    %c0_i32_0 = arith.constant 0 : i32
    %c0_i32_1 = arith.constant 0 : i32
    return %c0_i32, %c0_i32_0 : i32, i32
  }
  func.func @transform_4(%arg0: i32) -> (i32, i32) {
    %c0_i32 = arith.constant 0 : i32
    %c0_i32_0 = arith.constant 0 : i32
    return %arg0, %c0_i32 : i32, i32
  }
  func.func @transform_5(%arg0: i32) -> (i32, i32) {
    %c0_i32 = arith.constant 0 : i32
    %c0_i32_0 = arith.constant 0 : i32
    return %arg0, %c0_i32 : i32, i32
  }
}

</mosaic_0001>

<sc_bundles>
// kernel: kernel.10.cloned.1.call-start
scs
__scs_entry_jumppad:
0x0: {  	(pc) =	sbr.rel $0x88, $3  }
0x1: {  	(tag) =	ssettag $0x0;
	lr =	simm.s32 $0x1  }
0x2: {  	[smem:$0x3F9C] =	sst lr;
	_ =	strace $0xD0000000  }
0x3: {  	_ = 	snop  }
0x4: {  	_ = 	snop  }
0x5: {  	_ = 	snop  }
0x6: {  	_ = 	snop  }
0x7: {  	_ = 	snop  }
__scs_overlays_trampoline_lowered:
0x8: {  	[smem:$0x3FAB] =	sst s0  }
0x9: {  	[smem:$0x3FAC] =	sst s1  }
0xa: {  	[smem:$0x3FAD] =	sst s2  }
0xb: {  	[smem:$0x3FAE] =	sst s3  }
0xc: {  	[smem:$0x3FAF] =	sst s4  }
0xd: {  	[smem:$0x3FB0] =	sst s5  }
0xe: {  	[smem:$0x3FB1] =	sst s6  }
0xf: {  	[smem:$0x3FB2] =	sst s7  }
0x10: {  	[smem:$0x3FB3] =	sst s8  }
0x11: {  	[smem:$0x3FB4] =	sst s9;
	s0 =	simm.s32 @!p0 $0x0  }
0x12: {  	s1 =	sld [smem:$0x3F9A];
	s0 =	simm.s32 @p0 $0x1  }
0x13: {  	[smem:$0x3FB5] =	sst s0;
	s0 =	simm.s32 @!p1 $0x0  }
0x14: {  	s2 =	sld [smem:$0x3F99];
	s0 =	simm.s32 @p1 $0x1  }
0x15: {  	[smem:$0x3FB6] =	sst s0;
	s0 =	simm.s32 @!p2 $0x0  }
0x16: {  	s3 =	sld [smem:$0x3FDB];
	s0 =	simm.s32 @p2 $0x1  }
0x17: {  	s4 =	simm.s32 $0x1BF5;
	[smem:$0x3FB8] =	sst s0  }
0x18: {  	s0 =	sld [smem:$0x3F9B];
	_ =	swait.ge [sflag:s4], $0x0  }
0x19: {  	s7 =	sld [smem:$0x3F9C]  }
0x1a: {  	s8 =	sadd.s32 $0xFFFFE003, lr  }
0x1b: {  	s9 =	sadd.s32 $0xFFFFFEF7, lr;
	s5 =	simm.s32 $0xFFFFFFFF;
	p2 =	slt.u32 s8, $0xFFFFF086  }
0x1c: {  	p1 =	slt.u32 s9, $0xF7A;
	s5 =	simm.s32 @!p2 $0x0  }
0x1d: {  	s5 =	simm.s32 @p1 $0x1;
	p0 =	seq.s32 s7, s2  }
0x1e: {  	s7 =	smul.u32 @!p0 $0xF7A, s2;
	p2 =	seq.s32 @!p0 s5, $0x0  }
0x1f: {  	s9 =	smul.u32 $0xF7A, s1;
	s8 =	simm.s32 @!p0 $0x1BF5;
	p2 =	por !p2, p0  }
0x20: {  	[sflag:s8] =	ssyncset.s32 @!p0 $0xFFFFF086;
	s6 =	sadd.s32 @!p0 s3, s7;
	s7 =	simm.s32 @!p0 $0x108  }
0x21: {  	s3 =	sadd.s32 s3, s9;
	s6 =	sadd.s32 @!p0 $0x88, s6;
	s7 =	simm.s32 @p2 $0x1082  }
0x22: {  	[simem:s7], [sflag:s8] =	dma.local @!p0 [hbm:s6], $0xF7A  }
0x23: {  	s9 =	sor.u32 $0xD0000000, s2;
	s6 =	simm.s32 $0x108;
	_ =	swait.ge @!p0 [sflag:s8], $0x0  }
0x24: {  	s3 =	sadd.s32 $0x88, s3;
	s6 =	simm.s32 @!p1 $0x1082;
	[sflag:s4] =	ssyncset.s32 $0xFFFFF086  }
0x25: {  	[simem:s6], [sflag:s4] =	dma.local [hbm:s3], $0xF7A  }
0x26: {  	[smem:$0x3F9C] =	sst s1;
	(tag) =	ssettag s2;
	_ =	strace s9  }
0x27: {  	s1 =	sld [smem:$0x3FAC]  }
0x28: {  	s2 =	sld [smem:$0x3FAD]  }
0x29: {  	s4 =	sld [smem:$0x3FAF]  }
0x2a: {  	p0 =	seq.s32 s5, $0x0;
	s5 =	sld [smem:$0x3FB0]  }
0x2b: {  	s6 =	sld [smem:$0x3FB1]  }
0x2c: {  	s7 =	sld [smem:$0x3FB2]  }
0x2d: {  	s3 =	simm.s32 $0x108;
	s8 =	sld [smem:$0x3FB3]  }
0x2e: {  	s3 =	simm.s32 @!p0 $0x1082;
	s9 =	sld [smem:$0x3FB4]  }
0x2f: {  	lr =	sadd.s32 s0, s3;
	s0 =	sld [smem:$0x3FAB]  }
0x30: {  	s3 =	sld [smem:$0x3FAE]  }
0x31: {  	[smem:$0x3FB7] =	sst s10  }
0x32: {  	s10 =	sld [smem:$0x3FB5];
	_ =	sdelay $0x3  }
0x33: {  	p0 =	seq.s32 s10, $0x1;
	s10 =	sld [smem:$0x3FB7];
	_ =	sdelay $0x3  }
0x34: {  	[smem:$0x3FB7] =	sst s10  }
0x35: {  	s10 =	sld [smem:$0x3FB6];
	_ =	sdelay $0x3  }
0x36: {  	p1 =	seq.s32 s10, $0x1;
	s10 =	sld [smem:$0x3FB7];
	_ =	sdelay $0x3  }
0x37: {  	[smem:$0x3FB7] =	sst s10  }
0x38: {  	s10 =	sld [smem:$0x3FB8]  }
0x39: {  	_ = 	snop;
	(pc) =	sbr.ind lr, $3  }
0x3a: {  	_ = 	snop  }
0x3b: {  	_ = 	snop  }
0x3c: {  	p2 =	seq.s32 s10, $0x1;
	s10 =	sld [smem:$0x3FB7]  }
0x3d: {  	_ =	shalt  }
0x3e: {  	_ =	shalt  }
0x3f: {  	_ =	shalt  }
0x40: {  	_ =	shalt  }
0x41: {  	_ =	shalt  }
0x42: {  	_ =	shalt  }
0x43: {  	_ =	shalt  }
0x44: {  	_ =	shalt  }
0x45: {  	_ =	shalt  }
0x46: {  	_ =	shalt  }
0x47: {  	_ =	shalt  }
0x48: {  	_ =	shalt  }
0x49: {  	_ =	shalt  }
0x4a: {  	_ =	shalt  }
0x4b: {  	_ =	shalt  }
0x4c: {  	_ =	shalt  }
0x4d: {  	_ =	shalt  }
0x4e: {  	_ =	shalt  }
0x4f: {  	_ =	shalt  }
0x50: {  	_ =	shalt  }
0x51: {  	_ =	shalt  }
0x52: {  	_ =	shalt  }
0x53: {  	_ =	shalt  }
0x54: {  	_ =	shalt  }
0x55: {  	_ =	shalt  }
0x56: {  	_ =	shalt  }
0x57: {  	_ =	shalt  }
0x58: {  	_ =	shalt  }
0x59: {  	_ =	shalt  }
0x5a: {  	_ =	shalt  }
0x5b: {  	_ =	shalt  }
0x5c: {  	_ =	shalt  }
0x5d: {  	_ =	shalt  }
0x5e: {  	_ =	shalt  }
0x5f: {  	_ =	shalt  }
0x60: {  	_ =	shalt  }
0x61: {  	_ =	shalt  }
0x62: {  	_ =	shalt  }
0x63: {  	_ =	shalt  }
0x64: {  	_ =	shalt  }
0x65: {  	_ =	shalt  }
0x66: {  	_ =	shalt  }
0x67: {  	_ =	shalt  }
0x68: {  	_ =	shalt  }
0x69: {  	_ =	shalt  }
0x6a: {  	_ =	shalt  }
0x6b: {  	_ =	shalt  }
0x6c: {  	_ =	shalt  }
0x6d: {  	_ =	shalt  }
0x6e: {  	_ =	shalt  }
0x6f: {  	_ =	shalt  }
0x70: {  	_ =	shalt  }
0x71: {  	_ =	shalt  }
0x72: {  	_ =	shalt  }
0x73: {  	_ =	shalt  }
0x74: {  	_ =	shalt  }
0x75: {  	_ =	shalt  }
0x76: {  	_ =	shalt  }
0x77: {  	_ =	shalt  }
0x78: {  	_ =	shalt  }
0x79: {  	_ =	shalt  }
0x7a: {  	_ =	shalt  }
0x7b: {  	_ =	shalt  }
0x7c: {  	_ =	shalt  }
0x7d: {  	_ =	shalt  }
0x7e: {  	_ =	shalt  }
0x7f: {  	_ =	shalt  }
0x80: {  	_ =	shalt  }
0x81: {  	_ =	shalt  }
0x82: {  	_ =	shalt  }
0x83: {  	_ =	shalt  }
0x84: {  	_ =	shalt  }
0x85: {  	_ =	shalt  }
0x86: {  	_ =	shalt  }
0x87: {  	_ =	shalt  }
.Lfunc_end0:
.L_simem_size_0:
called_computation_lowered:
.L_overlay_start_0:
0x88: {  	s2 =	sld [smem:$0x3FD9]  }
0x89: {  	s3 =	sld [smem:$0x3FFE];
	_ =	sdelay $0x1  }
0x8a: {  	s1 =	srdreg.scid  }
0x8b: {  	s0 =	sand.u32 $0x1, s1  }
0x8c: {  	s17 =	sshll.u32 s0, $0xA;
	s2 =	sadd.s32 s3, s2  }
0x8d: {  	s2 =	sadd.s32 s2, s17  }
0x8e: {  	[smem:$0x3FC3] =	sst s2  }
0x8f: {  	_ = 	snop  }
0x90: {  	s18 =	sld [smem:$0x3FC9];
	(tm) =	ssettm $0x1  }
0x91: {  	s19 =	sld [smem:$0x3FFB];
	_ =	sdelay $0x3  }
0x92: {  	_ =	strace s19  }
0x93: {  	s2 =	sld [smem:$0x3FFC];
	_ =	sdelay $0x3  }
0x94: {  	_ =	strace s2  }
0x95: {  	s2 =	sld [smem:$0x3FFD];
	_ =	sdelay $0x3  }
0x96: {  	_ =	strace s2  }
0x97: {  	_ =	strace $0x8FFFFFFF  }
0x98: {  	s20 =	sld [smem:$0x3FDB];
	_ =	sdelay $0x1  }
0x99: {  	s4 =	simm.s32 $_scs_section_size  }
0x9a: {  	s5 =	simm.s32 $_size__tile_overlayer_lowered;
	s6 =	simm.s32 $_tile_overlayer_lowered  }
0x9b: {  	s7 =	simm.s32 $0x1BFF;
	s21 =	sshll.u32 s6, $0x1;
	s4 =	sadd.s32 s4, s20  }
0x9c: {  	s22 =	simm.s32 $0x0;
	s5 =	sshll.u32 s5, $0x1;
	s6 =	sadd.s32 s21, s4  }
0x9d: {  	[timem:s22], [sflag:s7] =	dma.local [hbm:s6], s5  }
0x9e: {  	_ =	swait.ge [sflag:s7], s5  }
0x9f: {  	s5 =	ssub.s32 $0x0, s5;
	[sflag:s7] =	ssyncset.done $0x0  }
0xa0: {  	[sflag:s7] =	ssyncadd.s32 s5;
	_ =	sdelay $0x1  }
0xa1: {  	s23 =	simm.s32 $0x1B8B  }
0xa2: {  	_ =	swait.ge [sflag:s23], $0x1  }
0xa3: {  	[sflag:s23] =	ssyncset.done $0x0  }
0xa4: {  	[sflag:s23] =	ssyncadd.s32 $0xFFFFFFFF  }
0xa5: {  	s5 =	sld [smem:$0x0]  }
0xa6: {  	s6 =	sand.u32 $0xFFFFFFFE, s1  }
0xa7: {  	p0 =	sne.s32 s1, s6  }
0xa8: {  	s6 =	sshll.u32 @p0 s6, $0xE  }
0xa9: {  	s6 =	sadd.s32 @p0 $0x11B8D, s6;
	s7 =	sshll.u32 @p0 s5, $0x11  }
0xaa: {  	s6 =	sor.u32 @p0 s7, s6  }
0xab: {  	[sflag:s6] =	ssyncadd.remote.s32 @p0 $0x1;
	_ =	sdelay $0x1  }
0xac: {  	s6 =	simm.s32 @p0 $0x1B8D  }
0xad: {  	_ =	swait.eq @p0 [sflag:s6], $0x1  }
0xae: {  	[sflag:s6] =	ssyncadd.s32 @p0 $0xFFFFFFFF  }
0xaf: {  	s7 =	sshll.u32 @!p0 s1, $0xE  }
0xb0: {  	s7 =	sor.u32 @!p0 $0x4000, s7;
	s6 =	simm.s32 @!p0 $0x1B8D  }
0xb1: {  	s5 =	sshll.u32 @!p0 s5, $0x11;
	s7 =	sadd.s32 @!p0 $0x11B8D, s7;
	_ =	swait.eq @!p0 [sflag:s6], $0x1  }
0xb2: {  	s5 =	sor.u32 @!p0 s5, s7;
	[sflag:s6] =	ssyncadd.s32 @!p0 $0xFFFFFFFF  }
0xb3: {  	s25 =	simm.s32 $0x1B8E;
	s24 =	sld [smem:$0x3FFE];
	[sflag:s5] =	ssyncadd.remote.s32 @!p0 $0x1  }
0xb4: {  	s26 =	simm.s32 $execute0_lowered;
	[smem:$0x3FD2] =	sst s25  }
0xb5: {  	s6 =	sshll.u32 s26, $0x1;
	_ =	strace $0x8000004F;
	[dreg:$0x1] =	wrdreg $0xFFFFFFFF  }
0xb6: {  	s28 =	simm.s32 $_size_execute0_lowered;
	s4 =	sadd.s32 s4, s6;
	[dreg:$0x0] =	wrdreg $0x0  }
0xb7: {  	s6 =	sshll.u32 s28, $0x1;
	[dreg:$0x2] =	wrdreg s4  }
0xb8: {  	[dreg:$0x3] =	wrdreg s6  }
0xb9: {  	[dreg:$0x4] =	wrdreg $0xC0  }
0xba: {  	_ =	task [dreg:s22], $0x5FFFF  }
0xbb: {  	[dreg:$0x1] =	wrdreg $0xFFFFFFFF  }
0xbc: {  	[dreg:$0x0] =	wrdreg $0x60  }
0xbd: {  	[dreg:$0x2] =	wrdreg s18  }
0xbe: {  	[dreg:$0x3] =	wrdreg s24  }
0xbf: {  	[dreg:$0x4] =	wrdreg $0x9  }
0xc0: {  	_ =	task.clear_ibuf [dreg:s22], $0x5FFFF;
	_ =	strace $0x9000004F  }
0xc1: {  	s29 =	simm.s32 $0x9;
	_ =	strace $0x80000051  }
0xc2: {  	_ =	swait.ge [sflag:s29], $0x1  }
0xc3: {  	[sflag:s29] =	ssyncadd.s32 $0xFFFFFFFF  }
0xc4: {  	_ =	strace $0x90000051  }
0xc5: {  	_ =	sfence  }
0xc6: {  	s30 =	sld [smem:$0x0];
	_ =	sdelay $0x2  }
0xc7: {  	s31 =	sshll.u32 s1, $0xD;
	s1 =	sshrl.u32 s1, $0x2  }
0xc8: {  	s4 =	sand.u32 $0x4000, s31;
	s1 =	sadd.s32 s1, s30  }
0xc9: {  	s0 =	sor.u32 s4, s0;
	s1 =	sshll.u32 s1, $0x11  }
0xca: {  	s0 =	sor.u32 s1, s0  }
0xcb: {  	s0 =	sadd.s32 $0x8F2B, s0  }
0xcc: {  	[sflag:s0] =	ssyncadd.remote.s32 $0x1  }
0xcd: {  	_ =	sfence.sel $0xFFFF  }
0xce: {  	[dreg:$0x0] =	wrdreg $0xFFFFFFFF;
	(pc) =	sbr.abs _section_cstart, $3  }
0xcf: {  	[dreg:$0x1] =	wrdreg $0xFFFFFFFF  }
0xd0: {  	_ =	task.clear_ibuf [dreg:s22], $0x2FFFF;
	_ =	strace $0x9FFFFFFF  }
0xd1: {  	(tm) =	ssettm $0x7FFFFFFF  }
tec
execute0_lowered:
.L_overlay_start_1:
0x0: {  	(tag) =	ssettag $0x1  }
0x1: {  	s0 =	srdreg.scid;
	s2 =	rddreg [dreg:$0x0]  }
0x2: {  	s1 =	stileid.u32;
	s4 =	rddreg [dreg:$0x1]  }
0x3: {  	s3 =	simm.s32 $0x0;
	s19 =	simm.s32 $0x2;
	s21 =	simm.s32 $0xA00  }
0x4: {  	s28 =	simm.s32 $0x2A00;
	s29 =	simm.s32 $0x3200;
	s30 =	simm.s32 $0x3A00  }
0x5: {  	s31 =	simm.s32 $0x4200;
	s8 =	simm.s32 $0x5200;
	s10 =	simm.s32 $0x5A00  }
0x6: {  	s11 =	simm.s32 $0x6200;
	s12 =	simm.s32 $0x6A00;
	s13 =	simm.s32 $0x7200  }
0x7: {  	s14 =	simm.s32 $0x7A00;
	s15 =	simm.s32 $0x8A00;
	s16 =	simm.s32 $0x9200  }
0x8: {  	s17 =	simm.s32 $0x9A00;
	s0 =	sand.u32 $0x1, s0;
	s1 =	sshll.u32 s1, $0x1  }
0x9: {  	s18 =	simm.s32 $0xA200;
	[smem:$0x7FF] =	sst s3;
	s1 =	sor.u32 s0, s1  }
0xa: {  	s6 =	sadd.s32 $0x300, s2;
	_ =	strace $0x80000050;
	s5 =	sshll.u32 s1, $0x6  }
0xb: {  	s0 =	ssub.s32 $0x2, s0;
	s1 =	sshll.u32 s1, $0xE;
	s5 =	sadd.s32 s5, s4  }
0xc: {  	s24 =	sshrl.u32 s0, $0x1;
	s1 =	sadd.s32 s1, s4;
	s22 =	sadd.s32 $0x180000, s5  }
0xd: {  	s0 =	ssub.s32 s0, s24;
	s23 =	sadd.s32 $0x180800, s1;
	[dreg:$0x3] =	wrdreg s22  }
0xe: {  	s4 =	sadd.s32 $0x100, s2;
	s25 =	sadd.s32 $0x181800, s1;
	[dreg:$0x4] =	wrdreg s23  }
0xf: {  	s24 =	simm.s32 $0x2200;
	s26 =	sadd.s32 $0x182800, s1;
	[dreg:$0x5] =	wrdreg s25  }
0x10: {  	v2 =	vlaneseq.u32;
	s1 =	sadd.s32 $0x183800, s1;
	s5 =	sadd.s32 $0x200, s2;
	[dreg:$0x6] =	wrdreg s26  }
0x11: {  	vm0 =	vmmov $0xffff;
	v1 =	vshrl.u32 v2, $0x3;
	s7 =	smax.u32 s0, $0x1;
	[dreg:$0x7] =	wrdreg s1;
	s25 =	simm.s32 $0x1  }
0x12: {  	v0 =	vand.u32 $0x7, v2;
	v2 =	vor.u32 $0x8, v2;
	v1 =	vmul.u32 $0x8, v1;
	s26 =	simm.s32 $0x200;
	s22 =	simm.s32 $0x1200;
	s23 =	simm.s32 $0x1A00  }
.LBB2_1:
0x13: {  	s20 =	rddreg [dreg:$0x3];
	s0 =	simm.s32 $0x3  }
0x14: {  	[tilespmem:s3], [sflag:$0x3] =	stream.linear.gather [hbm4b:s20+s3], $0x200, $0x38;
	[tilespmem:$0x10200] =	vst v63  }
0x15: {  	_ =	swait.ge [sflag:s0], $0x200  }
0x16: {  	[sflag:s0] =	ssyncset.done $0x0  }
0x17: {  	[sflag:s0] =	ssyncadd.s32 $0xFFFFFE00  }
0x18: {  	v3 =	vld [tilespmem:$0x0];
	_ =	sdelay $0x4  }
0x19: {  	v4 =	vshll.u32 v3, $0x3  }
0x1a: {  	v3 =	vand.u32 $0x7, v3;
	v4 =	vand.u32 $0xFFFFFFC0, v4  }
0x1b: {  	v3 =	vor.u32 v3, v4  }
0x1c: {  	v4 =	vperm.xlane v3, v0;
	_ =	sdelay $0x1  }
0x1d: {  	v4 =	vadd.s32 v1, v4;
	_ =	sdelay $0x4  }
0x1e: {  	[tilespmem:s26], [sflag:$0x1] =	stream.indirect_vreg.gather [hbm4b:s2+s3], $0x80, v4, vm0, $0xb8;
	[tilespmem:$0x10200] =	vst v63  }
0x1f: {  	v3 =	vperm.xlane v3, v2  }
0x20: {  	[tilespmem:s21], [sflag:$0x1] =	stream.indirect_vreg.gather [hbm4b:s4+s3], $0x80, v4, vm0, $0xb8;
	[tilespmem:$0x10200] =	vst v63  }
0x21: {  	v3 =	vadd.s32 v1, v3  }
0x22: {  	[tilespmem:s22], [sflag:$0x1] =	stream.indirect_vreg.gather [hbm4b:s5+s3], $0x80, v4, vm0, $0xb8;
	[tilespmem:$0x10200] =	vst v63  }
0x23: {  	_ = 	snop  }
0x24: {  	[tilespmem:s23], [sflag:$0x1] =	stream.indirect_vreg.gather [hbm4b:s6+s3], $0x80, v4, vm0, $0xb8;
	[tilespmem:$0x10200] =	vst v63  }
0x25: {  	_ = 	snop  }
0x26: {  	[tilespmem:s24], [sflag:$0x1] =	stream.indirect_vreg.gather [hbm4b:s2+s3], $0x80, v3, vm0, $0xb8;
	[tilespmem:$0x10200] =	vst v63  }
0x27: {  	_ = 	snop  }
0x28: {  	[tilespmem:s28], [sflag:$0x1] =	stream.indirect_vreg.gather [hbm4b:s4+s3], $0x80, v3, vm0, $0xb8;
	[tilespmem:$0x10200] =	vst v63  }
0x29: {  	_ = 	snop  }
0x2a: {  	[tilespmem:s29], [sflag:$0x1] =	stream.indirect_vreg.gather [hbm4b:s5+s3], $0x80, v3, vm0, $0xb8;
	[tilespmem:$0x10200] =	vst v63  }
0x2b: {  	_ = 	snop  }
0x2c: {  	[tilespmem:s30], [sflag:$0x1] =	stream.indirect_vreg.gather [hbm4b:s6+s3], $0x80, v3, vm0, $0xb8;
	[tilespmem:$0x10200] =	vst v63  }
0x2d: {  	v3 =	vld [tilespmem:$0x10];
	_ =	sdelay $0x4  }
0x2e: {  	v57 =	vshll.u32 v3, $0x3  }
0x2f: {  	v3 =	vand.u32 $0x7, v3;
	v4 =	vand.u32 $0xFFFFFFC0, v57  }
0x30: {  	v3 =	vor.u32 v3, v4  }
0x31: {  	v4 =	vperm.xlane v3, v0;
	_ =	sdelay $0x1  }
0x32: {  	v4 =	vadd.s32 v1, v4;
	_ =	sdelay $0x4  }
0x33: {  	[tilespmem:s31], [sflag:$0x1] =	stream.indirect_vreg.gather [hbm4b:s2+s3], $0x80, v4, vm0, $0xb8;
	[tilespmem:$0x10200] =	vst v63  }
0x34: {  	s1 =	simm.s32 $0x4A00;
	v3 =	vperm.xlane v3, v2  }
0x35: {  	[tilespmem:s1], [sflag:$0x1] =	stream.indirect_vreg.gather [hbm4b:s4+s3], $0x80, v4, vm0, $0xb8;
	[tilespmem:$0x10200] =	vst v63  }
0x36: {  	v3 =	vadd.s32 v1, v3  }
0x37: {  	[tilespmem:s8], [sflag:$0x1] =	stream.indirect_vreg.gather [hbm4b:s5+s3], $0x80, v4, vm0, $0xb8;
	[tilespmem:$0x10200] =	vst v63  }
0x38: {  	_ = 	snop  }
0x39: {  	[tilespmem:s10], [sflag:$0x1] =	stream.indirect_vreg.gather [hbm4b:s6+s3], $0x80, v4, vm0, $0xb8;
	[tilespmem:$0x10200] =	vst v63  }
0x3a: {  	_ = 	snop  }
0x3b: {  	[tilespmem:s11], [sflag:$0x1] =	stream.indirect_vreg.gather [hbm4b:s2+s3], $0x80, v3, vm0, $0xb8;
	[tilespmem:$0x10200] =	vst v63  }
0x3c: {  	_ = 	snop  }
0x3d: {  	[tilespmem:s12], [sflag:$0x1] =	stream.indirect_vreg.gather [hbm4b:s4+s3], $0x80, v3, vm0, $0xb8;
	[tilespmem:$0x10200] =	vst v63  }
0x3e: {  	_ = 	snop  }
0x3f: {  	[tilespmem:s13], [sflag:$0x1] =	stream.indirect_vreg.gather [hbm4b:s5+s3], $0x80, v3, vm0, $0xb8;
	[tilespmem:$0x10200] =	vst v63  }
0x40: {  	_ = 	snop  }
0x41: {  	[tilespmem:s14], [sflag:$0x1] =	stream.indirect_vreg.gather [hbm4b:s6+s3], $0x80, v3, vm0, $0xb8;
	[tilespmem:$0x10200] =	vst v63  }
0x42: {  	_ =	swait.ge [sflag:s25], $0x8000  }
0x43: {  	[sflag:s25] =	ssyncset.done $0x0  }
0x44: {  	[sflag:s25] =	ssyncadd.s32 $0xFFFF8000  }
0x45: {  	v3 =	vld [tilespmem:$0x80];
	_ =	sdelay $0x4  }
0x46: {  	v58 =	vshll.u32 v3, $0x3  }
0x47: {  	v3 =	vand.u32 $0x7, v3;
	v4 =	vand.u32 $0xFFFFFFC0, v58  }
0x48: {  	v3 =	vor.u32 v3, v4  }
0x49: {  	v4 =	vperm.xlane v3, v0;
	_ =	sdelay $0x1  }
0x4a: {  	v4 =	vadd.s32 v1, v4;
	_ =	sdelay $0x3  }
0x4b: {  	s0 =	simm.s32 $0x8200  }
0x4c: {  	[tilespmem:s0], [sflag:$0x1] =	stream.indirect_vreg.gather [hbm4b:s2+s3], $0x80, v4, vm0, $0xb8;
	[tilespmem:$0x10200] =	vst v63  }
0x4d: {  	v3 =	vperm.xlane v3, v2  }
0x4e: {  	[tilespmem:s15], [sflag:$0x1] =	stream.indirect_vreg.gather [hbm4b:s4+s3], $0x80, v4, vm0, $0xb8;
	[tilespmem:$0x10200] =	vst v63  }
0x4f: {  	v3 =	vadd.s32 v1, v3  }
0x50: {  	[tilespmem:s16], [sflag:$0x1] =	stream.indirect_vreg.gather [hbm4b:s5+s3], $0x80, v4, vm0, $0xb8;
	[tilespmem:$0x10200] =	vst v63  }
0x51: {  	_ = 	snop  }
0x52: {  	[tilespmem:s17], [sflag:$0x1] =	stream.indirect_vreg.gather [hbm4b:s6+s3], $0x80, v4, vm0, $0xb8;
	[tilespmem:$0x10200] =	vst v63  }
0x53: {  	_ = 	snop  }
0x54: {  	[tilespmem:s18], [sflag:$0x1] =	stream.indirect_vreg.gather [hbm4b:s2+s3], $0x80, v3, vm0, $0xb8;
	[tilespmem:$0x10200] =	vst v63  }
0x55: {  	s9 =	simm.s32 $0xAA00  }
0x56: {  	[tilespmem:s9], [sflag:$0x1] =	stream.indirect_vreg.gather [hbm4b:s4+s3], $0x80, v3, vm0, $0xb8;
	[tilespmem:$0x10200] =	vst v63  }
0x57: {  	s20 =	simm.s32 $0xB200  }
0x58: {  	[tilespmem:s20], [sflag:$0x1] =	stream.indirect_vreg.gather [hbm4b:s5+s3], $0x80, v3, vm0, $0xb8;
	[tilespmem:$0x10200] =	vst v63  }
0x59: {  	s9 =	simm.s32 $0xBA00  }
0x5a: {  	[tilespmem:s9], [sflag:$0x1] =	stream.indirect_vreg.gather [hbm4b:s6+s3], $0x80, v3, vm0, $0xb8;
	[tilespmem:$0x10200] =	vst v63  }
0x5b: {  	v3 =	vld [tilespmem:$0x90];
	_ =	sdelay $0x4  }
0x5c: {  	v59 =	vshll.u32 v3, $0x3  }
0x5d: {  	v3 =	vand.u32 $0x7, v3;
	v4 =	vand.u32 $0xFFFFFFC0, v59  }
0x5e: {  	v3 =	vor.u32 v3, v4  }
0x5f: {  	v4 =	vperm.xlane v3, v0;
	_ =	sdelay $0x1  }
0x60: {  	v4 =	vadd.s32 v1, v4;
	_ =	sdelay $0x3  }
0x61: {  	s9 =	simm.s32 $0xC200  }
0x62: {  	[tilespmem:s9], [sflag:$0x1] =	stream.indirect_vreg.gather [hbm4b:s2+s3], $0x80, v4, vm0, $0xb8;
	[tilespmem:$0x10200] =	vst v63  }
0x63: {  	v3 =	vperm.xlane v3, v2;
	s9 =	simm.s32 $0xCA00  }
0x64: {  	[tilespmem:s9], [sflag:$0x1] =	stream.indirect_vreg.gather [hbm4b:s4+s3], $0x80, v4, vm0, $0xb8;
	[tilespmem:$0x10200] =	vst v63  }
0x65: {  	v3 =	vadd.s32 v1, v3;
	s9 =	simm.s32 $0xD200  }
0x66: {  	[tilespmem:s9], [sflag:$0x1] =	stream.indirect_vreg.gather [hbm4b:s5+s3], $0x80, v4, vm0, $0xb8;
	[tilespmem:$0x10200] =	vst v63  }
0x67: {  	s9 =	simm.s32 $0xDA00  }
0x68: {  	[tilespmem:s9], [sflag:$0x1] =	stream.indirect_vreg.gather [hbm4b:s6+s3], $0x80, v4, vm0, $0xb8;
	[tilespmem:$0x10200] =	vst v63  }
0x69: {  	s9 =	simm.s32 $0xE200  }
0x6a: {  	[tilespmem:s9], [sflag:$0x1] =	stream.indirect_vreg.gather [hbm4b:s2+s3], $0x80, v3, vm0, $0xb8;
	[tilespmem:$0x10200] =	vst v63  }
0x6b: {  	s9 =	simm.s32 $0xEA00  }
0x6c: {  	[tilespmem:s9], [sflag:$0x1] =	stream.indirect_vreg.gather [hbm4b:s4+s3], $0x80, v3, vm0, $0xb8;
	[tilespmem:$0x10200] =	vst v63  }
0x6d: {  	s9 =	simm.s32 $0xF200  }
0x6e: {  	[tilespmem:s9], [sflag:$0x1] =	stream.indirect_vreg.gather [hbm4b:s5+s3], $0x80, v3, vm0, $0xb8;
	[tilespmem:$0x10200] =	vst v63  }
0x6f: {  	s9 =	simm.s32 $0xFA00  }
0x70: {  	[tilespmem:s9], [sflag:$0x1] =	stream.indirect_vreg.gather [hbm4b:s6+s3], $0x80, v3, vm0, $0xb8;
	[tilespmem:$0x10200] =	vst v63  }
0x71: {  	s20 =	rddreg [dreg:$0x4]  }
0x72: {  	[hbm4b:s20+s3] =	stream.linear.scatter [tilespmem:s26], [sflag:$0x2], $0x8000, $0x38;
	[tilespmem:$0x10200] =	vst v63  }
0x73: {  	_ =	swait.ge [sflag:s25], $0x8000  }
0x74: {  	[sflag:s25] =	ssyncset.done $0x0  }
0x75: {  	[sflag:s25] =	ssyncadd.s32 $0xFFFF8000  }
0x76: {  	_ =	swait.ge [sflag:s19], $0x8000  }
0x77: {  	[sflag:s19] =	ssyncset.done $0x0  }
0x78: {  	[sflag:s19] =	ssyncadd.s32 $0xFFFF8000  }
0x79: {  	v3 =	vld [tilespmem:$0x100];
	_ =	sdelay $0x4  }
0x7a: {  	v60 =	vshll.u32 v3, $0x3  }
0x7b: {  	v3 =	vand.u32 $0x7, v3;
	v4 =	vand.u32 $0xFFFFFFC0, v60  }
0x7c: {  	v3 =	vor.u32 v3, v4  }
0x7d: {  	v4 =	vperm.xlane v3, v0;
	_ =	sdelay $0x1  }
0x7e: {  	v4 =	vadd.s32 v1, v4;
	_ =	sdelay $0x4  }
0x7f: {  	[tilespmem:s26], [sflag:$0x1] =	stream.indirect_vreg.gather [hbm4b:s2+s3], $0x80, v4, vm0, $0xb8;
	[tilespmem:$0x10200] =	vst v63  }
0x80: {  	v3 =	vperm.xlane v3, v2  }
0x81: {  	[tilespmem:s21], [sflag:$0x1] =	stream.indirect_vreg.gather [hbm4b:s4+s3], $0x80, v4, vm0, $0xb8;
	[tilespmem:$0x10200] =	vst v63  }
0x82: {  	v3 =	vadd.s32 v1, v3  }
0x83: {  	[tilespmem:s22], [sflag:$0x1] =	stream.indirect_vreg.gather [hbm4b:s5+s3], $0x80, v4, vm0, $0xb8;
	[tilespmem:$0x10200] =	vst v63  }
0x84: {  	_ = 	snop  }
0x85: {  	[tilespmem:s23], [sflag:$0x1] =	stream.indirect_vreg.gather [hbm4b:s6+s3], $0x80, v4, vm0, $0xb8;
	[tilespmem:$0x10200] =	vst v63  }
0x86: {  	_ = 	snop  }
0x87: {  	[tilespmem:s24], [sflag:$0x1] =	stream.indirect_vreg.gather [hbm4b:s2+s3], $0x80, v3, vm0, $0xb8;
	[tilespmem:$0x10200] =	vst v63  }
0x88: {  	_ = 	snop  }
0x89: {  	[tilespmem:s28], [sflag:$0x1] =	stream.indirect_vreg.gather [hbm4b:s4+s3], $0x80, v3, vm0, $0xb8;
	[tilespmem:$0x10200] =	vst v63  }
0x8a: {  	_ = 	snop  }
0x8b: {  	[tilespmem:s29], [sflag:$0x1] =	stream.indirect_vreg.gather [hbm4b:s5+s3], $0x80, v3, vm0, $0xb8;
	[tilespmem:$0x10200] =	vst v63  }
0x8c: {  	_ = 	snop  }
0x8d: {  	[tilespmem:s30], [sflag:$0x1] =	stream.indirect_vreg.gather [hbm4b:s6+s3], $0x80, v3, vm0, $0xb8;
	[tilespmem:$0x10200] =	vst v63  }
0x8e: {  	v3 =	vld [tilespmem:$0x110];
	_ =	sdelay $0x4  }
0x8f: {  	v61 =	vshll.u32 v3, $0x3  }
0x90: {  	v3 =	vand.u32 $0x7, v3;
	v4 =	vand.u32 $0xFFFFFFC0, v61  }
0x91: {  	v3 =	vor.u32 v3, v4  }
0x92: {  	v4 =	vperm.xlane v3, v0;
	_ =	sdelay $0x1  }
0x93: {  	v4 =	vadd.s32 v1, v4;
	_ =	sdelay $0x4  }
0x94: {  	[tilespmem:s31], [sflag:$0x1] =	stream.indirect_vreg.gather [hbm4b:s2+s3], $0x80, v4, vm0, $0xb8;
	[tilespmem:$0x10200] =	vst v63  }
0x95: {  	v3 =	vperm.xlane v3, v2  }
0x96: {  	[tilespmem:s1], [sflag:$0x1] =	stream.indirect_vreg.gather [hbm4b:s4+s3], $0x80, v4, vm0, $0xb8;
	[tilespmem:$0x10200] =	vst v63  }
0x97: {  	v3 =	vadd.s32 v1, v3  }
0x98: {  	[tilespmem:s8], [sflag:$0x1] =	stream.indirect_vreg.gather [hbm4b:s5+s3], $0x80, v4, vm0, $0xb8;
	[tilespmem:$0x10200] =	vst v63  }
0x99: {  	_ = 	snop  }
0x9a: {  	[tilespmem:s10], [sflag:$0x1] =	stream.indirect_vreg.gather [hbm4b:s6+s3], $0x80, v4, vm0, $0xb8;
	[tilespmem:$0x10200] =	vst v63  }
0x9b: {  	_ = 	snop  }
0x9c: {  	[tilespmem:s11], [sflag:$0x1] =	stream.indirect_vreg.gather [hbm4b:s2+s3], $0x80, v3, vm0, $0xb8;
	[tilespmem:$0x10200] =	vst v63  }
0x9d: {  	_ = 	snop  }
0x9e: {  	[tilespmem:s12], [sflag:$0x1] =	stream.indirect_vreg.gather [hbm4b:s4+s3], $0x80, v3, vm0, $0xb8;
	[tilespmem:$0x10200] =	vst v63  }
0x9f: {  	_ = 	snop  }
0xa0: {  	[tilespmem:s13], [sflag:$0x1] =	stream.indirect_vreg.gather [hbm4b:s5+s3], $0x80, v3, vm0, $0xb8;
	[tilespmem:$0x10200] =	vst v63  }
0xa1: {  	_ = 	snop  }
0xa2: {  	[tilespmem:s14], [sflag:$0x1] =	stream.indirect_vreg.gather [hbm4b:s6+s3], $0x80, v3, vm0, $0xb8;
	[tilespmem:$0x10200] =	vst v63  }
0xa3: {  	s1 =	rddreg [dreg:$0x5]  }
0xa4: {  	[hbm4b:s1+s3] =	stream.linear.scatter [tilespmem:s0], [sflag:$0x2], $0x8000, $0x38;
	[tilespmem:$0x10200] =	vst v63  }
0xa5: {  	_ =	swait.ge [sflag:s25], $0x8000  }
0xa6: {  	[sflag:s25] =	ssyncset.done $0x0  }
0xa7: {  	[sflag:s25] =	ssyncadd.s32 $0xFFFF8000  }
0xa8: {  	_ =	swait.ge [sflag:s19], $0x8000  }
0xa9: {  	[sflag:s19] =	ssyncset.done $0x0  }
0xaa: {  	[sflag:s19] =	ssyncadd.s32 $0xFFFF8000  }
0xab: {  	v3 =	vld [tilespmem:$0x180];
	_ =	sdelay $0x4  }
0xac: {  	v62 =	vshll.u32 v3, $0x3  }
0xad: {  	v3 =	vand.u32 $0x7, v3;
	v4 =	vand.u32 $0xFFFFFFC0, v62  }
0xae: {  	v3 =	vor.u32 v3, v4  }
0xaf: {  	v4 =	vperm.xlane v3, v0;
	_ =	sdelay $0x1  }
0xb0: {  	v4 =	vadd.s32 v1, v4;
	_ =	sdelay $0x4  }
0xb1: {  	[tilespmem:s0], [sflag:$0x1] =	stream.indirect_vreg.gather [hbm4b:s2+s3], $0x80, v4, vm0, $0xb8;
	[tilespmem:$0x10200] =	vst v63  }
0xb2: {  	v3 =	vperm.xlane v3, v2  }
0xb3: {  	[tilespmem:s15], [sflag:$0x1] =	stream.indirect_vreg.gather [hbm4b:s4+s3], $0x80, v4, vm0, $0xb8;
	[tilespmem:$0x10200] =	vst v63  }
0xb4: {  	v3 =	vadd.s32 v1, v3  }
0xb5: {  	[tilespmem:s16], [sflag:$0x1] =	stream.indirect_vreg.gather [hbm4b:s5+s3], $0x80, v4, vm0, $0xb8;
	[tilespmem:$0x10200] =	vst v63  }
0xb6: {  	_ = 	snop  }
0xb7: {  	[tilespmem:s17], [sflag:$0x1] =	stream.indirect_vreg.gather [hbm4b:s6+s3], $0x80, v4, vm0, $0xb8;
	[tilespmem:$0x10200] =	vst v63  }
0xb8: {  	_ = 	snop  }
0xb9: {  	[tilespmem:s18], [sflag:$0x1] =	stream.indirect_vreg.gather [hbm4b:s2+s3], $0x80, v3, vm0, $0xb8;
	[tilespmem:$0x10200] =	vst v63  }
0xba: {  	s20 =	simm.s32 $0xAA00  }
0xbb: {  	[tilespmem:s20], [sflag:$0x1] =	stream.indirect_vreg.gather [hbm4b:s4+s3], $0x80, v3, vm0, $0xb8;
	[tilespmem:$0x10200] =	vst v63  }
0xbc: {  	s20 =	simm.s32 $0xB200  }
0xbd: {  	[tilespmem:s20], [sflag:$0x1] =	stream.indirect_vreg.gather [hbm4b:s5+s3], $0x80, v3, vm0, $0xb8;
	[tilespmem:$0x10200] =	vst v63  }
0xbe: {  	s20 =	simm.s32 $0xBA00  }
0xbf: {  	[tilespmem:s20], [sflag:$0x1] =	stream.indirect_vreg.gather [hbm4b:s6+s3], $0x80, v3, vm0, $0xb8;
	[tilespmem:$0x10200] =	vst v63  }
0xc0: {  	v3 =	vld [tilespmem:$0x190];
	_ =	sdelay $0x4  }
0xc1: {  	v63 =	vshll.u32 v3, $0x3  }
0xc2: {  	v3 =	vand.u32 $0x7, v3;
	v4 =	vand.u32 $0xFFFFFFC0, v63  }
0xc3: {  	v3 =	vor.u32 v3, v4  }
0xc4: {  	v4 =	vperm.xlane v3, v0;
	_ =	sdelay $0x1  }
0xc5: {  	v4 =	vadd.s32 v1, v4;
	_ =	sdelay $0x3  }
0xc6: {  	s20 =	simm.s32 $0xC200  }
0xc7: {  	[tilespmem:s20], [sflag:$0x1] =	stream.indirect_vreg.gather [hbm4b:s2+s3], $0x80, v4, vm0, $0xb8;
	[tilespmem:$0x10200] =	vst v63  }
0xc8: {  	v3 =	vperm.xlane v3, v2;
	s20 =	simm.s32 $0xCA00  }
0xc9: {  	[tilespmem:s20], [sflag:$0x1] =	stream.indirect_vreg.gather [hbm4b:s4+s3], $0x80, v4, vm0, $0xb8;
	[tilespmem:$0x10200] =	vst v63  }
0xca: {  	v3 =	vadd.s32 v1, v3;
	s20 =	simm.s32 $0xD200  }
0xcb: {  	[tilespmem:s20], [sflag:$0x1] =	stream.indirect_vreg.gather [hbm4b:s5+s3], $0x80, v4, vm0, $0xb8;
	[tilespmem:$0x10200] =	vst v63  }
0xcc: {  	s20 =	simm.s32 $0xDA00  }
0xcd: {  	[tilespmem:s20], [sflag:$0x1] =	stream.indirect_vreg.gather [hbm4b:s6+s3], $0x80, v4, vm0, $0xb8;
	[tilespmem:$0x10200] =	vst v63  }
0xce: {  	s20 =	simm.s32 $0xE200  }
0xcf: {  	[tilespmem:s20], [sflag:$0x1] =	stream.indirect_vreg.gather [hbm4b:s2+s3], $0x80, v3, vm0, $0xb8;
	[tilespmem:$0x10200] =	vst v63  }
0xd0: {  	s20 =	simm.s32 $0xEA00  }
0xd1: {  	[tilespmem:s20], [sflag:$0x1] =	stream.indirect_vreg.gather [hbm4b:s4+s3], $0x80, v3, vm0, $0xb8;
	[tilespmem:$0x10200] =	vst v63  }
0xd2: {  	s20 =	simm.s32 $0xF200  }
0xd3: {  	[tilespmem:s20], [sflag:$0x1] =	stream.indirect_vreg.gather [hbm4b:s5+s3], $0x80, v3, vm0, $0xb8;
	[tilespmem:$0x10200] =	vst v63  }
0xd4: {  	s9 =	simm.s32 $0xFA00  }
0xd5: {  	[tilespmem:s9], [sflag:$0x1] =	stream.indirect_vreg.gather [hbm4b:s6+s3], $0x80, v3, vm0, $0xb8;
	[tilespmem:$0x10200] =	vst v63  }
0xd6: {  	s1 =	rddreg [dreg:$0x6]  }
0xd7: {  	[hbm4b:s1+s3] =	stream.linear.scatter [tilespmem:s26], [sflag:$0x2], $0x8000, $0x38;
	[tilespmem:$0x10200] =	vst v63  }
0xd8: {  	_ =	swait.ge [sflag:s25], $0x8000  }
0xd9: {  	[sflag:s25] =	ssyncset.done $0x0  }
0xda: {  	s9 =	rddreg [dreg:$0x7];
	[sflag:s25] =	ssyncadd.s32 $0xFFFF8000  }
0xdb: {  	[hbm4b:s9+s3] =	stream.linear.scatter [tilespmem:s0], [sflag:$0x2], $0x8000, $0x38;
	[tilespmem:$0x10200] =	vst v63  }
0xdc: {  	p0 =	sne.s32 s7, $0x1;
	_ =	swait.ge [sflag:s19], $0x8000  }
.Ltmp0:
0xdd: {  	[sflag:s19] =	ssyncset.done $0x0;
	(pc) =	sbr.rel @p0 .LBB2_1-.Ltmp0, $4  }
0xde: {  	[sflag:s19] =	ssyncadd.s32 $0xFFFF8000  }
0xdf: {  	_ =	swait.ge [sflag:s19], $0x8000  }
0xe0: {  	[sflag:s19] =	ssyncset.done $0x0  }
0xe1: {  	s7 =	sadd.s32 $0xFFFFFFFF, s7;
	[sflag:s19] =	ssyncadd.s32 $0xFFFF8000  }
0xe2: {  	_ =	sfence.sel $0x180000  }
0xe3: {  	[bflag:$0x0] =	sbarrier.arrive $0xFFFF  }
0xe4: {  	_ =	strace $0x90000050  }
0xe5: {  	s0 =	stileid.u32;
	[bflag:$0x2] =	sbarrier.arrive $0xFFFF  }
0xe6: {  	p0 =	sne.s32 s0, $0x0;
	s0 =	rddreg [dreg:$0x2]  }
0xe7: {  	s0 =	sadd.s32 @!p0 $0x100000, s0  }
0xe8: {  	[sflag:s0] =	ssyncadd.tile.s32 @!p0 $0x1;
	_ =	shalt  }
.Lfunc_end2:
_tile_overlayer_lowered:
.L_overlay_start_2:
0xe9: {  	(tag) =	ssettag $0x2  }
0xea: {  	s0 =	rddreg [dreg:$0x0];
	s2 =	stileid.u32  }
0xeb: {  	s1 =	rddreg [dreg:$0x1];
	p0 =	sne.s32 s2, $0x0  }
0xec: {  	s3 =	rddreg [dreg:$0x2];
	[bflag:$0x3] =	sbarrier.arrive $0xFFFF;
	s2 =	simm.s32 @!p0 $0x1C03  }
0xed: {  	[timem:s3], [sflag:s2] =	dma.local @!p0 [hbm:s0], s1  }
0xee: {  	s0 =	simm.s32 @!p0 $0x3  }
0xef: {  	_ =	swait.ge @!p0 [sflag:s0], s1  }
0xf0: {  	s1 =	ssub.s32 @!p0 $0x0, s1;
	[sflag:s0] =	ssyncset.done @!p0 $0x0  }
0xf1: {  	[sflag:s0] =	ssyncadd.s32 @!p0 s1  }
0xf2: {  	[bflag:$0x3] =	sbarrier.arrive $0xFFFF  }
0xf3: {  	_ =	shalt  }

// kernel: kernel.13.cloned.1.call-start
scs
__scs_entry_jumppad:
0x0: {  	(pc) =	sbr.rel $0x88, $3  }
0x1: {  	(tag) =	ssettag $0x0;
	lr =	simm.s32 $0x1  }
0x2: {  	[smem:$0x3F9C] =	sst lr;
	_ =	strace $0xD0000000  }
0x3: {  	_ = 	snop  }
0x4: {  	_ = 	snop  }
0x5: {  	_ = 	snop  }
0x6: {  	_ = 	snop  }
0x7: {  	_ = 	snop  }
__scs_overlays_trampoline_lowered:
0x8: {  	[smem:$0x3FAB] =	sst s0  }
0x9: {  	[smem:$0x3FAC] =	sst s1  }
0xa: {  	[smem:$0x3FAD] =	sst s2  }
0xb: {  	[smem:$0x3FAE] =	sst s3  }
0xc: {  	[smem:$0x3FAF] =	sst s4  }
0xd: {  	[smem:$0x3FB0] =	sst s5  }
0xe: {  	[smem:$0x3FB1] =	sst s6  }
0xf: {  	[smem:$0x3FB2] =	sst s7  }
0x10: {  	[smem:$0x3FB3] =	sst s8  }
0x11: {  	[smem:$0x3FB4] =	sst s9;
	s0 =	simm.s32 @!p0 $0x0  }
0x12: {  	s1 =	sld [smem:$0x3F9A];
	s0 =	simm.s32 @p0 $0x1  }
0x13: {  	[smem:$0x3FB5] =	sst s0;
	s0 =	simm.s32 @!p1 $0x0  }
0x14: {  	s2 =	sld [smem:$0x3F99];
	s0 =	simm.s32 @p1 $0x1  }
0x15: {  	[smem:$0x3FB6] =	sst s0;
	s0 =	simm.s32 @!p2 $0x0  }
0x16: {  	s3 =	sld [smem:$0x3FDB];
	s0 =	simm.s32 @p2 $0x1  }
0x17: {  	s4 =	simm.s32 $0x1BF5;
	[smem:$0x3FB8] =	sst s0  }
0x18: {  	s0 =	sld [smem:$0x3F9B];
	_ =	swait.ge [sflag:s4], $0x0  }
0x19: {  	s7 =	sld [smem:$0x3F9C]  }
0x1a: {  	s8 =	sadd.s32 $0xFFFFE003, lr  }
0x1b: {  	s9 =	sadd.s32 $0xFFFFFEF7, lr;
	s5 =	simm.s32 $0xFFFFFFFF;
	p2 =	slt.u32 s8, $0xFFFFF086  }
0x1c: {  	p1 =	slt.u32 s9, $0xF7A;
	s5 =	simm.s32 @!p2 $0x0  }
0x1d: {  	s5 =	simm.s32 @p1 $0x1;
	p0 =	seq.s32 s7, s2  }
0x1e: {  	s7 =	smul.u32 @!p0 $0xF7A, s2;
	p2 =	seq.s32 @!p0 s5, $0x0  }
0x1f: {  	s9 =	smul.u32 $0xF7A, s1;
	s8 =	simm.s32 @!p0 $0x1BF5;
	p2 =	por !p2, p0  }
0x20: {  	[sflag:s8] =	ssyncset.s32 @!p0 $0xFFFFF086;
	s6 =	sadd.s32 @!p0 s3, s7;
	s7 =	simm.s32 @!p0 $0x108  }
0x21: {  	s3 =	sadd.s32 s3, s9;
	s6 =	sadd.s32 @!p0 $0x88, s6;
	s7 =	simm.s32 @p2 $0x1082  }
0x22: {  	[simem:s7], [sflag:s8] =	dma.local @!p0 [hbm:s6], $0xF7A  }
0x23: {  	s9 =	sor.u32 $0xD0000000, s2;
	s6 =	simm.s32 $0x108;
	_ =	swait.ge @!p0 [sflag:s8], $0x0  }
0x24: {  	s3 =	sadd.s32 $0x88, s3;
	s6 =	simm.s32 @!p1 $0x1082;
	[sflag:s4] =	ssyncset.s32 $0xFFFFF086  }
0x25: {  	[simem:s6], [sflag:s4] =	dma.local [hbm:s3], $0xF7A  }
0x26: {  	[smem:$0x3F9C] =	sst s1;
	(tag) =	ssettag s2;
	_ =	strace s9  }
0x27: {  	s1 =	sld [smem:$0x3FAC]  }
0x28: {  	s2 =	sld [smem:$0x3FAD]  }
0x29: {  	s4 =	sld [smem:$0x3FAF]  }
0x2a: {  	p0 =	seq.s32 s5, $0x0;
	s5 =	sld [smem:$0x3FB0]  }
0x2b: {  	s6 =	sld [smem:$0x3FB1]  }
0x2c: {  	s7 =	sld [smem:$0x3FB2]  }
0x2d: {  	s3 =	simm.s32 $0x108;
	s8 =	sld [smem:$0x3FB3]  }
0x2e: {  	s3 =	simm.s32 @!p0 $0x1082;
	s9 =	sld [smem:$0x3FB4]  }
0x2f: {  	lr =	sadd.s32 s0, s3;
	s0 =	sld [smem:$0x3FAB]  }
0x30: {  	s3 =	sld [smem:$0x3FAE]  }
0x31: {  	[smem:$0x3FB7] =	sst s10  }
0x32: {  	s10 =	sld [smem:$0x3FB5];
	_ =	sdelay $0x3  }
0x33: {  	p0 =	seq.s32 s10, $0x1;
	s10 =	sld [smem:$0x3FB7];
	_ =	sdelay $0x3  }
0x34: {  	[smem:$0x3FB7] =	sst s10  }
0x35: {  	s10 =	sld [smem:$0x3FB6];
	_ =	sdelay $0x3  }
0x36: {  	p1 =	seq.s32 s10, $0x1;
	s10 =	sld [smem:$0x3FB7];
	_ =	sdelay $0x3  }
0x37: {  	[smem:$0x3FB7] =	sst s10  }
0x38: {  	s10 =	sld [smem:$0x3FB8]  }
0x39: {  	_ = 	snop;
	(pc) =	sbr.ind lr, $3  }
0x3a: {  	_ = 	snop  }
0x3b: {  	_ = 	snop  }
0x3c: {  	p2 =	seq.s32 s10, $0x1;
	s10 =	sld [smem:$0x3FB7]  }
0x3d: {  	_ =	shalt  }
0x3e: {  	_ =	shalt  }
0x3f: {  	_ =	shalt  }
0x40: {  	_ =	shalt  }
0x41: {  	_ =	shalt  }
0x42: {  	_ =	shalt  }
0x43: {  	_ =	shalt  }
0x44: {  	_ =	shalt  }
0x45: {  	_ =	shalt  }
0x46: {  	_ =	shalt  }
0x47: {  	_ =	shalt  }
0x48: {  	_ =	shalt  }
0x49: {  	_ =	shalt  }
0x4a: {  	_ =	shalt  }
0x4b: {  	_ =	shalt  }
0x4c: {  	_ =	shalt  }
0x4d: {  	_ =	shalt  }
0x4e: {  	_ =	shalt  }
0x4f: {  	_ =	shalt  }
0x50: {  	_ =	shalt  }
0x51: {  	_ =	shalt  }
0x52: {  	_ =	shalt  }
0x53: {  	_ =	shalt  }
0x54: {  	_ =	shalt  }
0x55: {  	_ =	shalt  }
0x56: {  	_ =	shalt  }
0x57: {  	_ =	shalt  }
0x58: {  	_ =	shalt  }
0x59: {  	_ =	shalt  }
0x5a: {  	_ =	shalt  }
0x5b: {  	_ =	shalt  }
0x5c: {  	_ =	shalt  }
0x5d: {  	_ =	shalt  }
0x5e: {  	_ =	shalt  }
0x5f: {  	_ =	shalt  }
0x60: {  	_ =	shalt  }
0x61: {  	_ =	shalt  }
0x62: {  	_ =	shalt  }
0x63: {  	_ =	shalt  }
0x64: {  	_ =	shalt  }
0x65: {  	_ =	shalt  }
0x66: {  	_ =	shalt  }
0x67: {  	_ =	shalt  }
0x68: {  	_ =	shalt  }
0x69: {  	_ =	shalt  }
0x6a: {  	_ =	shalt  }
0x6b: {  	_ =	shalt  }
0x6c: {  	_ =	shalt  }
0x6d: {  	_ =	shalt  }
0x6e: {  	_ =	shalt  }
0x6f: {  	_ =	shalt  }
0x70: {  	_ =	shalt  }
0x71: {  	_ =	shalt  }
0x72: {  	_ =	shalt  }
0x73: {  	_ =	shalt  }
0x74: {  	_ =	shalt  }
0x75: {  	_ =	shalt  }
0x76: {  	_ =	shalt  }
0x77: {  	_ =	shalt  }
0x78: {  	_ =	shalt  }
0x79: {  	_ =	shalt  }
0x7a: {  	_ =	shalt  }
0x7b: {  	_ =	shalt  }
0x7c: {  	_ =	shalt  }
0x7d: {  	_ =	shalt  }
0x7e: {  	_ =	shalt  }
0x7f: {  	_ =	shalt  }
0x80: {  	_ =	shalt  }
0x81: {  	_ =	shalt  }
0x82: {  	_ =	shalt  }
0x83: {  	_ =	shalt  }
0x84: {  	_ =	shalt  }
0x85: {  	_ =	shalt  }
0x86: {  	_ =	shalt  }
0x87: {  	_ =	shalt  }
.Lfunc_end0:
.L_simem_size_0:
called_computation.1_lowered:
.L_overlay_start_0:
0x88: {  	s2 =	sld [smem:$0x3FD9]  }
0x89: {  	s3 =	sld [smem:$0x3FFE];
	_ =	sdelay $0x1  }
0x8a: {  	s1 =	srdreg.scid  }
0x8b: {  	s0 =	sand.u32 $0x1, s1  }
0x8c: {  	s14 =	sshll.u32 s0, $0xA;
	s2 =	sadd.s32 s3, s2  }
0x8d: {  	s2 =	sadd.s32 s2, s14  }
0x8e: {  	[smem:$0x3FC3] =	sst s2  }
0x8f: {  	_ = 	snop  }
0x90: {  	s2 =	sld [smem:$0x3FD0];
	_ =	sdelay $0x2  }
0x91: {  	s4 =	simm.s32 $0xD;
	s5 =	simm.s32 $0x10;
	s15 =	sld [smem:$0x3FC9]  }
0x92: {  	[smem:s5], [sflag:s4] =	dma.local [hbm:s2], $0x1  }
0x93: {  	_ =	swait.eq [sflag:s4], $0x1  }
0x94: {  	[sflag:s4] =	ssyncset.done $0x0  }
0x95: {  	[sflag:s4] =	ssyncadd.s32 $0xFFFFFFFF  }
0x96: {  	s16 =	sld [smem:$0x12];
	(tm) =	ssettm $0x1  }
0x97: {  	s17 =	sld [smem:$0x3FFB];
	_ =	sdelay $0x3  }
0x98: {  	_ =	strace s17  }
0x99: {  	s4 =	sld [smem:$0x3FFC];
	_ =	sdelay $0x3  }
0x9a: {  	_ =	strace s4  }
0x9b: {  	s4 =	sld [smem:$0x3FFD];
	_ =	sdelay $0x3  }
0x9c: {  	_ =	strace s4  }
0x9d: {  	_ =	strace $0x8FFFFFFF  }
0x9e: {  	s18 =	sld [smem:$0x3FDB];
	_ =	sdelay $0x1  }
0x9f: {  	s19 =	simm.s32 $_scs_section_size  }
0xa0: {  	s6 =	simm.s32 $_size__tile_overlayer_lowered;
	s7 =	simm.s32 $_tile_overlayer_lowered  }
0xa1: {  	s22 =	simm.s32 $0x1BFF;
	s21 =	sshll.u32 s7, $0x1;
	s4 =	sadd.s32 s19, s18  }
0xa2: {  	s8 =	simm.s32 $0x0;
	s20 =	sshll.u32 s6, $0x1;
	s6 =	sadd.s32 s21, s4  }
0xa3: {  	[timem:s8], [sflag:s22] =	dma.local [hbm:s6], s20  }
0xa4: {  	_ =	swait.ge [sflag:s22], s20  }
0xa5: {  	s5 =	ssub.s32 $0x0, s20;
	[sflag:s22] =	ssyncset.done $0x0  }
0xa6: {  	[sflag:s22] =	ssyncadd.s32 s5;
	_ =	sdelay $0x1  }
0xa7: {  	s23 =	simm.s32 $0x1B8B  }
0xa8: {  	_ =	swait.ge [sflag:s23], $0x1  }
0xa9: {  	[sflag:s23] =	ssyncset.done $0x0  }
0xaa: {  	s25 =	simm.s32 $0x1B8E;
	s24 =	sld [smem:$0x3FFE];
	[sflag:s23] =	ssyncadd.s32 $0xFFFFFFFF  }
0xab: {  	s26 =	simm.s32 $execute0_lowered;
	[smem:$0x3FD2] =	sst s25  }
0xac: {  	s6 =	sshll.u32 s26, $0x1;
	_ =	strace $0x80000046;
	[dreg:$0x1] =	wrdreg $0xFFFFFFFF  }
0xad: {  	s28 =	simm.s32 $_size_execute0_lowered;
	s4 =	sadd.s32 s4, s6;
	[dreg:$0x0] =	wrdreg $0x0  }
0xae: {  	s6 =	sshll.u32 s28, $0x1;
	[dreg:$0x2] =	wrdreg s4  }
0xaf: {  	[dreg:$0x3] =	wrdreg s6  }
0xb0: {  	[dreg:$0x4] =	wrdreg $0xC0  }
0xb1: {  	_ =	task [dreg:s8], $0x5FFFF  }
0xb2: {  	[dreg:$0x1] =	wrdreg $0xFFFFFFFF  }
0xb3: {  	[dreg:$0x0] =	wrdreg $0x60  }
0xb4: {  	[dreg:$0x2] =	wrdreg s15  }
0xb5: {  	[dreg:$0x3] =	wrdreg s16  }
0xb6: {  	[dreg:$0x4] =	wrdreg s24  }
0xb7: {  	[dreg:$0x5] =	wrdreg $0xA  }
0xb8: {  	_ =	task.clear_ibuf [dreg:s8], $0x6FFFF;
	_ =	strace $0x90000046  }
0xb9: {  	s29 =	simm.s32 $0xA;
	_ =	strace $0x80000048  }
0xba: {  	_ =	swait.ge [sflag:s29], $0x1  }
0xbb: {  	[sflag:s29] =	ssyncadd.s32 $0xFFFFFFFF  }
0xbc: {  	_ =	strace $0x90000048  }
0xbd: {  	_ =	sfence  }
0xbe: {  	s30 =	sld [smem:$0x0];
	_ =	sdelay $0x2  }
0xbf: {  	s31 =	sshll.u32 s1, $0xD;
	s1 =	sshrl.u32 s1, $0x2  }
0xc0: {  	s3 =	sand.u32 $0x4000, s31;
	s1 =	sadd.s32 s1, s30  }
0xc1: {  	s0 =	sor.u32 s3, s0;
	s1 =	sshll.u32 s1, $0x11  }
0xc2: {  	s0 =	sor.u32 s1, s0  }
0xc3: {  	s0 =	sadd.s32 $0x8F2B, s0  }
0xc4: {  	[sflag:s0] =	ssyncadd.remote.s32 $0x1  }
0xc5: {  	_ =	sfence.sel $0xFFFF  }
0xc6: {  	[dreg:$0x0] =	wrdreg $0xFFFFFFFF;
	(pc) =	sbr.abs _section_cstart, $3  }
0xc7: {  	[dreg:$0x1] =	wrdreg $0xFFFFFFFF  }
0xc8: {  	_ =	task.clear_ibuf [dreg:s8], $0x2FFFF;
	_ =	strace $0x9FFFFFFF  }
0xc9: {  	(tm) =	ssettm $0x7FFFFFFF  }
tec
execute0_lowered:
.L_overlay_start_1:
0x0: {  	(tag) =	ssettag $0x1  }
0x1: {  	s1 =	rddreg [dreg:$0x0]  }
0x2: {  	s0 =	rddreg [dreg:$0x1]  }
0x3: {  	s2 =	rddreg [dreg:$0x2]  }
0x4: {  	s4 =	srdreg.scid;
	s5 =	stileid.u32;
	s3 =	simm.s32 $0x0  }
0x5: {  	s20 =	simm.s32 $0x2;
	s28 =	simm.s32 $0x200;
	s29 =	simm.s32 $0x2A00  }
0x6: {  	s30 =	simm.s32 $0x3200;
	s31 =	simm.s32 $0x3A00;
	s11 =	simm.s32 $0x5200  }
0x7: {  	s12 =	simm.s32 $0x5A00;
	s13 =	simm.s32 $0x6200;
	s14 =	simm.s32 $0x6A00  }
0x8: {  	s15 =	simm.s32 $0x7200;
	s16 =	simm.s32 $0x7A00;
	s17 =	simm.s32 $0x8A00  }
0x9: {  	s18 =	simm.s32 $0x9200;
	s19 =	simm.s32 $0x9A00;
	s10 =	simm.s32 $0xB200  }
0xa: {  	s4 =	sand.u32 $0x1, s4;
	s5 =	sshll.u32 s5, $0x1;
	[smem:$0x7FF] =	sst s3  }
0xb: {  	s7 =	sadd.s32 $0x300, s1;
	s5 =	sor.u32 s4, s5;
	_ =	strace $0x80000047  }
0xc: {  	s4 =	ssub.s32 $0x2, s4;
	s6 =	sshll.u32 s5, $0x6;
	s5 =	sshll.u32 s5, $0xE  }
0xd: {  	s23 =	sshrl.u32 s4, $0x1;
	s0 =	sadd.s32 s0, s6;
	s22 =	sadd.s32 s2, s5  }
0xe: {  	s2 =	ssub.s32 s4, s23;
	s5 =	sadd.s32 $0x100, s1;
	[dreg:$0x4] =	wrdreg s0  }
0xf: {  	s6 =	sadd.s32 $0x200, s1;
	s24 =	sadd.s32 $0x1000, s22;
	[dreg:$0x8] =	wrdreg s22  }
0x10: {  	s23 =	simm.s32 $0x1200;
	s25 =	sadd.s32 $0x2000, s22;
	[dreg:$0x5] =	wrdreg s24  }
0x11: {  	v2 =	vlaneseq.u32;
	s4 =	simm.s32 $0x4200;
	s26 =	sadd.s32 $0x3000, s22;
	[dreg:$0x6] =	wrdreg s25  }
0x12: {  	vm0 =	vmmov $0xffff;
	v1 =	vshrl.u32 v2, $0x3;
	s8 =	smax.u32 s2, $0x1;
	s22 =	simm.s32 $0xA00;
	[dreg:$0x7] =	wrdreg s26  }
0x13: {  	v0 =	vand.u32 $0x7, v2;
	v2 =	vor.u32 $0x8, v2;
	v1 =	vmul.u32 $0x8, v1;
	s26 =	simm.s32 $0x1;
	s24 =	simm.s32 $0x1A00;
	s25 =	simm.s32 $0x2200  }
.LBB2_1:
0x14: {  	s21 =	rddreg [dreg:$0x4];
	s0 =	simm.s32 $0x3  }
0x15: {  	[tilespmem:s3], [sflag:$0x3] =	stream.linear.gather [hbm4b:s21+s3], $0x200, $0x38;
	[tilespmem:$0x10200] =	vst v63  }
0x16: {  	_ =	swait.ge [sflag:s0], $0x200  }
0x17: {  	[sflag:s0] =	ssyncset.done $0x0  }
0x18: {  	[sflag:s0] =	ssyncadd.s32 $0xFFFFFE00  }
0x19: {  	v3 =	vld [tilespmem:$0x0];
	_ =	sdelay $0x4  }
0x1a: {  	v4 =	vshll.u32 v3, $0x3  }
0x1b: {  	v3 =	vand.u32 $0x7, v3;
	v4 =	vand.u32 $0xFFFFFFC0, v4  }
0x1c: {  	v3 =	vor.u32 v3, v4  }
0x1d: {  	v4 =	vperm.xlane v3, v0;
	_ =	sdelay $0x1  }
0x1e: {  	v4 =	vadd.s32 v1, v4;
	_ =	sdelay $0x4  }
0x1f: {  	[tilespmem:s28], [sflag:$0x1] =	stream.indirect_vreg.gather [hbm4b:s1+s3], $0x80, v4, vm0, $0xb8;
	[tilespmem:$0x10200] =	vst v63  }
0x20: {  	v3 =	vperm.xlane v3, v2  }
0x21: {  	[tilespmem:s22], [sflag:$0x1] =	stream.indirect_vreg.gather [hbm4b:s5+s3], $0x80, v4, vm0, $0xb8;
	[tilespmem:$0x10200] =	vst v63  }
0x22: {  	v3 =	vadd.s32 v1, v3  }
0x23: {  	[tilespmem:s23], [sflag:$0x1] =	stream.indirect_vreg.gather [hbm4b:s6+s3], $0x80, v4, vm0, $0xb8;
	[tilespmem:$0x10200] =	vst v63  }
0x24: {  	_ = 	snop  }
0x25: {  	[tilespmem:s24], [sflag:$0x1] =	stream.indirect_vreg.gather [hbm4b:s7+s3], $0x80, v4, vm0, $0xb8;
	[tilespmem:$0x10200] =	vst v63  }
0x26: {  	_ = 	snop  }
0x27: {  	[tilespmem:s25], [sflag:$0x1] =	stream.indirect_vreg.gather [hbm4b:s1+s3], $0x80, v3, vm0, $0xb8;
	[tilespmem:$0x10200] =	vst v63  }
0x28: {  	_ = 	snop  }
0x29: {  	[tilespmem:s29], [sflag:$0x1] =	stream.indirect_vreg.gather [hbm4b:s5+s3], $0x80, v3, vm0, $0xb8;
	[tilespmem:$0x10200] =	vst v63  }
0x2a: {  	_ = 	snop  }
0x2b: {  	[tilespmem:s30], [sflag:$0x1] =	stream.indirect_vreg.gather [hbm4b:s6+s3], $0x80, v3, vm0, $0xb8;
	[tilespmem:$0x10200] =	vst v63  }
0x2c: {  	_ = 	snop  }
0x2d: {  	[tilespmem:s31], [sflag:$0x1] =	stream.indirect_vreg.gather [hbm4b:s7+s3], $0x80, v3, vm0, $0xb8;
	[tilespmem:$0x10200] =	vst v63  }
0x2e: {  	v3 =	vld [tilespmem:$0x10];
	_ =	sdelay $0x4  }
0x2f: {  	v57 =	vshll.u32 v3, $0x3  }
0x30: {  	v3 =	vand.u32 $0x7, v3;
	v4 =	vand.u32 $0xFFFFFFC0, v57  }
0x31: {  	v3 =	vor.u32 v3, v4  }
0x32: {  	v4 =	vperm.xlane v3, v0;
	_ =	sdelay $0x1  }
0x33: {  	v4 =	vadd.s32 v1, v4;
	_ =	sdelay $0x4  }
0x34: {  	[tilespmem:s4], [sflag:$0x1] =	stream.indirect_vreg.gather [hbm4b:s1+s3], $0x80, v4, vm0, $0xb8;
	[tilespmem:$0x10200] =	vst v63  }
0x35: {  	s2 =	simm.s32 $0x4A00;
	v3 =	vperm.xlane v3, v2  }
0x36: {  	[tilespmem:s2], [sflag:$0x1] =	stream.indirect_vreg.gather [hbm4b:s5+s3], $0x80, v4, vm0, $0xb8;
	[tilespmem:$0x10200] =	vst v63  }
0x37: {  	v3 =	vadd.s32 v1, v3  }
0x38: {  	[tilespmem:s11], [sflag:$0x1] =	stream.indirect_vreg.gather [hbm4b:s6+s3], $0x80, v4, vm0, $0xb8;
	[tilespmem:$0x10200] =	vst v63  }
0x39: {  	_ = 	snop  }
0x3a: {  	[tilespmem:s12], [sflag:$0x1] =	stream.indirect_vreg.gather [hbm4b:s7+s3], $0x80, v4, vm0, $0xb8;
	[tilespmem:$0x10200] =	vst v63  }
0x3b: {  	_ = 	snop  }
0x3c: {  	[tilespmem:s13], [sflag:$0x1] =	stream.indirect_vreg.gather [hbm4b:s1+s3], $0x80, v3, vm0, $0xb8;
	[tilespmem:$0x10200] =	vst v63  }
0x3d: {  	_ = 	snop  }
0x3e: {  	[tilespmem:s14], [sflag:$0x1] =	stream.indirect_vreg.gather [hbm4b:s5+s3], $0x80, v3, vm0, $0xb8;
	[tilespmem:$0x10200] =	vst v63  }
0x3f: {  	_ = 	snop  }
0x40: {  	[tilespmem:s15], [sflag:$0x1] =	stream.indirect_vreg.gather [hbm4b:s6+s3], $0x80, v3, vm0, $0xb8;
	[tilespmem:$0x10200] =	vst v63  }
0x41: {  	_ = 	snop  }
0x42: {  	[tilespmem:s16], [sflag:$0x1] =	stream.indirect_vreg.gather [hbm4b:s7+s3], $0x80, v3, vm0, $0xb8;
	[tilespmem:$0x10200] =	vst v63  }
0x43: {  	_ =	swait.ge [sflag:s26], $0x8000  }
0x44: {  	[sflag:s26] =	ssyncset.done $0x0  }
0x45: {  	[sflag:s26] =	ssyncadd.s32 $0xFFFF8000  }
0x46: {  	v3 =	vld [tilespmem:$0x80];
	_ =	sdelay $0x4  }
0x47: {  	v58 =	vshll.u32 v3, $0x3  }
0x48: {  	v3 =	vand.u32 $0x7, v3;
	v4 =	vand.u32 $0xFFFFFFC0, v58  }
0x49: {  	v3 =	vor.u32 v3, v4  }
0x4a: {  	v4 =	vperm.xlane v3, v0;
	_ =	sdelay $0x1  }
0x4b: {  	v4 =	vadd.s32 v1, v4;
	_ =	sdelay $0x3  }
0x4c: {  	s0 =	simm.s32 $0x8200  }
0x4d: {  	[tilespmem:s0], [sflag:$0x1] =	stream.indirect_vreg.gather [hbm4b:s1+s3], $0x80, v4, vm0, $0xb8;
	[tilespmem:$0x10200] =	vst v63  }
0x4e: {  	v3 =	vperm.xlane v3, v2  }
0x4f: {  	[tilespmem:s17], [sflag:$0x1] =	stream.indirect_vreg.gather [hbm4b:s5+s3], $0x80, v4, vm0, $0xb8;
	[tilespmem:$0x10200] =	vst v63  }
0x50: {  	v3 =	vadd.s32 v1, v3  }
0x51: {  	[tilespmem:s18], [sflag:$0x1] =	stream.indirect_vreg.gather [hbm4b:s6+s3], $0x80, v4, vm0, $0xb8;
	[tilespmem:$0x10200] =	vst v63  }
0x52: {  	_ = 	snop  }
0x53: {  	[tilespmem:s19], [sflag:$0x1] =	stream.indirect_vreg.gather [hbm4b:s7+s3], $0x80, v4, vm0, $0xb8;
	[tilespmem:$0x10200] =	vst v63  }
0x54: {  	s9 =	simm.s32 $0xA200  }
0x55: {  	[tilespmem:s9], [sflag:$0x1] =	stream.indirect_vreg.gather [hbm4b:s1+s3], $0x80, v3, vm0, $0xb8;
	[tilespmem:$0x10200] =	vst v63  }
0x56: {  	s9 =	simm.s32 $0xAA00  }
0x57: {  	[tilespmem:s9], [sflag:$0x1] =	stream.indirect_vreg.gather [hbm4b:s5+s3], $0x80, v3, vm0, $0xb8;
	[tilespmem:$0x10200] =	vst v63  }
0x58: {  	_ = 	snop  }
0x59: {  	[tilespmem:s10], [sflag:$0x1] =	stream.indirect_vreg.gather [hbm4b:s6+s3], $0x80, v3, vm0, $0xb8;
	[tilespmem:$0x10200] =	vst v63  }
0x5a: {  	s21 =	simm.s32 $0xBA00  }
0x5b: {  	[tilespmem:s21], [sflag:$0x1] =	stream.indirect_vreg.gather [hbm4b:s7+s3], $0x80, v3, vm0, $0xb8;
	[tilespmem:$0x10200] =	vst v63  }
0x5c: {  	v3 =	vld [tilespmem:$0x90];
	_ =	sdelay $0x4  }
0x5d: {  	v59 =	vshll.u32 v3, $0x3  }
0x5e: {  	v3 =	vand.u32 $0x7, v3;
	v4 =	vand.u32 $0xFFFFFFC0, v59  }
0x5f: {  	v3 =	vor.u32 v3, v4  }
0x60: {  	v4 =	vperm.xlane v3, v0;
	_ =	sdelay $0x1  }
0x61: {  	v4 =	vadd.s32 v1, v4;
	_ =	sdelay $0x3  }
0x62: {  	s21 =	simm.s32 $0xC200  }
0x63: {  	[tilespmem:s21], [sflag:$0x1] =	stream.indirect_vreg.gather [hbm4b:s1+s3], $0x80, v4, vm0, $0xb8;
	[tilespmem:$0x10200] =	vst v63  }
0x64: {  	v3 =	vperm.xlane v3, v2;
	s21 =	simm.s32 $0xCA00  }
0x65: {  	[tilespmem:s21], [sflag:$0x1] =	stream.indirect_vreg.gather [hbm4b:s5+s3], $0x80, v4, vm0, $0xb8;
	[tilespmem:$0x10200] =	vst v63  }
0x66: {  	v3 =	vadd.s32 v1, v3;
	s21 =	simm.s32 $0xD200  }
0x67: {  	[tilespmem:s21], [sflag:$0x1] =	stream.indirect_vreg.gather [hbm4b:s6+s3], $0x80, v4, vm0, $0xb8;
	[tilespmem:$0x10200] =	vst v63  }
0x68: {  	s21 =	simm.s32 $0xDA00  }
0x69: {  	[tilespmem:s21], [sflag:$0x1] =	stream.indirect_vreg.gather [hbm4b:s7+s3], $0x80, v4, vm0, $0xb8;
	[tilespmem:$0x10200] =	vst v63  }
0x6a: {  	s21 =	simm.s32 $0xE200  }
0x6b: {  	[tilespmem:s21], [sflag:$0x1] =	stream.indirect_vreg.gather [hbm4b:s1+s3], $0x80, v3, vm0, $0xb8;
	[tilespmem:$0x10200] =	vst v63  }
0x6c: {  	s21 =	simm.s32 $0xEA00  }
0x6d: {  	[tilespmem:s21], [sflag:$0x1] =	stream.indirect_vreg.gather [hbm4b:s5+s3], $0x80, v3, vm0, $0xb8;
	[tilespmem:$0x10200] =	vst v63  }
0x6e: {  	s21 =	simm.s32 $0xF200  }
0x6f: {  	[tilespmem:s21], [sflag:$0x1] =	stream.indirect_vreg.gather [hbm4b:s6+s3], $0x80, v3, vm0, $0xb8;
	[tilespmem:$0x10200] =	vst v63  }
0x70: {  	s21 =	simm.s32 $0xFA00  }
0x71: {  	[tilespmem:s21], [sflag:$0x1] =	stream.indirect_vreg.gather [hbm4b:s7+s3], $0x80, v3, vm0, $0xb8;
	[tilespmem:$0x10200] =	vst v63  }
0x72: {  	s21 =	rddreg [dreg:$0x8]  }
0x73: {  	[hbm4b:s21+s3] =	stream.linear.scatter [tilespmem:s28], [sflag:$0x2], $0x8000, $0x38;
	[tilespmem:$0x10200] =	vst v63  }
0x74: {  	_ =	swait.ge [sflag:s26], $0x8000  }
0x75: {  	[sflag:s26] =	ssyncset.done $0x0  }
0x76: {  	[sflag:s26] =	ssyncadd.s32 $0xFFFF8000  }
0x77: {  	_ =	swait.ge [sflag:s20], $0x8000  }
0x78: {  	[sflag:s20] =	ssyncset.done $0x0  }
0x79: {  	[sflag:s20] =	ssyncadd.s32 $0xFFFF8000  }
0x7a: {  	v3 =	vld [tilespmem:$0x100];
	_ =	sdelay $0x4  }
0x7b: {  	v60 =	vshll.u32 v3, $0x3  }
0x7c: {  	v3 =	vand.u32 $0x7, v3;
	v4 =	vand.u32 $0xFFFFFFC0, v60  }
0x7d: {  	v3 =	vor.u32 v3, v4  }
0x7e: {  	v4 =	vperm.xlane v3, v0;
	_ =	sdelay $0x1  }
0x7f: {  	v4 =	vadd.s32 v1, v4;
	_ =	sdelay $0x4  }
0x80: {  	[tilespmem:s28], [sflag:$0x1] =	stream.indirect_vreg.gather [hbm4b:s1+s3], $0x80, v4, vm0, $0xb8;
	[tilespmem:$0x10200] =	vst v63  }
0x81: {  	v3 =	vperm.xlane v3, v2  }
0x82: {  	[tilespmem:s22], [sflag:$0x1] =	stream.indirect_vreg.gather [hbm4b:s5+s3], $0x80, v4, vm0, $0xb8;
	[tilespmem:$0x10200] =	vst v63  }
0x83: {  	v3 =	vadd.s32 v1, v3  }
0x84: {  	[tilespmem:s23], [sflag:$0x1] =	stream.indirect_vreg.gather [hbm4b:s6+s3], $0x80, v4, vm0, $0xb8;
	[tilespmem:$0x10200] =	vst v63  }
0x85: {  	_ = 	snop  }
0x86: {  	[tilespmem:s24], [sflag:$0x1] =	stream.indirect_vreg.gather [hbm4b:s7+s3], $0x80, v4, vm0, $0xb8;
	[tilespmem:$0x10200] =	vst v63  }
0x87: {  	_ = 	snop  }
0x88: {  	[tilespmem:s25], [sflag:$0x1] =	stream.indirect_vreg.gather [hbm4b:s1+s3], $0x80, v3, vm0, $0xb8;
	[tilespmem:$0x10200] =	vst v63  }
0x89: {  	_ = 	snop  }
0x8a: {  	[tilespmem:s29], [sflag:$0x1] =	stream.indirect_vreg.gather [hbm4b:s5+s3], $0x80, v3, vm0, $0xb8;
	[tilespmem:$0x10200] =	vst v63  }
0x8b: {  	_ = 	snop  }
0x8c: {  	[tilespmem:s30], [sflag:$0x1] =	stream.indirect_vreg.gather [hbm4b:s6+s3], $0x80, v3, vm0, $0xb8;
	[tilespmem:$0x10200] =	vst v63  }
0x8d: {  	_ = 	snop  }
0x8e: {  	[tilespmem:s31], [sflag:$0x1] =	stream.indirect_vreg.gather [hbm4b:s7+s3], $0x80, v3, vm0, $0xb8;
	[tilespmem:$0x10200] =	vst v63  }
0x8f: {  	v3 =	vld [tilespmem:$0x110];
	_ =	sdelay $0x4  }
0x90: {  	v61 =	vshll.u32 v3, $0x3  }
0x91: {  	v3 =	vand.u32 $0x7, v3;
	v4 =	vand.u32 $0xFFFFFFC0, v61  }
0x92: {  	v3 =	vor.u32 v3, v4  }
0x93: {  	v4 =	vperm.xlane v3, v0;
	_ =	sdelay $0x1  }
0x94: {  	v4 =	vadd.s32 v1, v4;
	_ =	sdelay $0x4  }
0x95: {  	[tilespmem:s4], [sflag:$0x1] =	stream.indirect_vreg.gather [hbm4b:s1+s3], $0x80, v4, vm0, $0xb8;
	[tilespmem:$0x10200] =	vst v63  }
0x96: {  	v3 =	vperm.xlane v3, v2  }
0x97: {  	[tilespmem:s2], [sflag:$0x1] =	stream.indirect_vreg.gather [hbm4b:s5+s3], $0x80, v4, vm0, $0xb8;
	[tilespmem:$0x10200] =	vst v63  }
0x98: {  	v3 =	vadd.s32 v1, v3  }
0x99: {  	[tilespmem:s11], [sflag:$0x1] =	stream.indirect_vreg.gather [hbm4b:s6+s3], $0x80, v4, vm0, $0xb8;
	[tilespmem:$0x10200] =	vst v63  }
0x9a: {  	_ = 	snop  }
0x9b: {  	[tilespmem:s12], [sflag:$0x1] =	stream.indirect_vreg.gather [hbm4b:s7+s3], $0x80, v4, vm0, $0xb8;
	[tilespmem:$0x10200] =	vst v63  }
0x9c: {  	_ = 	snop  }
0x9d: {  	[tilespmem:s13], [sflag:$0x1] =	stream.indirect_vreg.gather [hbm4b:s1+s3], $0x80, v3, vm0, $0xb8;
	[tilespmem:$0x10200] =	vst v63  }
0x9e: {  	_ = 	snop  }
0x9f: {  	[tilespmem:s14], [sflag:$0x1] =	stream.indirect_vreg.gather [hbm4b:s5+s3], $0x80, v3, vm0, $0xb8;
	[tilespmem:$0x10200] =	vst v63  }
0xa0: {  	_ = 	snop  }
0xa1: {  	[tilespmem:s15], [sflag:$0x1] =	stream.indirect_vreg.gather [hbm4b:s6+s3], $0x80, v3, vm0, $0xb8;
	[tilespmem:$0x10200] =	vst v63  }
0xa2: {  	_ = 	snop  }
0xa3: {  	[tilespmem:s16], [sflag:$0x1] =	stream.indirect_vreg.gather [hbm4b:s7+s3], $0x80, v3, vm0, $0xb8;
	[tilespmem:$0x10200] =	vst v63  }
0xa4: {  	s2 =	rddreg [dreg:$0x5]  }
0xa5: {  	[hbm4b:s2+s3] =	stream.linear.scatter [tilespmem:s0], [sflag:$0x2], $0x8000, $0x38;
	[tilespmem:$0x10200] =	vst v63  }
0xa6: {  	_ =	swait.ge [sflag:s26], $0x8000  }
0xa7: {  	[sflag:s26] =	ssyncset.done $0x0  }
0xa8: {  	[sflag:s26] =	ssyncadd.s32 $0xFFFF8000  }
0xa9: {  	_ =	swait.ge [sflag:s20], $0x8000  }
0xaa: {  	[sflag:s20] =	ssyncset.done $0x0  }
0xab: {  	[sflag:s20] =	ssyncadd.s32 $0xFFFF8000  }
0xac: {  	v3 =	vld [tilespmem:$0x180];
	_ =	sdelay $0x4  }
0xad: {  	v62 =	vshll.u32 v3, $0x3  }
0xae: {  	v3 =	vand.u32 $0x7, v3;
	v4 =	vand.u32 $0xFFFFFFC0, v62  }
0xaf: {  	v3 =	vor.u32 v3, v4  }
0xb0: {  	v4 =	vperm.xlane v3, v0;
	_ =	sdelay $0x1  }
0xb1: {  	v4 =	vadd.s32 v1, v4;
	_ =	sdelay $0x4  }
0xb2: {  	[tilespmem:s0], [sflag:$0x1] =	stream.indirect_vreg.gather [hbm4b:s1+s3], $0x80, v4, vm0, $0xb8;
	[tilespmem:$0x10200] =	vst v63  }
0xb3: {  	v3 =	vperm.xlane v3, v2  }
0xb4: {  	[tilespmem:s17], [sflag:$0x1] =	stream.indirect_vreg.gather [hbm4b:s5+s3], $0x80, v4, vm0, $0xb8;
	[tilespmem:$0x10200] =	vst v63  }
0xb5: {  	v3 =	vadd.s32 v1, v3  }
0xb6: {  	[tilespmem:s18], [sflag:$0x1] =	stream.indirect_vreg.gather [hbm4b:s6+s3], $0x80, v4, vm0, $0xb8;
	[tilespmem:$0x10200] =	vst v63  }
0xb7: {  	_ = 	snop  }
0xb8: {  	[tilespmem:s19], [sflag:$0x1] =	stream.indirect_vreg.gather [hbm4b:s7+s3], $0x80, v4, vm0, $0xb8;
	[tilespmem:$0x10200] =	vst v63  }
0xb9: {  	s21 =	simm.s32 $0xA200  }
0xba: {  	[tilespmem:s21], [sflag:$0x1] =	stream.indirect_vreg.gather [hbm4b:s1+s3], $0x80, v3, vm0, $0xb8;
	[tilespmem:$0x10200] =	vst v63  }
0xbb: {  	_ = 	snop  }
0xbc: {  	[tilespmem:s9], [sflag:$0x1] =	stream.indirect_vreg.gather [hbm4b:s5+s3], $0x80, v3, vm0, $0xb8;
	[tilespmem:$0x10200] =	vst v63  }
0xbd: {  	_ = 	snop  }
0xbe: {  	[tilespmem:s10], [sflag:$0x1] =	stream.indirect_vreg.gather [hbm4b:s6+s3], $0x80, v3, vm0, $0xb8;
	[tilespmem:$0x10200] =	vst v63  }
0xbf: {  	s9 =	simm.s32 $0xBA00  }
0xc0: {  	[tilespmem:s9], [sflag:$0x1] =	stream.indirect_vreg.gather [hbm4b:s7+s3], $0x80, v3, vm0, $0xb8;
	[tilespmem:$0x10200] =	vst v63  }
0xc1: {  	v3 =	vld [tilespmem:$0x190];
	_ =	sdelay $0x4  }
0xc2: {  	v63 =	vshll.u32 v3, $0x3  }
0xc3: {  	v3 =	vand.u32 $0x7, v3;
	v4 =	vand.u32 $0xFFFFFFC0, v63  }
0xc4: {  	v3 =	vor.u32 v3, v4  }
0xc5: {  	v4 =	vperm.xlane v3, v0;
	_ =	sdelay $0x1  }
0xc6: {  	v4 =	vadd.s32 v1, v4;
	_ =	sdelay $0x3  }
0xc7: {  	s21 =	simm.s32 $0xC200  }
0xc8: {  	[tilespmem:s21], [sflag:$0x1] =	stream.indirect_vreg.gather [hbm4b:s1+s3], $0x80, v4, vm0, $0xb8;
	[tilespmem:$0x10200] =	vst v63  }
0xc9: {  	s9 =	simm.s32 $0xCA00;
	v3 =	vperm.xlane v3, v2  }
0xca: {  	[tilespmem:s9], [sflag:$0x1] =	stream.indirect_vreg.gather [hbm4b:s5+s3], $0x80, v4, vm0, $0xb8;
	[tilespmem:$0x10200] =	vst v63  }
0xcb: {  	v3 =	vadd.s32 v1, v3;
	s21 =	simm.s32 $0xD200  }
0xcc: {  	[tilespmem:s21], [sflag:$0x1] =	stream.indirect_vreg.gather [hbm4b:s6+s3], $0x80, v4, vm0, $0xb8;
	[tilespmem:$0x10200] =	vst v63  }
0xcd: {  	s9 =	simm.s32 $0xDA00  }
0xce: {  	[tilespmem:s9], [sflag:$0x1] =	stream.indirect_vreg.gather [hbm4b:s7+s3], $0x80, v4, vm0, $0xb8;
	[tilespmem:$0x10200] =	vst v63  }
0xcf: {  	s21 =	simm.s32 $0xE200  }
0xd0: {  	[tilespmem:s21], [sflag:$0x1] =	stream.indirect_vreg.gather [hbm4b:s1+s3], $0x80, v3, vm0, $0xb8;
	[tilespmem:$0x10200] =	vst v63  }
0xd1: {  	s9 =	simm.s32 $0xEA00  }
0xd2: {  	[tilespmem:s9], [sflag:$0x1] =	stream.indirect_vreg.gather [hbm4b:s5+s3], $0x80, v3, vm0, $0xb8;
	[tilespmem:$0x10200] =	vst v63  }
0xd3: {  	s21 =	simm.s32 $0xF200  }
0xd4: {  	[tilespmem:s21], [sflag:$0x1] =	stream.indirect_vreg.gather [hbm4b:s6+s3], $0x80, v3, vm0, $0xb8;
	[tilespmem:$0x10200] =	vst v63  }
0xd5: {  	s9 =	simm.s32 $0xFA00  }
0xd6: {  	[tilespmem:s9], [sflag:$0x1] =	stream.indirect_vreg.gather [hbm4b:s7+s3], $0x80, v3, vm0, $0xb8;
	[tilespmem:$0x10200] =	vst v63  }
0xd7: {  	s21 =	rddreg [dreg:$0x6]  }
0xd8: {  	[hbm4b:s21+s3] =	stream.linear.scatter [tilespmem:s28], [sflag:$0x2], $0x8000, $0x38;
	[tilespmem:$0x10200] =	vst v63  }
0xd9: {  	_ =	swait.ge [sflag:s26], $0x8000  }
0xda: {  	[sflag:s26] =	ssyncset.done $0x0  }
0xdb: {  	s9 =	rddreg [dreg:$0x7];
	[sflag:s26] =	ssyncadd.s32 $0xFFFF8000  }
0xdc: {  	[hbm4b:s9+s3] =	stream.linear.scatter [tilespmem:s0], [sflag:$0x2], $0x8000, $0x38;
	[tilespmem:$0x10200] =	vst v63  }
0xdd: {  	p0 =	sne.s32 s8, $0x1;
	_ =	swait.ge [sflag:s20], $0x8000  }
.Ltmp0:
0xde: {  	[sflag:s20] =	ssyncset.done $0x0;
	(pc) =	sbr.rel @p0 .LBB2_1-.Ltmp0, $4  }
0xdf: {  	[sflag:s20] =	ssyncadd.s32 $0xFFFF8000  }
0xe0: {  	_ =	swait.ge [sflag:s20], $0x8000  }
0xe1: {  	[sflag:s20] =	ssyncset.done $0x0  }
0xe2: {  	s8 =	sadd.s32 $0xFFFFFFFF, s8;
	[sflag:s20] =	ssyncadd.s32 $0xFFFF8000  }
0xe3: {  	_ =	sfence.sel $0x180000  }
0xe4: {  	[bflag:$0x0] =	sbarrier.arrive $0xFFFF  }
0xe5: {  	_ =	strace $0x90000047  }
0xe6: {  	s0 =	stileid.u32;
	[bflag:$0x2] =	sbarrier.arrive $0xFFFF  }
0xe7: {  	p0 =	sne.s32 s0, $0x0;
	s0 =	rddreg [dreg:$0x3]  }
0xe8: {  	s0 =	sadd.s32 @!p0 $0x100000, s0  }
0xe9: {  	[sflag:s0] =	ssyncadd.tile.s32 @!p0 $0x1;
	_ =	shalt  }
.Lfunc_end2:
_tile_overlayer_lowered:
.L_overlay_start_2:
0xea: {  	(tag) =	ssettag $0x2  }
0xeb: {  	s0 =	rddreg [dreg:$0x0];
	s2 =	stileid.u32  }
0xec: {  	s1 =	rddreg [dreg:$0x1];
	p0 =	sne.s32 s2, $0x0  }
0xed: {  	s3 =	rddreg [dreg:$0x2];
	[bflag:$0x3] =	sbarrier.arrive $0xFFFF;
	s2 =	simm.s32 @!p0 $0x1C03  }
0xee: {  	[timem:s3], [sflag:s2] =	dma.local @!p0 [hbm:s0], s1  }
0xef: {  	s0 =	simm.s32 @!p0 $0x3  }
0xf0: {  	_ =	swait.ge @!p0 [sflag:s0], s1  }
0xf1: {  	s1 =	ssub.s32 @!p0 $0x0, s1;
	[sflag:s0] =	ssyncset.done @!p0 $0x0  }
0xf2: {  	[sflag:s0] =	ssyncadd.s32 @!p0 s1  }
0xf3: {  	[bflag:$0x3] =	sbarrier.arrive $0xFFFF  }
0xf4: {  	_ =	shalt  }

// kernel: kernel.16.cloned.1.call-start
scs
__scs_entry_jumppad:
0x0: {  	(pc) =	sbr.rel $0x88, $3  }
0x1: {  	(tag) =	ssettag $0x0;
	lr =	simm.s32 $0x1  }
0x2: {  	[smem:$0x3F9C] =	sst lr;
	_ =	strace $0xD0000000  }
0x3: {  	_ = 	snop  }
0x4: {  	_ = 	snop  }
0x5: {  	_ = 	snop  }
0x6: {  	_ = 	snop  }
0x7: {  	_ = 	snop  }
__scs_overlays_trampoline_lowered:
0x8: {  	[smem:$0x3FAB] =	sst s0  }
0x9: {  	[smem:$0x3FAC] =	sst s1  }
0xa: {  	[smem:$0x3FAD] =	sst s2  }
0xb: {  	[smem:$0x3FAE] =	sst s3  }
0xc: {  	[smem:$0x3FAF] =	sst s4  }
0xd: {  	[smem:$0x3FB0] =	sst s5  }
0xe: {  	[smem:$0x3FB1] =	sst s6  }
0xf: {  	[smem:$0x3FB2] =	sst s7  }
0x10: {  	[smem:$0x3FB3] =	sst s8  }
0x11: {  	[smem:$0x3FB4] =	sst s9;
	s0 =	simm.s32 @!p0 $0x0  }
0x12: {  	s1 =	sld [smem:$0x3F9A];
	s0 =	simm.s32 @p0 $0x1  }
0x13: {  	[smem:$0x3FB5] =	sst s0;
	s0 =	simm.s32 @!p1 $0x0  }
0x14: {  	s2 =	sld [smem:$0x3F99];
	s0 =	simm.s32 @p1 $0x1  }
0x15: {  	[smem:$0x3FB6] =	sst s0;
	s0 =	simm.s32 @!p2 $0x0  }
0x16: {  	s3 =	sld [smem:$0x3FDB];
	s0 =	simm.s32 @p2 $0x1  }
0x17: {  	s4 =	simm.s32 $0x1BF5;
	[smem:$0x3FB8] =	sst s0  }
0x18: {  	s0 =	sld [smem:$0x3F9B];
	_ =	swait.ge [sflag:s4], $0x0  }
0x19: {  	s7 =	sld [smem:$0x3F9C]  }
0x1a: {  	s8 =	sadd.s32 $0xFFFFE003, lr  }
0x1b: {  	s9 =	sadd.s32 $0xFFFFFEF7, lr;
	s5 =	simm.s32 $0xFFFFFFFF;
	p2 =	slt.u32 s8, $0xFFFFF086  }
0x1c: {  	p1 =	slt.u32 s9, $0xF7A;
	s5 =	simm.s32 @!p2 $0x0  }
0x1d: {  	s5 =	simm.s32 @p1 $0x1;
	p0 =	seq.s32 s7, s2  }
0x1e: {  	s7 =	smul.u32 @!p0 $0xF7A, s2;
	p2 =	seq.s32 @!p0 s5, $0x0  }
0x1f: {  	s9 =	smul.u32 $0xF7A, s1;
	s8 =	simm.s32 @!p0 $0x1BF5;
	p2 =	por !p2, p0  }
0x20: {  	[sflag:s8] =	ssyncset.s32 @!p0 $0xFFFFF086;
	s6 =	sadd.s32 @!p0 s3, s7;
	s7 =	simm.s32 @!p0 $0x108  }
0x21: {  	s3 =	sadd.s32 s3, s9;
	s6 =	sadd.s32 @!p0 $0x88, s6;
	s7 =	simm.s32 @p2 $0x1082  }
0x22: {  	[simem:s7], [sflag:s8] =	dma.local @!p0 [hbm:s6], $0xF7A  }
0x23: {  	s9 =	sor.u32 $0xD0000000, s2;
	s6 =	simm.s32 $0x108;
	_ =	swait.ge @!p0 [sflag:s8], $0x0  }
0x24: {  	s3 =	sadd.s32 $0x88, s3;
	s6 =	simm.s32 @!p1 $0x1082;
	[sflag:s4] =	ssyncset.s32 $0xFFFFF086  }
0x25: {  	[simem:s6], [sflag:s4] =	dma.local [hbm:s3], $0xF7A  }
0x26: {  	[smem:$0x3F9C] =	sst s1;
	(tag) =	ssettag s2;
	_ =	strace s9  }
0x27: {  	s1 =	sld [smem:$0x3FAC]  }
0x28: {  	s2 =	sld [smem:$0x3FAD]  }
0x29: {  	s4 =	sld [smem:$0x3FAF]  }
0x2a: {  	p0 =	seq.s32 s5, $0x0;
	s5 =	sld [smem:$0x3FB0]  }
0x2b: {  	s6 =	sld [smem:$0x3FB1]  }
0x2c: {  	s7 =	sld [smem:$0x3FB2]  }
0x2d: {  	s3 =	simm.s32 $0x108;
	s8 =	sld [smem:$0x3FB3]  }
0x2e: {  	s3 =	simm.s32 @!p0 $0x1082;
	s9 =	sld [smem:$0x3FB4]  }
0x2f: {  	lr =	sadd.s32 s0, s3;
	s0 =	sld [smem:$0x3FAB]  }
0x30: {  	s3 =	sld [smem:$0x3FAE]  }
0x31: {  	[smem:$0x3FB7] =	sst s10  }
0x32: {  	s10 =	sld [smem:$0x3FB5];
	_ =	sdelay $0x3  }
0x33: {  	p0 =	seq.s32 s10, $0x1;
	s10 =	sld [smem:$0x3FB7];
	_ =	sdelay $0x3  }
0x34: {  	[smem:$0x3FB7] =	sst s10  }
0x35: {  	s10 =	sld [smem:$0x3FB6];
	_ =	sdelay $0x3  }
0x36: {  	p1 =	seq.s32 s10, $0x1;
	s10 =	sld [smem:$0x3FB7];
	_ =	sdelay $0x3  }
0x37: {  	[smem:$0x3FB7] =	sst s10  }
0x38: {  	s10 =	sld [smem:$0x3FB8]  }
0x39: {  	_ = 	snop;
	(pc) =	sbr.ind lr, $3  }
0x3a: {  	_ = 	snop  }
0x3b: {  	_ = 	snop  }
0x3c: {  	p2 =	seq.s32 s10, $0x1;
	s10 =	sld [smem:$0x3FB7]  }
0x3d: {  	_ =	shalt  }
0x3e: {  	_ =	shalt  }
0x3f: {  	_ =	shalt  }
0x40: {  	_ =	shalt  }
0x41: {  	_ =	shalt  }
0x42: {  	_ =	shalt  }
0x43: {  	_ =	shalt  }
0x44: {  	_ =	shalt  }
0x45: {  	_ =	shalt  }
0x46: {  	_ =	shalt  }
0x47: {  	_ =	shalt  }
0x48: {  	_ =	shalt  }
0x49: {  	_ =	shalt  }
0x4a: {  	_ =	shalt  }
0x4b: {  	_ =	shalt  }
0x4c: {  	_ =	shalt  }
0x4d: {  	_ =	shalt  }
0x4e: {  	_ =	shalt  }
0x4f: {  	_ =	shalt  }
0x50: {  	_ =	shalt  }
0x51: {  	_ =	shalt  }
0x52: {  	_ =	shalt  }
0x53: {  	_ =	shalt  }
0x54: {  	_ =	shalt  }
0x55: {  	_ =	shalt  }
0x56: {  	_ =	shalt  }
0x57: {  	_ =	shalt  }
0x58: {  	_ =	shalt  }
0x59: {  	_ =	shalt  }
0x5a: {  	_ =	shalt  }
0x5b: {  	_ =	shalt  }
0x5c: {  	_ =	shalt  }
0x5d: {  	_ =	shalt  }
0x5e: {  	_ =	shalt  }
0x5f: {  	_ =	shalt  }
0x60: {  	_ =	shalt  }
0x61: {  	_ =	shalt  }
0x62: {  	_ =	shalt  }
0x63: {  	_ =	shalt  }
0x64: {  	_ =	shalt  }
0x65: {  	_ =	shalt  }
0x66: {  	_ =	shalt  }
0x67: {  	_ =	shalt  }
0x68: {  	_ =	shalt  }
0x69: {  	_ =	shalt  }
0x6a: {  	_ =	shalt  }
0x6b: {  	_ =	shalt  }
0x6c: {  	_ =	shalt  }
0x6d: {  	_ =	shalt  }
0x6e: {  	_ =	shalt  }
0x6f: {  	_ =	shalt  }
0x70: {  	_ =	shalt  }
0x71: {  	_ =	shalt  }
0x72: {  	_ =	shalt  }
0x73: {  	_ =	shalt  }
0x74: {  	_ =	shalt  }
0x75: {  	_ =	shalt  }
0x76: {  	_ =	shalt  }
0x77: {  	_ =	shalt  }
0x78: {  	_ =	shalt  }
0x79: {  	_ =	shalt  }
0x7a: {  	_ =	shalt  }
0x7b: {  	_ =	shalt  }
0x7c: {  	_ =	shalt  }
0x7d: {  	_ =	shalt  }
0x7e: {  	_ =	shalt  }
0x7f: {  	_ =	shalt  }
0x80: {  	_ =	shalt  }
0x81: {  	_ =	shalt  }
0x82: {  	_ =	shalt  }
0x83: {  	_ =	shalt  }
0x84: {  	_ =	shalt  }
0x85: {  	_ =	shalt  }
0x86: {  	_ =	shalt  }
0x87: {  	_ =	shalt  }
.Lfunc_end0:
.L_simem_size_0:
called_computation.2_lowered:
.L_overlay_start_0:
0x88: {  	s2 =	sld [smem:$0x3FD9]  }
0x89: {  	s3 =	sld [smem:$0x3FFE];
	_ =	sdelay $0x1  }
0x8a: {  	s1 =	srdreg.scid  }
0x8b: {  	s0 =	sand.u32 $0x1, s1  }
0x8c: {  	s15 =	sshll.u32 s0, $0xA;
	s2 =	sadd.s32 s3, s2  }
0x8d: {  	s2 =	sadd.s32 s2, s15  }
0x8e: {  	[smem:$0x3FC3] =	sst s2  }
0x8f: {  	_ = 	snop  }
0x90: {  	s16 =	sld [smem:$0x3FD0];
	_ =	sdelay $0x2  }
0x91: {  	s4 =	simm.s32 $0xD;
	s5 =	simm.s32 $0x10;
	s2 =	sld [smem:$0x3FC9]  }
0x92: {  	[smem:s5], [sflag:s4] =	dma.local [hbm:s16], $0x1  }
0x93: {  	_ =	swait.eq [sflag:s4], $0x1  }
0x94: {  	[sflag:s4] =	ssyncset.done $0x0  }
0x95: {  	[sflag:s4] =	ssyncadd.s32 $0xFFFFFFFF  }
0x96: {  	s17 =	sld [smem:$0x11];
	(tm) =	ssettm $0x1  }
0x97: {  	s18 =	sld [smem:$0x3FFB];
	_ =	sdelay $0x3  }
0x98: {  	_ =	strace s18  }
0x99: {  	s3 =	sld [smem:$0x3FFC];
	_ =	sdelay $0x3  }
0x9a: {  	_ =	strace s3  }
0x9b: {  	s3 =	sld [smem:$0x3FFD];
	_ =	sdelay $0x3  }
0x9c: {  	_ =	strace s3  }
0x9d: {  	_ =	strace $0x8FFFFFFF  }
0x9e: {  	s19 =	sld [smem:$0x3FDB];
	_ =	sdelay $0x1  }
0x9f: {  	s20 =	simm.s32 $_scs_section_size  }
0xa0: {  	s6 =	simm.s32 $_size__tile_overlayer_lowered;
	s7 =	simm.s32 $_tile_overlayer_lowered  }
0xa1: {  	s8 =	simm.s32 $0x1BFF;
	s21 =	sshll.u32 s7, $0x1;
	s5 =	sadd.s32 s20, s19  }
0xa2: {  	s22 =	simm.s32 $0x0;
	s6 =	sshll.u32 s6, $0x1;
	s7 =	sadd.s32 s21, s5  }
0xa3: {  	[timem:s22], [sflag:s8] =	dma.local [hbm:s7], s6  }
0xa4: {  	_ =	swait.ge [sflag:s8], s6  }
0xa5: {  	s6 =	ssub.s32 $0x0, s6;
	[sflag:s8] =	ssyncset.done $0x0  }
0xa6: {  	[sflag:s8] =	ssyncadd.s32 s6;
	_ =	sdelay $0x1  }
0xa7: {  	s23 =	simm.s32 $0x1B8B  }
0xa8: {  	_ =	swait.ge [sflag:s23], $0x1  }
0xa9: {  	[sflag:s23] =	ssyncset.done $0x0  }
0xaa: {  	[sflag:s23] =	ssyncadd.s32 $0xFFFFFFFF  }
0xab: {  	s6 =	sld [smem:$0x0]  }
0xac: {  	s7 =	sand.u32 $0xFFFFFFFE, s1  }
0xad: {  	p0 =	sne.s32 s1, s7  }
0xae: {  	s7 =	sshll.u32 @p0 s7, $0xE  }
0xaf: {  	s7 =	sadd.s32 @p0 $0x11B8D, s7;
	s8 =	sshll.u32 @p0 s6, $0x11  }
0xb0: {  	s7 =	sor.u32 @p0 s8, s7  }
0xb1: {  	[sflag:s7] =	ssyncadd.remote.s32 @p0 $0x1;
	_ =	sdelay $0x1  }
0xb2: {  	s7 =	simm.s32 @p0 $0x1B8D  }
0xb3: {  	_ =	swait.eq @p0 [sflag:s7], $0x1  }
0xb4: {  	[sflag:s7] =	ssyncadd.s32 @p0 $0xFFFFFFFF  }
0xb5: {  	s8 =	sshll.u32 @!p0 s1, $0xE  }
0xb6: {  	s8 =	sor.u32 @!p0 $0x4000, s8;
	s7 =	simm.s32 @!p0 $0x1B8D  }
0xb7: {  	s6 =	sshll.u32 @!p0 s6, $0x11;
	s8 =	sadd.s32 @!p0 $0x11B8D, s8;
	_ =	swait.eq @!p0 [sflag:s7], $0x1  }
0xb8: {  	s6 =	sor.u32 @!p0 s6, s8;
	[sflag:s7] =	ssyncadd.s32 @!p0 $0xFFFFFFFF  }
0xb9: {  	s25 =	simm.s32 $0x1B8E;
	s24 =	sld [smem:$0x3FFE];
	[sflag:s6] =	ssyncadd.remote.s32 @!p0 $0x1  }
0xba: {  	s26 =	simm.s32 $execute0_lowered;
	[smem:$0x3FD2] =	sst s25  }
0xbb: {  	s7 =	sshll.u32 s26, $0x1;
	_ =	strace $0x80000049;
	[dreg:$0x1] =	wrdreg $0xFFFFFFFF  }
0xbc: {  	s28 =	simm.s32 $_size_execute0_lowered;
	s5 =	sadd.s32 s5, s7;
	[dreg:$0x0] =	wrdreg $0x0  }
0xbd: {  	s7 =	sshll.u32 s28, $0x1;
	[dreg:$0x2] =	wrdreg s5  }
0xbe: {  	[dreg:$0x3] =	wrdreg s7  }
0xbf: {  	[dreg:$0x4] =	wrdreg $0xC0  }
0xc0: {  	_ =	task [dreg:s22], $0x5FFFF  }
0xc1: {  	[dreg:$0x1] =	wrdreg $0xFFFFFFFF  }
0xc2: {  	[dreg:$0x0] =	wrdreg $0x60  }
0xc3: {  	[dreg:$0x2] =	wrdreg s2  }
0xc4: {  	[dreg:$0x3] =	wrdreg s17  }
0xc5: {  	[dreg:$0x4] =	wrdreg s24  }
0xc6: {  	[dreg:$0x5] =	wrdreg $0xB  }
0xc7: {  	_ =	task.clear_ibuf [dreg:s22], $0x6FFFF;
	_ =	strace $0x90000049  }
0xc8: {  	s29 =	simm.s32 $0xB;
	_ =	strace $0x8000004B  }
0xc9: {  	_ =	swait.ge [sflag:s29], $0x1  }
0xca: {  	[sflag:s29] =	ssyncadd.s32 $0xFFFFFFFF  }
0xcb: {  	_ =	strace $0x9000004B  }
0xcc: {  	_ =	sfence  }
0xcd: {  	s30 =	sld [smem:$0x0];
	_ =	sdelay $0x2  }
0xce: {  	s31 =	sshll.u32 s1, $0xD;
	s1 =	sshrl.u32 s1, $0x2  }
0xcf: {  	s4 =	sand.u32 $0x4000, s31;
	s1 =	sadd.s32 s1, s30  }
0xd0: {  	s0 =	sor.u32 s4, s0;
	s1 =	sshll.u32 s1, $0x11  }
0xd1: {  	s0 =	sor.u32 s1, s0  }
0xd2: {  	s0 =	sadd.s32 $0x8F2B, s0  }
0xd3: {  	[sflag:s0] =	ssyncadd.remote.s32 $0x1  }
0xd4: {  	_ =	sfence.sel $0xFFFF  }
0xd5: {  	[dreg:$0x0] =	wrdreg $0xFFFFFFFF;
	(pc) =	sbr.abs _section_cstart, $3  }
0xd6: {  	[dreg:$0x1] =	wrdreg $0xFFFFFFFF  }
0xd7: {  	_ =	task.clear_ibuf [dreg:s22], $0x2FFFF;
	_ =	strace $0x9FFFFFFF  }
0xd8: {  	(tm) =	ssettm $0x7FFFFFFF  }
0xd9: {  	_ =	shalt  }
tec
execute0_lowered:
.L_overlay_start_1:
0x0: {  	(tag) =	ssettag $0x1  }
0x1: {  	s1 =	rddreg [dreg:$0x0]  }
0x2: {  	s0 =	rddreg [dreg:$0x1]  }
0x3: {  	s2 =	srdreg.scid;
	s3 =	stileid.u32  }
0x4: {  	s4 =	rddreg [dreg:$0x2];
	s19 =	simm.s32 $0x2;
	s21 =	simm.s32 $0xA00  }
0x5: {  	s28 =	simm.s32 $0x2A00;
	s29 =	simm.s32 $0x3200;
	s30 =	simm.s32 $0x3A00  }
0x6: {  	s31 =	simm.s32 $0x4200;
	s8 =	simm.s32 $0x5200;
	s10 =	simm.s32 $0x5A00  }
0x7: {  	s11 =	simm.s32 $0x6200;
	s12 =	simm.s32 $0x6A00;
	s13 =	simm.s32 $0x7200  }
0x8: {  	s14 =	simm.s32 $0x7A00;
	s15 =	simm.s32 $0x8A00;
	s16 =	simm.s32 $0x9200  }
0x9: {  	s17 =	simm.s32 $0x9A00;
	s2 =	sand.u32 $0x1, s2;
	s5 =	sshll.u32 s3, $0x1  }
0xa: {  	s18 =	simm.s32 $0xA200;
	s3 =	simm.s32 $0x0;
	s5 =	sor.u32 s2, s5  }
0xb: {  	[smem:$0x7FF] =	sst s3;
	s2 =	ssub.s32 $0x2, s2;
	s6 =	sshll.u32 s5, $0xE  }
0xc: {  	s5 =	sshll.u32 s5, $0x6;
	_ =	strace $0x8000004A;
	s23 =	sshrl.u32 s2, $0x1  }
0xd: {  	s6 =	sadd.s32 s6, s4;
	s0 =	sadd.s32 s0, s5;
	s2 =	ssub.s32 s2, s23  }
0xe: {  	s4 =	sadd.s32 $0x100, s1;
	[dreg:$0x4] =	wrdreg s0;
	s22 =	sadd.s32 $0x80000, s6  }
0xf: {  	s5 =	sadd.s32 $0x200, s1;
	s24 =	sadd.s32 $0x81000, s6;
	[dreg:$0x5] =	wrdreg s22  }
0x10: {  	s23 =	simm.s32 $0x1A00;
	s25 =	sadd.s32 $0x82000, s6;
	[dreg:$0x6] =	wrdreg s24  }
0x11: {  	v2 =	vlaneseq.u32;
	s26 =	sadd.s32 $0x83000, s6;
	s6 =	sadd.s32 $0x300, s1;
	[dreg:$0x7] =	wrdreg s25  }
0x12: {  	vm0 =	vmmov $0xffff;
	v1 =	vshrl.u32 v2, $0x3;
	s7 =	smax.u32 s2, $0x1;
	[dreg:$0x8] =	wrdreg s26;
	s25 =	simm.s32 $0x1  }
0x13: {  	v0 =	vand.u32 $0x7, v2;
	v2 =	vor.u32 $0x8, v2;
	v1 =	vmul.u32 $0x8, v1;
	s26 =	simm.s32 $0x200;
	s22 =	simm.s32 $0x1200;
	s24 =	simm.s32 $0x2200  }
.LBB2_1:
0x14: {  	s20 =	rddreg [dreg:$0x4];
	s0 =	simm.s32 $0x3  }
0x15: {  	[tilespmem:s3], [sflag:$0x3] =	stream.linear.gather [hbm4b:s20+s3], $0x200, $0x38;
	[tilespmem:$0x10200] =	vst v63  }
0x16: {  	_ =	swait.ge [sflag:s0], $0x200  }
0x17: {  	[sflag:s0] =	ssyncset.done $0x0  }
0x18: {  	[sflag:s0] =	ssyncadd.s32 $0xFFFFFE00  }
0x19: {  	v3 =	vld [tilespmem:$0x0];
	_ =	sdelay $0x4  }
0x1a: {  	v4 =	vshll.u32 v3, $0x3  }
0x1b: {  	v3 =	vand.u32 $0x7, v3;
	v4 =	vand.u32 $0xFFFFFFC0, v4  }
0x1c: {  	v3 =	vor.u32 v3, v4  }
0x1d: {  	v4 =	vperm.xlane v3, v0;
	_ =	sdelay $0x1  }
0x1e: {  	v4 =	vadd.s32 v1, v4;
	_ =	sdelay $0x4  }
0x1f: {  	[tilespmem:s26], [sflag:$0x1] =	stream.indirect_vreg.gather [hbm4b:s1+s3], $0x80, v4, vm0, $0xb8;
	[tilespmem:$0x10200] =	vst v63  }
0x20: {  	v3 =	vperm.xlane v3, v2  }
0x21: {  	[tilespmem:s21], [sflag:$0x1] =	stream.indirect_vreg.gather [hbm4b:s4+s3], $0x80, v4, vm0, $0xb8;
	[tilespmem:$0x10200] =	vst v63  }
0x22: {  	v3 =	vadd.s32 v1, v3  }
0x23: {  	[tilespmem:s22], [sflag:$0x1] =	stream.indirect_vreg.gather [hbm4b:s5+s3], $0x80, v4, vm0, $0xb8;
	[tilespmem:$0x10200] =	vst v63  }
0x24: {  	_ = 	snop  }
0x25: {  	[tilespmem:s23], [sflag:$0x1] =	stream.indirect_vreg.gather [hbm4b:s6+s3], $0x80, v4, vm0, $0xb8;
	[tilespmem:$0x10200] =	vst v63  }
0x26: {  	_ = 	snop  }
0x27: {  	[tilespmem:s24], [sflag:$0x1] =	stream.indirect_vreg.gather [hbm4b:s1+s3], $0x80, v3, vm0, $0xb8;
	[tilespmem:$0x10200] =	vst v63  }
0x28: {  	_ = 	snop  }
0x29: {  	[tilespmem:s28], [sflag:$0x1] =	stream.indirect_vreg.gather [hbm4b:s4+s3], $0x80, v3, vm0, $0xb8;
	[tilespmem:$0x10200] =	vst v63  }
0x2a: {  	_ = 	snop  }
0x2b: {  	[tilespmem:s29], [sflag:$0x1] =	stream.indirect_vreg.gather [hbm4b:s5+s3], $0x80, v3, vm0, $0xb8;
	[tilespmem:$0x10200] =	vst v63  }
0x2c: {  	_ = 	snop  }
0x2d: {  	[tilespmem:s30], [sflag:$0x1] =	stream.indirect_vreg.gather [hbm4b:s6+s3], $0x80, v3, vm0, $0xb8;
	[tilespmem:$0x10200] =	vst v63  }
0x2e: {  	v3 =	vld [tilespmem:$0x10];
	_ =	sdelay $0x4  }
0x2f: {  	v57 =	vshll.u32 v3, $0x3  }
0x30: {  	v3 =	vand.u32 $0x7, v3;
	v4 =	vand.u32 $0xFFFFFFC0, v57  }
0x31: {  	v3 =	vor.u32 v3, v4  }
0x32: {  	v4 =	vperm.xlane v3, v0;
	_ =	sdelay $0x1  }
0x33: {  	v4 =	vadd.s32 v1, v4;
	_ =	sdelay $0x4  }
0x34: {  	[tilespmem:s31], [sflag:$0x1] =	stream.indirect_vreg.gather [hbm4b:s1+s3], $0x80, v4, vm0, $0xb8;
	[tilespmem:$0x10200] =	vst v63  }
0x35: {  	s2 =	simm.s32 $0x4A00;
	v3 =	vperm.xlane v3, v2  }
0x36: {  	[tilespmem:s2], [sflag:$0x1] =	stream.indirect_vreg.gather [hbm4b:s4+s3], $0x80, v4, vm0, $0xb8;
	[tilespmem:$0x10200] =	vst v63  }
0x37: {  	v3 =	vadd.s32 v1, v3  }
0x38: {  	[tilespmem:s8], [sflag:$0x1] =	stream.indirect_vreg.gather [hbm4b:s5+s3], $0x80, v4, vm0, $0xb8;
	[tilespmem:$0x10200] =	vst v63  }
0x39: {  	_ = 	snop  }
0x3a: {  	[tilespmem:s10], [sflag:$0x1] =	stream.indirect_vreg.gather [hbm4b:s6+s3], $0x80, v4, vm0, $0xb8;
	[tilespmem:$0x10200] =	vst v63  }
0x3b: {  	_ = 	snop  }
0x3c: {  	[tilespmem:s11], [sflag:$0x1] =	stream.indirect_vreg.gather [hbm4b:s1+s3], $0x80, v3, vm0, $0xb8;
	[tilespmem:$0x10200] =	vst v63  }
0x3d: {  	_ = 	snop  }
0x3e: {  	[tilespmem:s12], [sflag:$0x1] =	stream.indirect_vreg.gather [hbm4b:s4+s3], $0x80, v3, vm0, $0xb8;
	[tilespmem:$0x10200] =	vst v63  }
0x3f: {  	_ = 	snop  }
0x40: {  	[tilespmem:s13], [sflag:$0x1] =	stream.indirect_vreg.gather [hbm4b:s5+s3], $0x80, v3, vm0, $0xb8;
	[tilespmem:$0x10200] =	vst v63  }
0x41: {  	_ = 	snop  }
0x42: {  	[tilespmem:s14], [sflag:$0x1] =	stream.indirect_vreg.gather [hbm4b:s6+s3], $0x80, v3, vm0, $0xb8;
	[tilespmem:$0x10200] =	vst v63  }
0x43: {  	_ =	swait.ge [sflag:s25], $0x8000  }
0x44: {  	[sflag:s25] =	ssyncset.done $0x0  }
0x45: {  	[sflag:s25] =	ssyncadd.s32 $0xFFFF8000  }
0x46: {  	v3 =	vld [tilespmem:$0x80];
	_ =	sdelay $0x4  }
0x47: {  	v58 =	vshll.u32 v3, $0x3  }
0x48: {  	v3 =	vand.u32 $0x7, v3;
	v4 =	vand.u32 $0xFFFFFFC0, v58  }
0x49: {  	v3 =	vor.u32 v3, v4  }
0x4a: {  	v4 =	vperm.xlane v3, v0;
	_ =	sdelay $0x1  }
0x4b: {  	v4 =	vadd.s32 v1, v4;
	_ =	sdelay $0x3  }
0x4c: {  	s0 =	simm.s32 $0x8200  }
0x4d: {  	[tilespmem:s0], [sflag:$0x1] =	stream.indirect_vreg.gather [hbm4b:s1+s3], $0x80, v4, vm0, $0xb8;
	[tilespmem:$0x10200] =	vst v63  }
0x4e: {  	v3 =	vperm.xlane v3, v2  }
0x4f: {  	[tilespmem:s15], [sflag:$0x1] =	stream.indirect_vreg.gather [hbm4b:s4+s3], $0x80, v4, vm0, $0xb8;
	[tilespmem:$0x10200] =	vst v63  }
0x50: {  	v3 =	vadd.s32 v1, v3  }
0x51: {  	[tilespmem:s16], [sflag:$0x1] =	stream.indirect_vreg.gather [hbm4b:s5+s3], $0x80, v4, vm0, $0xb8;
	[tilespmem:$0x10200] =	vst v63  }
0x52: {  	_ = 	snop  }
0x53: {  	[tilespmem:s17], [sflag:$0x1] =	stream.indirect_vreg.gather [hbm4b:s6+s3], $0x80, v4, vm0, $0xb8;
	[tilespmem:$0x10200] =	vst v63  }
0x54: {  	_ = 	snop  }
0x55: {  	[tilespmem:s18], [sflag:$0x1] =	stream.indirect_vreg.gather [hbm4b:s1+s3], $0x80, v3, vm0, $0xb8;
	[tilespmem:$0x10200] =	vst v63  }
0x56: {  	s9 =	simm.s32 $0xAA00  }
0x57: {  	[tilespmem:s9], [sflag:$0x1] =	stream.indirect_vreg.gather [hbm4b:s4+s3], $0x80, v3, vm0, $0xb8;
	[tilespmem:$0x10200] =	vst v63  }
0x58: {  	s20 =	simm.s32 $0xB200  }
0x59: {  	[tilespmem:s20], [sflag:$0x1] =	stream.indirect_vreg.gather [hbm4b:s5+s3], $0x80, v3, vm0, $0xb8;
	[tilespmem:$0x10200] =	vst v63  }
0x5a: {  	s9 =	simm.s32 $0xBA00  }
0x5b: {  	[tilespmem:s9], [sflag:$0x1] =	stream.indirect_vreg.gather [hbm4b:s6+s3], $0x80, v3, vm0, $0xb8;
	[tilespmem:$0x10200] =	vst v63  }
0x5c: {  	v3 =	vld [tilespmem:$0x90];
	_ =	sdelay $0x4  }
0x5d: {  	v59 =	vshll.u32 v3, $0x3  }
0x5e: {  	v3 =	vand.u32 $0x7, v3;
	v4 =	vand.u32 $0xFFFFFFC0, v59  }
0x5f: {  	v3 =	vor.u32 v3, v4  }
0x60: {  	v4 =	vperm.xlane v3, v0;
	_ =	sdelay $0x1  }
0x61: {  	v4 =	vadd.s32 v1, v4;
	_ =	sdelay $0x3  }
0x62: {  	s9 =	simm.s32 $0xC200  }
0x63: {  	[tilespmem:s9], [sflag:$0x1] =	stream.indirect_vreg.gather [hbm4b:s1+s3], $0x80, v4, vm0, $0xb8;
	[tilespmem:$0x10200] =	vst v63  }
0x64: {  	v3 =	vperm.xlane v3, v2;
	s9 =	simm.s32 $0xCA00  }
0x65: {  	[tilespmem:s9], [sflag:$0x1] =	stream.indirect_vreg.gather [hbm4b:s4+s3], $0x80, v4, vm0, $0xb8;
	[tilespmem:$0x10200] =	vst v63  }
0x66: {  	v3 =	vadd.s32 v1, v3;
	s9 =	simm.s32 $0xD200  }
0x67: {  	[tilespmem:s9], [sflag:$0x1] =	stream.indirect_vreg.gather [hbm4b:s5+s3], $0x80, v4, vm0, $0xb8;
	[tilespmem:$0x10200] =	vst v63  }
0x68: {  	s9 =	simm.s32 $0xDA00  }
0x69: {  	[tilespmem:s9], [sflag:$0x1] =	stream.indirect_vreg.gather [hbm4b:s6+s3], $0x80, v4, vm0, $0xb8;
	[tilespmem:$0x10200] =	vst v63  }
0x6a: {  	s9 =	simm.s32 $0xE200  }
0x6b: {  	[tilespmem:s9], [sflag:$0x1] =	stream.indirect_vreg.gather [hbm4b:s1+s3], $0x80, v3, vm0, $0xb8;
	[tilespmem:$0x10200] =	vst v63  }
0x6c: {  	s9 =	simm.s32 $0xEA00  }
0x6d: {  	[tilespmem:s9], [sflag:$0x1] =	stream.indirect_vreg.gather [hbm4b:s4+s3], $0x80, v3, vm0, $0xb8;
	[tilespmem:$0x10200] =	vst v63  }
0x6e: {  	s9 =	simm.s32 $0xF200  }
0x6f: {  	[tilespmem:s9], [sflag:$0x1] =	stream.indirect_vreg.gather [hbm4b:s5+s3], $0x80, v3, vm0, $0xb8;
	[tilespmem:$0x10200] =	vst v63  }
0x70: {  	s9 =	simm.s32 $0xFA00  }
0x71: {  	[tilespmem:s9], [sflag:$0x1] =	stream.indirect_vreg.gather [hbm4b:s6+s3], $0x80, v3, vm0, $0xb8;
	[tilespmem:$0x10200] =	vst v63  }
0x72: {  	s20 =	rddreg [dreg:$0x5]  }
0x73: {  	[hbm4b:s20+s3] =	stream.linear.scatter [tilespmem:s26], [sflag:$0x2], $0x8000, $0x38;
	[tilespmem:$0x10200] =	vst v63  }
0x74: {  	_ =	swait.ge [sflag:s25], $0x8000  }
0x75: {  	[sflag:s25] =	ssyncset.done $0x0  }
0x76: {  	[sflag:s25] =	ssyncadd.s32 $0xFFFF8000  }
0x77: {  	_ =	swait.ge [sflag:s19], $0x8000  }
0x78: {  	[sflag:s19] =	ssyncset.done $0x0  }
0x79: {  	[sflag:s19] =	ssyncadd.s32 $0xFFFF8000  }
0x7a: {  	v3 =	vld [tilespmem:$0x100];
	_ =	sdelay $0x4  }
0x7b: {  	v60 =	vshll.u32 v3, $0x3  }
0x7c: {  	v3 =	vand.u32 $0x7, v3;
	v4 =	vand.u32 $0xFFFFFFC0, v60  }
0x7d: {  	v3 =	vor.u32 v3, v4  }
0x7e: {  	v4 =	vperm.xlane v3, v0;
	_ =	sdelay $0x1  }
0x7f: {  	v4 =	vadd.s32 v1, v4;
	_ =	sdelay $0x4  }
0x80: {  	[tilespmem:s26], [sflag:$0x1] =	stream.indirect_vreg.gather [hbm4b:s1+s3], $0x80, v4, vm0, $0xb8;
	[tilespmem:$0x10200] =	vst v63  }
0x81: {  	v3 =	vperm.xlane v3, v2  }
0x82: {  	[tilespmem:s21], [sflag:$0x1] =	stream.indirect_vreg.gather [hbm4b:s4+s3], $0x80, v4, vm0, $0xb8;
	[tilespmem:$0x10200] =	vst v63  }
0x83: {  	v3 =	vadd.s32 v1, v3  }
0x84: {  	[tilespmem:s22], [sflag:$0x1] =	stream.indirect_vreg.gather [hbm4b:s5+s3], $0x80, v4, vm0, $0xb8;
	[tilespmem:$0x10200] =	vst v63  }
0x85: {  	_ = 	snop  }
0x86: {  	[tilespmem:s23], [sflag:$0x1] =	stream.indirect_vreg.gather [hbm4b:s6+s3], $0x80, v4, vm0, $0xb8;
	[tilespmem:$0x10200] =	vst v63  }
0x87: {  	_ = 	snop  }
0x88: {  	[tilespmem:s24], [sflag:$0x1] =	stream.indirect_vreg.gather [hbm4b:s1+s3], $0x80, v3, vm0, $0xb8;
	[tilespmem:$0x10200] =	vst v63  }
0x89: {  	_ = 	snop  }
0x8a: {  	[tilespmem:s28], [sflag:$0x1] =	stream.indirect_vreg.gather [hbm4b:s4+s3], $0x80, v3, vm0, $0xb8;
	[tilespmem:$0x10200] =	vst v63  }
0x8b: {  	_ = 	snop  }
0x8c: {  	[tilespmem:s29], [sflag:$0x1] =	stream.indirect_vreg.gather [hbm4b:s5+s3], $0x80, v3, vm0, $0xb8;
	[tilespmem:$0x10200] =	vst v63  }
0x8d: {  	_ = 	snop  }
0x8e: {  	[tilespmem:s30], [sflag:$0x1] =	stream.indirect_vreg.gather [hbm4b:s6+s3], $0x80, v3, vm0, $0xb8;
	[tilespmem:$0x10200] =	vst v63  }
0x8f: {  	v3 =	vld [tilespmem:$0x110];
	_ =	sdelay $0x4  }
0x90: {  	v61 =	vshll.u32 v3, $0x3  }
0x91: {  	v3 =	vand.u32 $0x7, v3;
	v4 =	vand.u32 $0xFFFFFFC0, v61  }
0x92: {  	v3 =	vor.u32 v3, v4  }
0x93: {  	v4 =	vperm.xlane v3, v0;
	_ =	sdelay $0x1  }
0x94: {  	v4 =	vadd.s32 v1, v4;
	_ =	sdelay $0x4  }
0x95: {  	[tilespmem:s31], [sflag:$0x1] =	stream.indirect_vreg.gather [hbm4b:s1+s3], $0x80, v4, vm0, $0xb8;
	[tilespmem:$0x10200] =	vst v63  }
0x96: {  	v3 =	vperm.xlane v3, v2  }
0x97: {  	[tilespmem:s2], [sflag:$0x1] =	stream.indirect_vreg.gather [hbm4b:s4+s3], $0x80, v4, vm0, $0xb8;
	[tilespmem:$0x10200] =	vst v63  }
0x98: {  	v3 =	vadd.s32 v1, v3  }
0x99: {  	[tilespmem:s8], [sflag:$0x1] =	stream.indirect_vreg.gather [hbm4b:s5+s3], $0x80, v4, vm0, $0xb8;
	[tilespmem:$0x10200] =	vst v63  }
0x9a: {  	_ = 	snop  }
0x9b: {  	[tilespmem:s10], [sflag:$0x1] =	stream.indirect_vreg.gather [hbm4b:s6+s3], $0x80, v4, vm0, $0xb8;
	[tilespmem:$0x10200] =	vst v63  }
0x9c: {  	_ = 	snop  }
0x9d: {  	[tilespmem:s11], [sflag:$0x1] =	stream.indirect_vreg.gather [hbm4b:s1+s3], $0x80, v3, vm0, $0xb8;
	[tilespmem:$0x10200] =	vst v63  }
0x9e: {  	_ = 	snop  }
0x9f: {  	[tilespmem:s12], [sflag:$0x1] =	stream.indirect_vreg.gather [hbm4b:s4+s3], $0x80, v3, vm0, $0xb8;
	[tilespmem:$0x10200] =	vst v63  }
0xa0: {  	_ = 	snop  }
0xa1: {  	[tilespmem:s13], [sflag:$0x1] =	stream.indirect_vreg.gather [hbm4b:s5+s3], $0x80, v3, vm0, $0xb8;
	[tilespmem:$0x10200] =	vst v63  }
0xa2: {  	_ = 	snop  }
0xa3: {  	[tilespmem:s14], [sflag:$0x1] =	stream.indirect_vreg.gather [hbm4b:s6+s3], $0x80, v3, vm0, $0xb8;
	[tilespmem:$0x10200] =	vst v63  }
0xa4: {  	s2 =	rddreg [dreg:$0x6]  }
0xa5: {  	[hbm4b:s2+s3] =	stream.linear.scatter [tilespmem:s0], [sflag:$0x2], $0x8000, $0x38;
	[tilespmem:$0x10200] =	vst v63  }
0xa6: {  	_ =	swait.ge [sflag:s25], $0x8000  }
0xa7: {  	[sflag:s25] =	ssyncset.done $0x0  }
0xa8: {  	[sflag:s25] =	ssyncadd.s32 $0xFFFF8000  }
0xa9: {  	_ =	swait.ge [sflag:s19], $0x8000  }
0xaa: {  	[sflag:s19] =	ssyncset.done $0x0  }
0xab: {  	[sflag:s19] =	ssyncadd.s32 $0xFFFF8000  }
0xac: {  	v3 =	vld [tilespmem:$0x180];
	_ =	sdelay $0x4  }
0xad: {  	v62 =	vshll.u32 v3, $0x3  }
0xae: {  	v3 =	vand.u32 $0x7, v3;
	v4 =	vand.u32 $0xFFFFFFC0, v62  }
0xaf: {  	v3 =	vor.u32 v3, v4  }
0xb0: {  	v4 =	vperm.xlane v3, v0;
	_ =	sdelay $0x1  }
0xb1: {  	v4 =	vadd.s32 v1, v4;
	_ =	sdelay $0x4  }
0xb2: {  	[tilespmem:s0], [sflag:$0x1] =	stream.indirect_vreg.gather [hbm4b:s1+s3], $0x80, v4, vm0, $0xb8;
	[tilespmem:$0x10200] =	vst v63  }
0xb3: {  	v3 =	vperm.xlane v3, v2  }
0xb4: {  	[tilespmem:s15], [sflag:$0x1] =	stream.indirect_vreg.gather [hbm4b:s4+s3], $0x80, v4, vm0, $0xb8;
	[tilespmem:$0x10200] =	vst v63  }
0xb5: {  	v3 =	vadd.s32 v1, v3  }
0xb6: {  	[tilespmem:s16], [sflag:$0x1] =	stream.indirect_vreg.gather [hbm4b:s5+s3], $0x80, v4, vm0, $0xb8;
	[tilespmem:$0x10200] =	vst v63  }
0xb7: {  	_ = 	snop  }
0xb8: {  	[tilespmem:s17], [sflag:$0x1] =	stream.indirect_vreg.gather [hbm4b:s6+s3], $0x80, v4, vm0, $0xb8;
	[tilespmem:$0x10200] =	vst v63  }
0xb9: {  	_ = 	snop  }
0xba: {  	[tilespmem:s18], [sflag:$0x1] =	stream.indirect_vreg.gather [hbm4b:s1+s3], $0x80, v3, vm0, $0xb8;
	[tilespmem:$0x10200] =	vst v63  }
0xbb: {  	s20 =	simm.s32 $0xAA00  }
0xbc: {  	[tilespmem:s20], [sflag:$0x1] =	stream.indirect_vreg.gather [hbm4b:s4+s3], $0x80, v3, vm0, $0xb8;
	[tilespmem:$0x10200] =	vst v63  }
0xbd: {  	s20 =	simm.s32 $0xB200  }
0xbe: {  	[tilespmem:s20], [sflag:$0x1] =	stream.indirect_vreg.gather [hbm4b:s5+s3], $0x80, v3, vm0, $0xb8;
	[tilespmem:$0x10200] =	vst v63  }
0xbf: {  	s20 =	simm.s32 $0xBA00  }
0xc0: {  	[tilespmem:s20], [sflag:$0x1] =	stream.indirect_vreg.gather [hbm4b:s6+s3], $0x80, v3, vm0, $0xb8;
	[tilespmem:$0x10200] =	vst v63  }
0xc1: {  	v3 =	vld [tilespmem:$0x190];
	_ =	sdelay $0x4  }
0xc2: {  	v63 =	vshll.u32 v3, $0x3  }
0xc3: {  	v3 =	vand.u32 $0x7, v3;
	v4 =	vand.u32 $0xFFFFFFC0, v63  }
0xc4: {  	v3 =	vor.u32 v3, v4  }
0xc5: {  	v4 =	vperm.xlane v3, v0;
	_ =	sdelay $0x1  }
0xc6: {  	v4 =	vadd.s32 v1, v4;
	_ =	sdelay $0x3  }
0xc7: {  	s20 =	simm.s32 $0xC200  }
0xc8: {  	[tilespmem:s20], [sflag:$0x1] =	stream.indirect_vreg.gather [hbm4b:s1+s3], $0x80, v4, vm0, $0xb8;
	[tilespmem:$0x10200] =	vst v63  }
0xc9: {  	v3 =	vperm.xlane v3, v2;
	s20 =	simm.s32 $0xCA00  }
0xca: {  	[tilespmem:s20], [sflag:$0x1] =	stream.indirect_vreg.gather [hbm4b:s4+s3], $0x80, v4, vm0, $0xb8;
	[tilespmem:$0x10200] =	vst v63  }
0xcb: {  	v3 =	vadd.s32 v1, v3;
	s20 =	simm.s32 $0xD200  }
0xcc: {  	[tilespmem:s20], [sflag:$0x1] =	stream.indirect_vreg.gather [hbm4b:s5+s3], $0x80, v4, vm0, $0xb8;
	[tilespmem:$0x10200] =	vst v63  }
0xcd: {  	s20 =	simm.s32 $0xDA00  }
0xce: {  	[tilespmem:s20], [sflag:$0x1] =	stream.indirect_vreg.gather [hbm4b:s6+s3], $0x80, v4, vm0, $0xb8;
	[tilespmem:$0x10200] =	vst v63  }
0xcf: {  	s20 =	simm.s32 $0xE200  }
0xd0: {  	[tilespmem:s20], [sflag:$0x1] =	stream.indirect_vreg.gather [hbm4b:s1+s3], $0x80, v3, vm0, $0xb8;
	[tilespmem:$0x10200] =	vst v63  }
0xd1: {  	s20 =	simm.s32 $0xEA00  }
0xd2: {  	[tilespmem:s20], [sflag:$0x1] =	stream.indirect_vreg.gather [hbm4b:s4+s3], $0x80, v3, vm0, $0xb8;
	[tilespmem:$0x10200] =	vst v63  }
0xd3: {  	s20 =	simm.s32 $0xF200  }
0xd4: {  	[tilespmem:s20], [sflag:$0x1] =	stream.indirect_vreg.gather [hbm4b:s5+s3], $0x80, v3, vm0, $0xb8;
	[tilespmem:$0x10200] =	vst v63  }
0xd5: {  	s9 =	simm.s32 $0xFA00  }
0xd6: {  	[tilespmem:s9], [sflag:$0x1] =	stream.indirect_vreg.gather [hbm4b:s6+s3], $0x80, v3, vm0, $0xb8;
	[tilespmem:$0x10200] =	vst v63  }
0xd7: {  	s2 =	rddreg [dreg:$0x7]  }
0xd8: {  	[hbm4b:s2+s3] =	stream.linear.scatter [tilespmem:s26], [sflag:$0x2], $0x8000, $0x38;
	[tilespmem:$0x10200] =	vst v63  }
0xd9: {  	_ =	swait.ge [sflag:s25], $0x8000  }
0xda: {  	[sflag:s25] =	ssyncset.done $0x0  }
0xdb: {  	s9 =	rddreg [dreg:$0x8];
	[sflag:s25] =	ssyncadd.s32 $0xFFFF8000  }
0xdc: {  	[hbm4b:s9+s3] =	stream.linear.scatter [tilespmem:s0], [sflag:$0x2], $0x8000, $0x38;
	[tilespmem:$0x10200] =	vst v63  }
0xdd: {  	p0 =	sne.s32 s7, $0x1;
	_ =	swait.ge [sflag:s19], $0x8000  }
.Ltmp0:
0xde: {  	[sflag:s19] =	ssyncset.done $0x0;
	(pc) =	sbr.rel @p0 .LBB2_1-.Ltmp0, $4  }
0xdf: {  	[sflag:s19] =	ssyncadd.s32 $0xFFFF8000  }
0xe0: {  	_ =	swait.ge [sflag:s19], $0x8000  }
0xe1: {  	[sflag:s19] =	ssyncset.done $0x0  }
0xe2: {  	s7 =	sadd.s32 $0xFFFFFFFF, s7;
	[sflag:s19] =	ssyncadd.s32 $0xFFFF8000  }
0xe3: {  	_ =	sfence.sel $0x180000  }
0xe4: {  	[bflag:$0x0] =	sbarrier.arrive $0xFFFF  }
0xe5: {  	_ =	strace $0x9000004A  }
0xe6: {  	s0 =	stileid.u32;
	[bflag:$0x2] =	sbarrier.arrive $0xFFFF  }
0xe7: {  	p0 =	sne.s32 s0, $0x0;
	s0 =	rddreg [dreg:$0x3]  }
0xe8: {  	s0 =	sadd.s32 @!p0 $0x100000, s0  }
0xe9: {  	[sflag:s0] =	ssyncadd.tile.s32 @!p0 $0x1;
	_ =	shalt  }
.Lfunc_end2:
_tile_overlayer_lowered:
.L_overlay_start_2:
0xea: {  	(tag) =	ssettag $0x2  }
0xeb: {  	s0 =	rddreg [dreg:$0x0];
	s2 =	stileid.u32  }
0xec: {  	s1 =	rddreg [dreg:$0x1];
	p0 =	sne.s32 s2, $0x0  }
0xed: {  	s3 =	rddreg [dreg:$0x2];
	[bflag:$0x3] =	sbarrier.arrive $0xFFFF;
	s2 =	simm.s32 @!p0 $0x1C03  }
0xee: {  	[timem:s3], [sflag:s2] =	dma.local @!p0 [hbm:s0], s1  }
0xef: {  	s0 =	simm.s32 @!p0 $0x3  }
0xf0: {  	_ =	swait.ge @!p0 [sflag:s0], s1  }
0xf1: {  	s1 =	ssub.s32 @!p0 $0x0, s1;
	[sflag:s0] =	ssyncset.done @!p0 $0x0  }
0xf2: {  	[sflag:s0] =	ssyncadd.s32 @!p0 s1  }
0xf3: {  	[bflag:$0x3] =	sbarrier.arrive $0xFFFF  }
0xf4: {  	_ =	shalt  }

// kernel: kernel.19.cloned.1.call-start
scs
__scs_entry_jumppad:
0x0: {  	(pc) =	sbr.rel $0x88, $3  }
0x1: {  	(tag) =	ssettag $0x0;
	lr =	simm.s32 $0x1  }
0x2: {  	[smem:$0x3F9C] =	sst lr;
	_ =	strace $0xD0000000  }
0x3: {  	_ = 	snop  }
0x4: {  	_ = 	snop  }
0x5: {  	_ = 	snop  }
0x6: {  	_ = 	snop  }
0x7: {  	_ = 	snop  }
__scs_overlays_trampoline_lowered:
0x8: {  	[smem:$0x3FAB] =	sst s0  }
0x9: {  	[smem:$0x3FAC] =	sst s1  }
0xa: {  	[smem:$0x3FAD] =	sst s2  }
0xb: {  	[smem:$0x3FAE] =	sst s3  }
0xc: {  	[smem:$0x3FAF] =	sst s4  }
0xd: {  	[smem:$0x3FB0] =	sst s5  }
0xe: {  	[smem:$0x3FB1] =	sst s6  }
0xf: {  	[smem:$0x3FB2] =	sst s7  }
0x10: {  	[smem:$0x3FB3] =	sst s8  }
0x11: {  	[smem:$0x3FB4] =	sst s9;
	s0 =	simm.s32 @!p0 $0x0  }
0x12: {  	s1 =	sld [smem:$0x3F9A];
	s0 =	simm.s32 @p0 $0x1  }
0x13: {  	[smem:$0x3FB5] =	sst s0;
	s0 =	simm.s32 @!p1 $0x0  }
0x14: {  	s2 =	sld [smem:$0x3F99];
	s0 =	simm.s32 @p1 $0x1  }
0x15: {  	[smem:$0x3FB6] =	sst s0;
	s0 =	simm.s32 @!p2 $0x0  }
0x16: {  	s3 =	sld [smem:$0x3FDB];
	s0 =	simm.s32 @p2 $0x1  }
0x17: {  	s4 =	simm.s32 $0x1BF5;
	[smem:$0x3FB8] =	sst s0  }
0x18: {  	s0 =	sld [smem:$0x3F9B];
	_ =	swait.ge [sflag:s4], $0x0  }
0x19: {  	s7 =	sld [smem:$0x3F9C]  }
0x1a: {  	s8 =	sadd.s32 $0xFFFFE003, lr  }
0x1b: {  	s9 =	sadd.s32 $0xFFFFFEF7, lr;
	s5 =	simm.s32 $0xFFFFFFFF;
	p2 =	slt.u32 s8, $0xFFFFF086  }
0x1c: {  	p1 =	slt.u32 s9, $0xF7A;
	s5 =	simm.s32 @!p2 $0x0  }
0x1d: {  	s5 =	simm.s32 @p1 $0x1;
	p0 =	seq.s32 s7, s2  }
0x1e: {  	s7 =	smul.u32 @!p0 $0xF7A, s2;
	p2 =	seq.s32 @!p0 s5, $0x0  }
0x1f: {  	s9 =	smul.u32 $0xF7A, s1;
	s8 =	simm.s32 @!p0 $0x1BF5;
	p2 =	por !p2, p0  }
0x20: {  	[sflag:s8] =	ssyncset.s32 @!p0 $0xFFFFF086;
	s6 =	sadd.s32 @!p0 s3, s7;
	s7 =	simm.s32 @!p0 $0x108  }
0x21: {  	s3 =	sadd.s32 s3, s9;
	s6 =	sadd.s32 @!p0 $0x88, s6;
	s7 =	simm.s32 @p2 $0x1082  }
0x22: {  	[simem:s7], [sflag:s8] =	dma.local @!p0 [hbm:s6], $0xF7A  }
0x23: {  	s9 =	sor.u32 $0xD0000000, s2;
	s6 =	simm.s32 $0x108;
	_ =	swait.ge @!p0 [sflag:s8], $0x0  }
0x24: {  	s3 =	sadd.s32 $0x88, s3;
	s6 =	simm.s32 @!p1 $0x1082;
	[sflag:s4] =	ssyncset.s32 $0xFFFFF086  }
0x25: {  	[simem:s6], [sflag:s4] =	dma.local [hbm:s3], $0xF7A  }
0x26: {  	[smem:$0x3F9C] =	sst s1;
	(tag) =	ssettag s2;
	_ =	strace s9  }
0x27: {  	s1 =	sld [smem:$0x3FAC]  }
0x28: {  	s2 =	sld [smem:$0x3FAD]  }
0x29: {  	s4 =	sld [smem:$0x3FAF]  }
0x2a: {  	p0 =	seq.s32 s5, $0x0;
	s5 =	sld [smem:$0x3FB0]  }
0x2b: {  	s6 =	sld [smem:$0x3FB1]  }
0x2c: {  	s7 =	sld [smem:$0x3FB2]  }
0x2d: {  	s3 =	simm.s32 $0x108;
	s8 =	sld [smem:$0x3FB3]  }
0x2e: {  	s3 =	simm.s32 @!p0 $0x1082;
	s9 =	sld [smem:$0x3FB4]  }
0x2f: {  	lr =	sadd.s32 s0, s3;
	s0 =	sld [smem:$0x3FAB]  }
0x30: {  	s3 =	sld [smem:$0x3FAE]  }
0x31: {  	[smem:$0x3FB7] =	sst s10  }
0x32: {  	s10 =	sld [smem:$0x3FB5];
	_ =	sdelay $0x3  }
0x33: {  	p0 =	seq.s32 s10, $0x1;
	s10 =	sld [smem:$0x3FB7];
	_ =	sdelay $0x3  }
0x34: {  	[smem:$0x3FB7] =	sst s10  }
0x35: {  	s10 =	sld [smem:$0x3FB6];
	_ =	sdelay $0x3  }
0x36: {  	p1 =	seq.s32 s10, $0x1;
	s10 =	sld [smem:$0x3FB7];
	_ =	sdelay $0x3  }
0x37: {  	[smem:$0x3FB7] =	sst s10  }
0x38: {  	s10 =	sld [smem:$0x3FB8]  }
0x39: {  	_ = 	snop;
	(pc) =	sbr.ind lr, $3  }
0x3a: {  	_ = 	snop  }
0x3b: {  	_ = 	snop  }
0x3c: {  	p2 =	seq.s32 s10, $0x1;
	s10 =	sld [smem:$0x3FB7]  }
0x3d: {  	_ =	shalt  }
0x3e: {  	_ =	shalt  }
0x3f: {  	_ =	shalt  }
0x40: {  	_ =	shalt  }
0x41: {  	_ =	shalt  }
0x42: {  	_ =	shalt  }
0x43: {  	_ =	shalt  }
0x44: {  	_ =	shalt  }
0x45: {  	_ =	shalt  }
0x46: {  	_ =	shalt  }
0x47: {  	_ =	shalt  }
0x48: {  	_ =	shalt  }
0x49: {  	_ =	shalt  }
0x4a: {  	_ =	shalt  }
0x4b: {  	_ =	shalt  }
0x4c: {  	_ =	shalt  }
0x4d: {  	_ =	shalt  }
0x4e: {  	_ =	shalt  }
0x4f: {  	_ =	shalt  }
0x50: {  	_ =	shalt  }
0x51: {  	_ =	shalt  }
0x52: {  	_ =	shalt  }
0x53: {  	_ =	shalt  }
0x54: {  	_ =	shalt  }
0x55: {  	_ =	shalt  }
0x56: {  	_ =	shalt  }
0x57: {  	_ =	shalt  }
0x58: {  	_ =	shalt  }
0x59: {  	_ =	shalt  }
0x5a: {  	_ =	shalt  }
0x5b: {  	_ =	shalt  }
0x5c: {  	_ =	shalt  }
0x5d: {  	_ =	shalt  }
0x5e: {  	_ =	shalt  }
0x5f: {  	_ =	shalt  }
0x60: {  	_ =	shalt  }
0x61: {  	_ =	shalt  }
0x62: {  	_ =	shalt  }
0x63: {  	_ =	shalt  }
0x64: {  	_ =	shalt  }
0x65: {  	_ =	shalt  }
0x66: {  	_ =	shalt  }
0x67: {  	_ =	shalt  }
0x68: {  	_ =	shalt  }
0x69: {  	_ =	shalt  }
0x6a: {  	_ =	shalt  }
0x6b: {  	_ =	shalt  }
0x6c: {  	_ =	shalt  }
0x6d: {  	_ =	shalt  }
0x6e: {  	_ =	shalt  }
0x6f: {  	_ =	shalt  }
0x70: {  	_ =	shalt  }
0x71: {  	_ =	shalt  }
0x72: {  	_ =	shalt  }
0x73: {  	_ =	shalt  }
0x74: {  	_ =	shalt  }
0x75: {  	_ =	shalt  }
0x76: {  	_ =	shalt  }
0x77: {  	_ =	shalt  }
0x78: {  	_ =	shalt  }
0x79: {  	_ =	shalt  }
0x7a: {  	_ =	shalt  }
0x7b: {  	_ =	shalt  }
0x7c: {  	_ =	shalt  }
0x7d: {  	_ =	shalt  }
0x7e: {  	_ =	shalt  }
0x7f: {  	_ =	shalt  }
0x80: {  	_ =	shalt  }
0x81: {  	_ =	shalt  }
0x82: {  	_ =	shalt  }
0x83: {  	_ =	shalt  }
0x84: {  	_ =	shalt  }
0x85: {  	_ =	shalt  }
0x86: {  	_ =	shalt  }
0x87: {  	_ =	shalt  }
.Lfunc_end0:
.L_simem_size_0:
called_computation.3_lowered:
.L_overlay_start_0:
0x88: {  	s2 =	sld [smem:$0x3FD9]  }
0x89: {  	s3 =	sld [smem:$0x3FFE];
	_ =	sdelay $0x1  }
0x8a: {  	s1 =	srdreg.scid  }
0x8b: {  	s0 =	sand.u32 $0x1, s1  }
0x8c: {  	s15 =	sshll.u32 s0, $0xA;
	s2 =	sadd.s32 s3, s2  }
0x8d: {  	s2 =	sadd.s32 s2, s15  }
0x8e: {  	[smem:$0x3FC3] =	sst s2  }
0x8f: {  	_ = 	snop  }
0x90: {  	s16 =	sld [smem:$0x3FD0];
	_ =	sdelay $0x2  }
0x91: {  	s4 =	simm.s32 $0xD;
	s5 =	simm.s32 $0x10;
	s2 =	sld [smem:$0x3FC9]  }
0x92: {  	[smem:s5], [sflag:s4] =	dma.local [hbm:s16], $0x1  }
0x93: {  	_ =	swait.eq [sflag:s4], $0x1  }
0x94: {  	[sflag:s4] =	ssyncset.done $0x0  }
0x95: {  	[sflag:s4] =	ssyncadd.s32 $0xFFFFFFFF  }
0x96: {  	s17 =	sld [smem:$0x10];
	(tm) =	ssettm $0x1  }
0x97: {  	s18 =	sld [smem:$0x3FFB];
	_ =	sdelay $0x3  }
0x98: {  	_ =	strace s18  }
0x99: {  	s3 =	sld [smem:$0x3FFC];
	_ =	sdelay $0x3  }
0x9a: {  	_ =	strace s3  }
0x9b: {  	s3 =	sld [smem:$0x3FFD];
	_ =	sdelay $0x3  }
0x9c: {  	_ =	strace s3  }
0x9d: {  	_ =	strace $0x8FFFFFFF  }
0x9e: {  	s19 =	sld [smem:$0x3FDB];
	_ =	sdelay $0x1  }
0x9f: {  	s20 =	simm.s32 $_scs_section_size  }
0xa0: {  	s6 =	simm.s32 $_size__tile_overlayer_lowered;
	s7 =	simm.s32 $_tile_overlayer_lowered  }
0xa1: {  	s8 =	simm.s32 $0x1BFF;
	s21 =	sshll.u32 s7, $0x1;
	s5 =	sadd.s32 s20, s19  }
0xa2: {  	s22 =	simm.s32 $0x0;
	s6 =	sshll.u32 s6, $0x1;
	s7 =	sadd.s32 s21, s5  }
0xa3: {  	[timem:s22], [sflag:s8] =	dma.local [hbm:s7], s6  }
0xa4: {  	_ =	swait.ge [sflag:s8], s6  }
0xa5: {  	s6 =	ssub.s32 $0x0, s6;
	[sflag:s8] =	ssyncset.done $0x0  }
0xa6: {  	[sflag:s8] =	ssyncadd.s32 s6;
	_ =	sdelay $0x1  }
0xa7: {  	s23 =	simm.s32 $0x1B8B  }
0xa8: {  	_ =	swait.ge [sflag:s23], $0x1  }
0xa9: {  	[sflag:s23] =	ssyncset.done $0x0  }
0xaa: {  	[sflag:s23] =	ssyncadd.s32 $0xFFFFFFFF  }
0xab: {  	s6 =	sld [smem:$0x0]  }
0xac: {  	s7 =	sand.u32 $0xFFFFFFFE, s1  }
0xad: {  	p0 =	sne.s32 s1, s7  }
0xae: {  	s7 =	sshll.u32 @p0 s7, $0xE  }
0xaf: {  	s7 =	sadd.s32 @p0 $0x11B8D, s7;
	s8 =	sshll.u32 @p0 s6, $0x11  }
0xb0: {  	s7 =	sor.u32 @p0 s8, s7  }
0xb1: {  	[sflag:s7] =	ssyncadd.remote.s32 @p0 $0x1;
	_ =	sdelay $0x1  }
0xb2: {  	s7 =	simm.s32 @p0 $0x1B8D  }
0xb3: {  	_ =	swait.eq @p0 [sflag:s7], $0x1  }
0xb4: {  	[sflag:s7] =	ssyncadd.s32 @p0 $0xFFFFFFFF  }
0xb5: {  	s8 =	sshll.u32 @!p0 s1, $0xE  }
0xb6: {  	s8 =	sor.u32 @!p0 $0x4000, s8;
	s7 =	simm.s32 @!p0 $0x1B8D  }
0xb7: {  	s6 =	sshll.u32 @!p0 s6, $0x11;
	s8 =	sadd.s32 @!p0 $0x11B8D, s8;
	_ =	swait.eq @!p0 [sflag:s7], $0x1  }
0xb8: {  	s6 =	sor.u32 @!p0 s6, s8;
	[sflag:s7] =	ssyncadd.s32 @!p0 $0xFFFFFFFF  }
0xb9: {  	s25 =	simm.s32 $0x1B8E;
	s24 =	sld [smem:$0x3FFE];
	[sflag:s6] =	ssyncadd.remote.s32 @!p0 $0x1  }
0xba: {  	s26 =	simm.s32 $execute0_lowered;
	[smem:$0x3FD2] =	sst s25  }
0xbb: {  	s7 =	sshll.u32 s26, $0x1;
	_ =	strace $0x8000004C;
	[dreg:$0x1] =	wrdreg $0xFFFFFFFF  }
0xbc: {  	s28 =	simm.s32 $_size_execute0_lowered;
	s5 =	sadd.s32 s5, s7;
	[dreg:$0x0] =	wrdreg $0x0  }
0xbd: {  	s7 =	sshll.u32 s28, $0x1;
	[dreg:$0x2] =	wrdreg s5  }
0xbe: {  	[dreg:$0x3] =	wrdreg s7  }
0xbf: {  	[dreg:$0x4] =	wrdreg $0xC0  }
0xc0: {  	_ =	task [dreg:s22], $0x5FFFF  }
0xc1: {  	[dreg:$0x1] =	wrdreg $0xFFFFFFFF  }
0xc2: {  	[dreg:$0x0] =	wrdreg $0x60  }
0xc3: {  	[dreg:$0x2] =	wrdreg s2  }
0xc4: {  	[dreg:$0x3] =	wrdreg s17  }
0xc5: {  	[dreg:$0x4] =	wrdreg s24  }
0xc6: {  	[dreg:$0x5] =	wrdreg $0xC  }
0xc7: {  	_ =	task.clear_ibuf [dreg:s22], $0x6FFFF;
	_ =	strace $0x9000004C  }
0xc8: {  	s29 =	simm.s32 $0xC;
	_ =	strace $0x8000004E  }
0xc9: {  	_ =	swait.ge [sflag:s29], $0x1  }
0xca: {  	[sflag:s29] =	ssyncadd.s32 $0xFFFFFFFF  }
0xcb: {  	_ =	strace $0x9000004E  }
0xcc: {  	_ =	sfence  }
0xcd: {  	s30 =	sld [smem:$0x0];
	_ =	sdelay $0x2  }
0xce: {  	s31 =	sshll.u32 s1, $0xD;
	s1 =	sshrl.u32 s1, $0x2  }
0xcf: {  	s4 =	sand.u32 $0x4000, s31;
	s1 =	sadd.s32 s1, s30  }
0xd0: {  	s0 =	sor.u32 s4, s0;
	s1 =	sshll.u32 s1, $0x11  }
0xd1: {  	s0 =	sor.u32 s1, s0  }
0xd2: {  	s0 =	sadd.s32 $0x8F2B, s0  }
0xd3: {  	[sflag:s0] =	ssyncadd.remote.s32 $0x1  }
0xd4: {  	_ =	sfence.sel $0xFFFF  }
0xd5: {  	[dreg:$0x0] =	wrdreg $0xFFFFFFFF;
	(pc) =	sbr.abs _section_cstart, $3  }
0xd6: {  	[dreg:$0x1] =	wrdreg $0xFFFFFFFF  }
0xd7: {  	_ =	task.clear_ibuf [dreg:s22], $0x2FFFF;
	_ =	strace $0x9FFFFFFF  }
0xd8: {  	(tm) =	ssettm $0x7FFFFFFF  }
0xd9: {  	_ =	shalt  }
tec
execute0_lowered:
.L_overlay_start_1:
0x0: {  	(tag) =	ssettag $0x1  }
0x1: {  	s1 =	rddreg [dreg:$0x0]  }
0x2: {  	s0 =	rddreg [dreg:$0x1]  }
0x3: {  	s2 =	srdreg.scid;
	s3 =	stileid.u32  }
0x4: {  	s4 =	rddreg [dreg:$0x2];
	s19 =	simm.s32 $0x2;
	s21 =	simm.s32 $0xA00  }
0x5: {  	s28 =	simm.s32 $0x2A00;
	s29 =	simm.s32 $0x3200;
	s30 =	simm.s32 $0x3A00  }
0x6: {  	s31 =	simm.s32 $0x4200;
	s8 =	simm.s32 $0x5200;
	s10 =	simm.s32 $0x5A00  }
0x7: {  	s11 =	simm.s32 $0x6200;
	s12 =	simm.s32 $0x6A00;
	s13 =	simm.s32 $0x7200  }
0x8: {  	s14 =	simm.s32 $0x7A00;
	s15 =	simm.s32 $0x8A00;
	s16 =	simm.s32 $0x9200  }
0x9: {  	s17 =	simm.s32 $0x9A00;
	s2 =	sand.u32 $0x1, s2;
	s5 =	sshll.u32 s3, $0x1  }
0xa: {  	s18 =	simm.s32 $0xA200;
	s3 =	simm.s32 $0x0;
	s5 =	sor.u32 s2, s5  }
0xb: {  	[smem:$0x7FF] =	sst s3;
	s2 =	ssub.s32 $0x2, s2;
	s6 =	sshll.u32 s5, $0xE  }
0xc: {  	s5 =	sshll.u32 s5, $0x6;
	_ =	strace $0x8000004D;
	s23 =	sshrl.u32 s2, $0x1  }
0xd: {  	s6 =	sadd.s32 s6, s4;
	s0 =	sadd.s32 s0, s5;
	s2 =	ssub.s32 s2, s23  }
0xe: {  	s4 =	sadd.s32 $0x100, s1;
	[dreg:$0x4] =	wrdreg s0;
	s22 =	sadd.s32 $0x100000, s6  }
0xf: {  	s5 =	sadd.s32 $0x200, s1;
	s24 =	sadd.s32 $0x101000, s6;
	[dreg:$0x5] =	wrdreg s22  }
0x10: {  	s23 =	simm.s32 $0x1A00;
	s25 =	sadd.s32 $0x102000, s6;
	[dreg:$0x6] =	wrdreg s24  }
0x11: {  	v2 =	vlaneseq.u32;
	s26 =	sadd.s32 $0x103000, s6;
	s6 =	sadd.s32 $0x300, s1;
	[dreg:$0x7] =	wrdreg s25  }
0x12: {  	vm0 =	vmmov $0xffff;
	v1 =	vshrl.u32 v2, $0x3;
	s7 =	smax.u32 s2, $0x1;
	[dreg:$0x8] =	wrdreg s26;
	s25 =	simm.s32 $0x1  }
0x13: {  	v0 =	vand.u32 $0x7, v2;
	v2 =	vor.u32 $0x8, v2;
	v1 =	vmul.u32 $0x8, v1;
	s26 =	simm.s32 $0x200;
	s22 =	simm.s32 $0x1200;
	s24 =	simm.s32 $0x2200  }
.LBB2_1:
0x14: {  	s20 =	rddreg [dreg:$0x4];
	s0 =	simm.s32 $0x3  }
0x15: {  	[tilespmem:s3], [sflag:$0x3] =	stream.linear.gather [hbm4b:s20+s3], $0x200, $0x38;
	[tilespmem:$0x10200] =	vst v63  }
0x16: {  	_ =	swait.ge [sflag:s0], $0x200  }
0x17: {  	[sflag:s0] =	ssyncset.done $0x0  }
0x18: {  	[sflag:s0] =	ssyncadd.s32 $0xFFFFFE00  }
0x19: {  	v3 =	vld [tilespmem:$0x0];
	_ =	sdelay $0x4  }
0x1a: {  	v4 =	vshll.u32 v3, $0x3  }
0x1b: {  	v3 =	vand.u32 $0x7, v3;
	v4 =	vand.u32 $0xFFFFFFC0, v4  }
0x1c: {  	v3 =	vor.u32 v3, v4  }
0x1d: {  	v4 =	vperm.xlane v3, v0;
	_ =	sdelay $0x1  }
0x1e: {  	v4 =	vadd.s32 v1, v4;
	_ =	sdelay $0x4  }
0x1f: {  	[tilespmem:s26], [sflag:$0x1] =	stream.indirect_vreg.gather [hbm4b:s1+s3], $0x80, v4, vm0, $0xb8;
	[tilespmem:$0x10200] =	vst v63  }
0x20: {  	v3 =	vperm.xlane v3, v2  }
0x21: {  	[tilespmem:s21], [sflag:$0x1] =	stream.indirect_vreg.gather [hbm4b:s4+s3], $0x80, v4, vm0, $0xb8;
	[tilespmem:$0x10200] =	vst v63  }
0x22: {  	v3 =	vadd.s32 v1, v3  }
0x23: {  	[tilespmem:s22], [sflag:$0x1] =	stream.indirect_vreg.gather [hbm4b:s5+s3], $0x80, v4, vm0, $0xb8;
	[tilespmem:$0x10200] =	vst v63  }
0x24: {  	_ = 	snop  }
0x25: {  	[tilespmem:s23], [sflag:$0x1] =	stream.indirect_vreg.gather [hbm4b:s6+s3], $0x80, v4, vm0, $0xb8;
	[tilespmem:$0x10200] =	vst v63  }
0x26: {  	_ = 	snop  }
0x27: {  	[tilespmem:s24], [sflag:$0x1] =	stream.indirect_vreg.gather [hbm4b:s1+s3], $0x80, v3, vm0, $0xb8;
	[tilespmem:$0x10200] =	vst v63  }
0x28: {  	_ = 	snop  }
0x29: {  	[tilespmem:s28], [sflag:$0x1] =	stream.indirect_vreg.gather [hbm4b:s4+s3], $0x80, v3, vm0, $0xb8;
	[tilespmem:$0x10200] =	vst v63  }
0x2a: {  	_ = 	snop  }
0x2b: {  	[tilespmem:s29], [sflag:$0x1] =	stream.indirect_vreg.gather [hbm4b:s5+s3], $0x80, v3, vm0, $0xb8;
	[tilespmem:$0x10200] =	vst v63  }
0x2c: {  	_ = 	snop  }
0x2d: {  	[tilespmem:s30], [sflag:$0x1] =	stream.indirect_vreg.gather [hbm4b:s6+s3], $0x80, v3, vm0, $0xb8;
	[tilespmem:$0x10200] =	vst v63  }
0x2e: {  	v3 =	vld [tilespmem:$0x10];
	_ =	sdelay $0x4  }
0x2f: {  	v57 =	vshll.u32 v3, $0x3  }
0x30: {  	v3 =	vand.u32 $0x7, v3;
	v4 =	vand.u32 $0xFFFFFFC0, v57  }
0x31: {  	v3 =	vor.u32 v3, v4  }
0x32: {  	v4 =	vperm.xlane v3, v0;
	_ =	sdelay $0x1  }
0x33: {  	v4 =	vadd.s32 v1, v4;
	_ =	sdelay $0x4  }
0x34: {  	[tilespmem:s31], [sflag:$0x1] =	stream.indirect_vreg.gather [hbm4b:s1+s3], $0x80, v4, vm0, $0xb8;
	[tilespmem:$0x10200] =	vst v63  }
0x35: {  	s2 =	simm.s32 $0x4A00;
	v3 =	vperm.xlane v3, v2  }
0x36: {  	[tilespmem:s2], [sflag:$0x1] =	stream.indirect_vreg.gather [hbm4b:s4+s3], $0x80, v4, vm0, $0xb8;
	[tilespmem:$0x10200] =	vst v63  }
0x37: {  	v3 =	vadd.s32 v1, v3  }
0x38: {  	[tilespmem:s8], [sflag:$0x1] =	stream.indirect_vreg.gather [hbm4b:s5+s3], $0x80, v4, vm0, $0xb8;
	[tilespmem:$0x10200] =	vst v63  }
0x39: {  	_ = 	snop  }
0x3a: {  	[tilespmem:s10], [sflag:$0x1] =	stream.indirect_vreg.gather [hbm4b:s6+s3], $0x80, v4, vm0, $0xb8;
	[tilespmem:$0x10200] =	vst v63  }
0x3b: {  	_ = 	snop  }
0x3c: {  	[tilespmem:s11], [sflag:$0x1] =	stream.indirect_vreg.gather [hbm4b:s1+s3], $0x80, v3, vm0, $0xb8;
	[tilespmem:$0x10200] =	vst v63  }
0x3d: {  	_ = 	snop  }
0x3e: {  	[tilespmem:s12], [sflag:$0x1] =	stream.indirect_vreg.gather [hbm4b:s4+s3], $0x80, v3, vm0, $0xb8;
	[tilespmem:$0x10200] =	vst v63  }
0x3f: {  	_ = 	snop  }
0x40: {  	[tilespmem:s13], [sflag:$0x1] =	stream.indirect_vreg.gather [hbm4b:s5+s3], $0x80, v3, vm0, $0xb8;
	[tilespmem:$0x10200] =	vst v63  }
0x41: {  	_ = 	snop  }
0x42: {  	[tilespmem:s14], [sflag:$0x1] =	stream.indirect_vreg.gather [hbm4b:s6+s3], $0x80, v3, vm0, $0xb8;
	[tilespmem:$0x10200] =	vst v63  }
0x43: {  	_ =	swait.ge [sflag:s25], $0x8000  }
0x44: {  	[sflag:s25] =	ssyncset.done $0x0  }
0x45: {  	[sflag:s25] =	ssyncadd.s32 $0xFFFF8000  }
0x46: {  	v3 =	vld [tilespmem:$0x80];
	_ =	sdelay $0x4  }
0x47: {  	v58 =	vshll.u32 v3, $0x3  }
0x48: {  	v3 =	vand.u32 $0x7, v3;
	v4 =	vand.u32 $0xFFFFFFC0, v58  }
0x49: {  	v3 =	vor.u32 v3, v4  }
0x4a: {  	v4 =	vperm.xlane v3, v0;
	_ =	sdelay $0x1  }
0x4b: {  	v4 =	vadd.s32 v1, v4;
	_ =	sdelay $0x3  }
0x4c: {  	s0 =	simm.s32 $0x8200  }
0x4d: {  	[tilespmem:s0], [sflag:$0x1] =	stream.indirect_vreg.gather [hbm4b:s1+s3], $0x80, v4, vm0, $0xb8;
	[tilespmem:$0x10200] =	vst v63  }
0x4e: {  	v3 =	vperm.xlane v3, v2  }
0x4f: {  	[tilespmem:s15], [sflag:$0x1] =	stream.indirect_vreg.gather [hbm4b:s4+s3], $0x80, v4, vm0, $0xb8;
	[tilespmem:$0x10200] =	vst v63  }
0x50: {  	v3 =	vadd.s32 v1, v3  }
0x51: {  	[tilespmem:s16], [sflag:$0x1] =	stream.indirect_vreg.gather [hbm4b:s5+s3], $0x80, v4, vm0, $0xb8;
	[tilespmem:$0x10200] =	vst v63  }
0x52: {  	_ = 	snop  }
0x53: {  	[tilespmem:s17], [sflag:$0x1] =	stream.indirect_vreg.gather [hbm4b:s6+s3], $0x80, v4, vm0, $0xb8;
	[tilespmem:$0x10200] =	vst v63  }
0x54: {  	_ = 	snop  }
0x55: {  	[tilespmem:s18], [sflag:$0x1] =	stream.indirect_vreg.gather [hbm4b:s1+s3], $0x80, v3, vm0, $0xb8;
	[tilespmem:$0x10200] =	vst v63  }
0x56: {  	s9 =	simm.s32 $0xAA00  }
0x57: {  	[tilespmem:s9], [sflag:$0x1] =	stream.indirect_vreg.gather [hbm4b:s4+s3], $0x80, v3, vm0, $0xb8;
	[tilespmem:$0x10200] =	vst v63  }
0x58: {  	s20 =	simm.s32 $0xB200  }
0x59: {  	[tilespmem:s20], [sflag:$0x1] =	stream.indirect_vreg.gather [hbm4b:s5+s3], $0x80, v3, vm0, $0xb8;
	[tilespmem:$0x10200] =	vst v63  }
0x5a: {  	s9 =	simm.s32 $0xBA00  }
0x5b: {  	[tilespmem:s9], [sflag:$0x1] =	stream.indirect_vreg.gather [hbm4b:s6+s3], $0x80, v3, vm0, $0xb8;
	[tilespmem:$0x10200] =	vst v63  }
0x5c: {  	v3 =	vld [tilespmem:$0x90];
	_ =	sdelay $0x4  }
0x5d: {  	v59 =	vshll.u32 v3, $0x3  }
0x5e: {  	v3 =	vand.u32 $0x7, v3;
	v4 =	vand.u32 $0xFFFFFFC0, v59  }
0x5f: {  	v3 =	vor.u32 v3, v4  }
0x60: {  	v4 =	vperm.xlane v3, v0;
	_ =	sdelay $0x1  }
0x61: {  	v4 =	vadd.s32 v1, v4;
	_ =	sdelay $0x3  }
0x62: {  	s9 =	simm.s32 $0xC200  }
0x63: {  	[tilespmem:s9], [sflag:$0x1] =	stream.indirect_vreg.gather [hbm4b:s1+s3], $0x80, v4, vm0, $0xb8;
	[tilespmem:$0x10200] =	vst v63  }
0x64: {  	v3 =	vperm.xlane v3, v2;
	s9 =	simm.s32 $0xCA00  }
0x65: {  	[tilespmem:s9], [sflag:$0x1] =	stream.indirect_vreg.gather [hbm4b:s4+s3], $0x80, v4, vm0, $0xb8;
	[tilespmem:$0x10200] =	vst v63  }
0x66: {  	v3 =	vadd.s32 v1, v3;
	s9 =	simm.s32 $0xD200  }
0x67: {  	[tilespmem:s9], [sflag:$0x1] =	stream.indirect_vreg.gather [hbm4b:s5+s3], $0x80, v4, vm0, $0xb8;
	[tilespmem:$0x10200] =	vst v63  }
0x68: {  	s9 =	simm.s32 $0xDA00  }
0x69: {  	[tilespmem:s9], [sflag:$0x1] =	stream.indirect_vreg.gather [hbm4b:s6+s3], $0x80, v4, vm0, $0xb8;
	[tilespmem:$0x10200] =	vst v63  }
0x6a: {  	s9 =	simm.s32 $0xE200  }
0x6b: {  	[tilespmem:s9], [sflag:$0x1] =	stream.indirect_vreg.gather [hbm4b:s1+s3], $0x80, v3, vm0, $0xb8;
	[tilespmem:$0x10200] =	vst v63  }
0x6c: {  	s9 =	simm.s32 $0xEA00  }
0x6d: {  	[tilespmem:s9], [sflag:$0x1] =	stream.indirect_vreg.gather [hbm4b:s4+s3], $0x80, v3, vm0, $0xb8;
	[tilespmem:$0x10200] =	vst v63  }
0x6e: {  	s9 =	simm.s32 $0xF200  }
0x6f: {  	[tilespmem:s9], [sflag:$0x1] =	stream.indirect_vreg.gather [hbm4b:s5+s3], $0x80, v3, vm0, $0xb8;
	[tilespmem:$0x10200] =	vst v63  }
0x70: {  	s9 =	simm.s32 $0xFA00  }
0x71: {  	[tilespmem:s9], [sflag:$0x1] =	stream.indirect_vreg.gather [hbm4b:s6+s3], $0x80, v3, vm0, $0xb8;
	[tilespmem:$0x10200] =	vst v63  }
0x72: {  	s20 =	rddreg [dreg:$0x5]  }
0x73: {  	[hbm4b:s20+s3] =	stream.linear.scatter [tilespmem:s26], [sflag:$0x2], $0x8000, $0x38;
	[tilespmem:$0x10200] =	vst v63  }
0x74: {  	_ =	swait.ge [sflag:s25], $0x8000  }
0x75: {  	[sflag:s25] =	ssyncset.done $0x0  }
0x76: {  	[sflag:s25] =	ssyncadd.s32 $0xFFFF8000  }
0x77: {  	_ =	swait.ge [sflag:s19], $0x8000  }
0x78: {  	[sflag:s19] =	ssyncset.done $0x0  }
0x79: {  	[sflag:s19] =	ssyncadd.s32 $0xFFFF8000  }
0x7a: {  	v3 =	vld [tilespmem:$0x100];
	_ =	sdelay $0x4  }
0x7b: {  	v60 =	vshll.u32 v3, $0x3  }
0x7c: {  	v3 =	vand.u32 $0x7, v3;
	v4 =	vand.u32 $0xFFFFFFC0, v60  }
0x7d: {  	v3 =	vor.u32 v3, v4  }
0x7e: {  	v4 =	vperm.xlane v3, v0;
	_ =	sdelay $0x1  }
0x7f: {  	v4 =	vadd.s32 v1, v4;
	_ =	sdelay $0x4  }
0x80: {  	[tilespmem:s26], [sflag:$0x1] =	stream.indirect_vreg.gather [hbm4b:s1+s3], $0x80, v4, vm0, $0xb8;
	[tilespmem:$0x10200] =	vst v63  }
0x81: {  	v3 =	vperm.xlane v3, v2  }
0x82: {  	[tilespmem:s21], [sflag:$0x1] =	stream.indirect_vreg.gather [hbm4b:s4+s3], $0x80, v4, vm0, $0xb8;
	[tilespmem:$0x10200] =	vst v63  }
0x83: {  	v3 =	vadd.s32 v1, v3  }
0x84: {  	[tilespmem:s22], [sflag:$0x1] =	stream.indirect_vreg.gather [hbm4b:s5+s3], $0x80, v4, vm0, $0xb8;
	[tilespmem:$0x10200] =	vst v63  }
0x85: {  	_ = 	snop  }
0x86: {  	[tilespmem:s23], [sflag:$0x1] =	stream.indirect_vreg.gather [hbm4b:s6+s3], $0x80, v4, vm0, $0xb8;
	[tilespmem:$0x10200] =	vst v63  }
0x87: {  	_ = 	snop  }
0x88: {  	[tilespmem:s24], [sflag:$0x1] =	stream.indirect_vreg.gather [hbm4b:s1+s3], $0x80, v3, vm0, $0xb8;
	[tilespmem:$0x10200] =	vst v63  }
0x89: {  	_ = 	snop  }
0x8a: {  	[tilespmem:s28], [sflag:$0x1] =	stream.indirect_vreg.gather [hbm4b:s4+s3], $0x80, v3, vm0, $0xb8;
	[tilespmem:$0x10200] =	vst v63  }
0x8b: {  	_ = 	snop  }
0x8c: {  	[tilespmem:s29], [sflag:$0x1] =	stream.indirect_vreg.gather [hbm4b:s5+s3], $0x80, v3, vm0, $0xb8;
	[tilespmem:$0x10200] =	vst v63  }
0x8d: {  	_ = 	snop  }
0x8e: {  	[tilespmem:s30], [sflag:$0x1] =	stream.indirect_vreg.gather [hbm4b:s6+s3], $0x80, v3, vm0, $0xb8;
	[tilespmem:$0x10200] =	vst v63  }
0x8f: {  	v3 =	vld [tilespmem:$0x110];
	_ =	sdelay $0x4  }
0x90: {  	v61 =	vshll.u32 v3, $0x3  }
0x91: {  	v3 =	vand.u32 $0x7, v3;
	v4 =	vand.u32 $0xFFFFFFC0, v61  }
0x92: {  	v3 =	vor.u32 v3, v4  }
0x93: {  	v4 =	vperm.xlane v3, v0;
	_ =	sdelay $0x1  }
0x94: {  	v4 =	vadd.s32 v1, v4;
	_ =	sdelay $0x4  }
0x95: {  	[tilespmem:s31], [sflag:$0x1] =	stream.indirect_vreg.gather [hbm4b:s1+s3], $0x80, v4, vm0, $0xb8;
	[tilespmem:$0x10200] =	vst v63  }
0x96: {  	v3 =	vperm.xlane v3, v2  }
0x97: {  	[tilespmem:s2], [sflag:$0x1] =	stream.indirect_vreg.gather [hbm4b:s4+s3], $0x80, v4, vm0, $0xb8;
	[tilespmem:$0x10200] =	vst v63  }
0x98: {  	v3 =	vadd.s32 v1, v3  }
0x99: {  	[tilespmem:s8], [sflag:$0x1] =	stream.indirect_vreg.gather [hbm4b:s5+s3], $0x80, v4, vm0, $0xb8;
	[tilespmem:$0x10200] =	vst v63  }
0x9a: {  	_ = 	snop  }
0x9b: {  	[tilespmem:s10], [sflag:$0x1] =	stream.indirect_vreg.gather [hbm4b:s6+s3], $0x80, v4, vm0, $0xb8;
	[tilespmem:$0x10200] =	vst v63  }
0x9c: {  	_ = 	snop  }
0x9d: {  	[tilespmem:s11], [sflag:$0x1] =	stream.indirect_vreg.gather [hbm4b:s1+s3], $0x80, v3, vm0, $0xb8;
	[tilespmem:$0x10200] =	vst v63  }
0x9e: {  	_ = 	snop  }
0x9f: {  	[tilespmem:s12], [sflag:$0x1] =	stream.indirect_vreg.gather [hbm4b:s4+s3], $0x80, v3, vm0, $0xb8;
	[tilespmem:$0x10200] =	vst v63  }
0xa0: {  	_ = 	snop  }
0xa1: {  	[tilespmem:s13], [sflag:$0x1] =	stream.indirect_vreg.gather [hbm4b:s5+s3], $0x80, v3, vm0, $0xb8;
	[tilespmem:$0x10200] =	vst v63  }
0xa2: {  	_ = 	snop  }
0xa3: {  	[tilespmem:s14], [sflag:$0x1] =	stream.indirect_vreg.gather [hbm4b:s6+s3], $0x80, v3, vm0, $0xb8;
	[tilespmem:$0x10200] =	vst v63  }
0xa4: {  	s2 =	rddreg [dreg:$0x6]  }
0xa5: {  	[hbm4b:s2+s3] =	stream.linear.scatter [tilespmem:s0], [sflag:$0x2], $0x8000, $0x38;
	[tilespmem:$0x10200] =	vst v63  }
0xa6: {  	_ =	swait.ge [sflag:s25], $0x8000  }
0xa7: {  	[sflag:s25] =	ssyncset.done $0x0  }
0xa8: {  	[sflag:s25] =	ssyncadd.s32 $0xFFFF8000  }
0xa9: {  	_ =	swait.ge [sflag:s19], $0x8000  }
0xaa: {  	[sflag:s19] =	ssyncset.done $0x0  }
0xab: {  	[sflag:s19] =	ssyncadd.s32 $0xFFFF8000  }
0xac: {  	v3 =	vld [tilespmem:$0x180];
	_ =	sdelay $0x4  }
0xad: {  	v62 =	vshll.u32 v3, $0x3  }
0xae: {  	v3 =	vand.u32 $0x7, v3;
	v4 =	vand.u32 $0xFFFFFFC0, v62  }
0xaf: {  	v3 =	vor.u32 v3, v4  }
0xb0: {  	v4 =	vperm.xlane v3, v0;
	_ =	sdelay $0x1  }
0xb1: {  	v4 =	vadd.s32 v1, v4;
	_ =	sdelay $0x4  }
0xb2: {  	[tilespmem:s0], [sflag:$0x1] =	stream.indirect_vreg.gather [hbm4b:s1+s3], $0x80, v4, vm0, $0xb8;
	[tilespmem:$0x10200] =	vst v63  }
0xb3: {  	v3 =	vperm.xlane v3, v2  }
0xb4: {  	[tilespmem:s15], [sflag:$0x1] =	stream.indirect_vreg.gather [hbm4b:s4+s3], $0x80, v4, vm0, $0xb8;
	[tilespmem:$0x10200] =	vst v63  }
0xb5: {  	v3 =	vadd.s32 v1, v3  }
0xb6: {  	[tilespmem:s16], [sflag:$0x1] =	stream.indirect_vreg.gather [hbm4b:s5+s3], $0x80, v4, vm0, $0xb8;
	[tilespmem:$0x10200] =	vst v63  }
0xb7: {  	_ = 	snop  }
0xb8: {  	[tilespmem:s17], [sflag:$0x1] =	stream.indirect_vreg.gather [hbm4b:s6+s3], $0x80, v4, vm0, $0xb8;
	[tilespmem:$0x10200] =	vst v63  }
0xb9: {  	_ = 	snop  }
0xba: {  	[tilespmem:s18], [sflag:$0x1] =	stream.indirect_vreg.gather [hbm4b:s1+s3], $0x80, v3, vm0, $0xb8;
	[tilespmem:$0x10200] =	vst v63  }
0xbb: {  	s20 =	simm.s32 $0xAA00  }
0xbc: {  	[tilespmem:s20], [sflag:$0x1] =	stream.indirect_vreg.gather [hbm4b:s4+s3], $0x80, v3, vm0, $0xb8;
	[tilespmem:$0x10200] =	vst v63  }
0xbd: {  	s20 =	simm.s32 $0xB200  }
0xbe: {  	[tilespmem:s20], [sflag:$0x1] =	stream.indirect_vreg.gather [hbm4b:s5+s3], $0x80, v3, vm0, $0xb8;
	[tilespmem:$0x10200] =	vst v63  }
0xbf: {  	s20 =	simm.s32 $0xBA00  }
0xc0: {  	[tilespmem:s20], [sflag:$0x1] =	stream.indirect_vreg.gather [hbm4b:s6+s3], $0x80, v3, vm0, $0xb8;
	[tilespmem:$0x10200] =	vst v63  }
0xc1: {  	v3 =	vld [tilespmem:$0x190];
	_ =	sdelay $0x4  }
0xc2: {  	v63 =	vshll.u32 v3, $0x3  }
0xc3: {  	v3 =	vand.u32 $0x7, v3;
	v4 =	vand.u32 $0xFFFFFFC0, v63  }
0xc4: {  	v3 =	vor.u32 v3, v4  }
0xc5: {  	v4 =	vperm.xlane v3, v0;
	_ =	sdelay $0x1  }
0xc6: {  	v4 =	vadd.s32 v1, v4;
	_ =	sdelay $0x3  }
0xc7: {  	s20 =	simm.s32 $0xC200  }
0xc8: {  	[tilespmem:s20], [sflag:$0x1] =	stream.indirect_vreg.gather [hbm4b:s1+s3], $0x80, v4, vm0, $0xb8;
	[tilespmem:$0x10200] =	vst v63  }
0xc9: {  	v3 =	vperm.xlane v3, v2;
	s20 =	simm.s32 $0xCA00  }
0xca: {  	[tilespmem:s20], [sflag:$0x1] =	stream.indirect_vreg.gather [hbm4b:s4+s3], $0x80, v4, vm0, $0xb8;
	[tilespmem:$0x10200] =	vst v63  }
0xcb: {  	v3 =	vadd.s32 v1, v3;
	s20 =	simm.s32 $0xD200  }
0xcc: {  	[tilespmem:s20], [sflag:$0x1] =	stream.indirect_vreg.gather [hbm4b:s5+s3], $0x80, v4, vm0, $0xb8;
	[tilespmem:$0x10200] =	vst v63  }
0xcd: {  	s20 =	simm.s32 $0xDA00  }
0xce: {  	[tilespmem:s20], [sflag:$0x1] =	stream.indirect_vreg.gather [hbm4b:s6+s3], $0x80, v4, vm0, $0xb8;
	[tilespmem:$0x10200] =	vst v63  }
0xcf: {  	s20 =	simm.s32 $0xE200  }
0xd0: {  	[tilespmem:s20], [sflag:$0x1] =	stream.indirect_vreg.gather [hbm4b:s1+s3], $0x80, v3, vm0, $0xb8;
	[tilespmem:$0x10200] =	vst v63  }
0xd1: {  	s20 =	simm.s32 $0xEA00  }
0xd2: {  	[tilespmem:s20], [sflag:$0x1] =	stream.indirect_vreg.gather [hbm4b:s4+s3], $0x80, v3, vm0, $0xb8;
	[tilespmem:$0x10200] =	vst v63  }
0xd3: {  	s20 =	simm.s32 $0xF200  }
0xd4: {  	[tilespmem:s20], [sflag:$0x1] =	stream.indirect_vreg.gather [hbm4b:s5+s3], $0x80, v3, vm0, $0xb8;
	[tilespmem:$0x10200] =	vst v63  }
0xd5: {  	s9 =	simm.s32 $0xFA00  }
0xd6: {  	[tilespmem:s9], [sflag:$0x1] =	stream.indirect_vreg.gather [hbm4b:s6+s3], $0x80, v3, vm0, $0xb8;
	[tilespmem:$0x10200] =	vst v63  }
0xd7: {  	s2 =	rddreg [dreg:$0x7]  }
0xd8: {  	[hbm4b:s2+s3] =	stream.linear.scatter [tilespmem:s26], [sflag:$0x2], $0x8000, $0x38;
	[tilespmem:$0x10200] =	vst v63  }
0xd9: {  	_ =	swait.ge [sflag:s25], $0x8000  }
0xda: {  	[sflag:s25] =	ssyncset.done $0x0  }
0xdb: {  	s9 =	rddreg [dreg:$0x8];
	[sflag:s25] =	ssyncadd.s32 $0xFFFF8000  }
0xdc: {  	[hbm4b:s9+s3] =	stream.linear.scatter [tilespmem:s0], [sflag:$0x2], $0x8000, $0x38;
	[tilespmem:$0x10200] =	vst v63  }
0xdd: {  	p0 =	sne.s32 s7, $0x1;
	_ =	swait.ge [sflag:s19], $0x8000  }
.Ltmp0:
0xde: {  	[sflag:s19] =	ssyncset.done $0x0;
	(pc) =	sbr.rel @p0 .LBB2_1-.Ltmp0, $4  }
0xdf: {  	[sflag:s19] =	ssyncadd.s32 $0xFFFF8000  }
0xe0: {  	_ =	swait.ge [sflag:s19], $0x8000  }
0xe1: {  	[sflag:s19] =	ssyncset.done $0x0  }
0xe2: {  	s7 =	sadd.s32 $0xFFFFFFFF, s7;
	[sflag:s19] =	ssyncadd.s32 $0xFFFF8000  }
0xe3: {  	_ =	sfence.sel $0x180000  }
0xe4: {  	[bflag:$0x0] =	sbarrier.arrive $0xFFFF  }
0xe5: {  	_ =	strace $0x9000004D  }
0xe6: {  	s0 =	stileid.u32;
	[bflag:$0x2] =	sbarrier.arrive $0xFFFF  }
0xe7: {  	p0 =	sne.s32 s0, $0x0;
	s0 =	rddreg [dreg:$0x3]  }
0xe8: {  	s0 =	sadd.s32 @!p0 $0x100000, s0  }
0xe9: {  	[sflag:s0] =	ssyncadd.tile.s32 @!p0 $0x1;
	_ =	shalt  }
.Lfunc_end2:
_tile_overlayer_lowered:
.L_overlay_start_2:
0xea: {  	(tag) =	ssettag $0x2  }
0xeb: {  	s0 =	rddreg [dreg:$0x0];
	s2 =	stileid.u32  }
0xec: {  	s1 =	rddreg [dreg:$0x1];
	p0 =	sne.s32 s2, $0x0  }
0xed: {  	s3 =	rddreg [dreg:$0x2];
	[bflag:$0x3] =	sbarrier.arrive $0xFFFF;
	s2 =	simm.s32 @!p0 $0x1C03  }
0xee: {  	[timem:s3], [sflag:s2] =	dma.local @!p0 [hbm:s0], s1  }
0xef: {  	s0 =	simm.s32 @!p0 $0x3  }
0xf0: {  	_ =	swait.ge @!p0 [sflag:s0], s1  }
0xf1: {  	s1 =	ssub.s32 @!p0 $0x0, s1;
	[sflag:s0] =	ssyncset.done @!p0 $0x0  }
0xf2: {  	[sflag:s0] =	ssyncadd.s32 @!p0 s1  }
0xf3: {  	[bflag:$0x3] =	sbarrier.arrive $0xFFFF  }
0xf4: {  	_ =	shalt  }

</sc_bundles>
